<compile_context>
chip_gen: v7x
topology: tpu7x:2x2x1
jax: 0.10.2.dev20260603
libtpu: 0.0.44.dev20260713+nightly
codegen_flags: <defaults>
</compile_context>

<pallas_src>
import functools

import jax
import jax.numpy as jnp
from jax import lax
from jax.experimental import pallas as pl
from jax.experimental.pallas import tpu as pltpu
from jax.experimental.pallas import tpu_sc as plsc

N = 10000
E = 320000
EPS = 1e-5

NC = 2
NS = 16
NW = NC * NS
CHUNK = 128
CPW = 80
CPW0 = 112
CPW1 = 48
TOTC = NS * (CPW0 + CPW1)
E_PAD = TOTC * CHUNK
ACC_ROWS = 10240
TRASH = N
RPS = ACC_ROWS // NS

def _deg_body(dst_hbm, cnt_out, hist, i0, i1, isem0, isem1):
    c = lax.axis_index("c")
    s = lax.axis_index("s")
    wid = s * NC + c
    idx = (i0, i1)
    isem = (isem0, isem1)
    z16 = jnp.zeros((16,), jnp.float32)
    one16 = jnp.full((16,), 1.0, jnp.float32)

    def zr(i, _):
        hist[pl.ds(i * 16, 16)] = z16
        return 0
    lax.fori_loop(0, ACC_ROWS // 16, zr, 0)

    def fetch(k, b):
        pltpu.async_copy(dst_hbm.at[wid, k], idx[b], isem[b])

    def waiti(b):
        pltpu.make_async_copy(dst_hbm.at[0, 0], idx[b], isem[b]).wait()

    fetch(0, 0)

    def pair(o, _):
        for b in range(2):
            k = 2 * o + b
            waiti(b)

            @pl.when(k + 1 < CPW)
            def _():
                fetch(k + 1, 1 - b)
            for j in range(CHUNK // 16):
                iv = idx[b][pl.ds(j * 16, 16)]
                plsc.addupdate_scatter(hist, [iv], one16)
        return 0
    lax.fori_loop(0, CPW // 2, pair, 0)
    pltpu.sync_copy(hist, cnt_out.at[wid])


@functools.cache
def _get_deg():
    mesh = plsc.VectorSubcoreMesh(
        core_axis_name="c", subcore_axis_name="s",
        num_cores=NC, num_subcores=NS)
    return pl.kernel(
        _deg_body,
        out_type=jax.ShapeDtypeStruct((NW, ACC_ROWS), jnp.float32),
        mesh=mesh,
        compiler_params=pltpu.CompilerParams(needs_layout_passes=False),
        scratch_types=[
            pltpu.VMEM((ACC_ROWS,), jnp.float32),
            pltpu.VMEM((CHUNK,), jnp.int32),
            pltpu.VMEM((CHUNK,), jnp.int32),
            pltpu.SemaphoreType.DMA,
            pltpu.SemaphoreType.DMA,
        ],
    )


def _agg_body(u_hbm, src_hbm, dst_hbm, zeros128_hbm, part_out,
              rows0, rows1, is0, is1, id0, id1,
              gsem0, gsem1, isem0, isem1, acc):
    c = lax.axis_index("c")
    s = lax.axis_index("s")
    rows = (rows0, rows1)
    isrc = (is0, is1)
    idst = (id0, id1)
    gsem = (gsem0, gsem1)
    isem = (isem0, isem1)

    pltpu.sync_copy(zeros128_hbm, rows0)
    for b in range(RPS // CHUNK):
        pltpu.sync_copy(rows0, acc.at[pl.ds(s * RPS + b * CHUNK, CHUNK)])
    rem = RPS % CHUNK
    if rem:
        pltpu.sync_copy(rows0.at[pl.ds(0, rem)],
                        acc.at[pl.ds(s * RPS + RPS - rem, rem)])
    plsc.subcore_barrier()

    def run_pipeline(cbase, n):
        def fetch_idx(k, b):
            pltpu.async_copy(src_hbm.at[cbase + k], isrc[b], isem[b])
            pltpu.async_copy(dst_hbm.at[cbase + k], idst[b], isem[b])

        def wait_idx(b):
            pltpu.make_async_copy(src_hbm.at[0], isrc[b], isem[b]).wait()
            pltpu.make_async_copy(dst_hbm.at[0], idst[b], isem[b]).wait()

        def start_gather(b):
            pltpu.async_copy(u_hbm.at[isrc[b]], rows[b], gsem[b])

        def wait_gather(b):
            pltpu.make_async_copy(u_hbm.at[isrc[b]], rows[b], gsem[b]).wait()

        fetch_idx(0, 0)
        fetch_idx(1, 1)
        wait_idx(0)
        start_gather(0)

        def outer(o, _):
            base = 2 * o
            for b in range(2):
                k = base + b
                b1 = 1 - b

                @pl.when(k + 1 < n)
                def _():
                    wait_idx(b1)
                    start_gather(b1)
                wait_gather(b)
                pltpu.sync_copy(rows[b], acc.at[idst[b]], add=True)

                @pl.when(k + 2 < n)
                def _():
                    fetch_idx(k + 2, b)
            return 0
        lax.fori_loop(0, n // 2, outer, 0)

    @pl.when(c == 0)
    def _():
        run_pipeline(s * CPW0, CPW0)

    @pl.when(c == 1)
    def _():
        cbase = NS * CPW0 + s * CPW1

        def fetch_idx(k, b):
            pltpu.async_copy(src_hbm.at[cbase + k], isrc[b], isem[b])
            pltpu.async_copy(dst_hbm.at[cbase + k], idst[b], isem[b])

        def wait_idx(b):
            pltpu.make_async_copy(src_hbm.at[0], isrc[b], isem[b]).wait()
            pltpu.make_async_copy(dst_hbm.at[0], idst[b], isem[b]).wait()

        fetch_idx(0, 0)

        def pair(o, _):
            for b in range(2):
                k = 2 * o + b
                wait_idx(b)

                @pl.when(k + 1 < CPW1)
                def _():
                    fetch_idx(k + 1, 1 - b)
                pltpu.async_copy(u_hbm.at[isrc[b]], rows0, gsem0).wait()
                pltpu.sync_copy(rows0, acc.at[idst[b]], add=True)
            return 0
        lax.fori_loop(0, CPW1 // 2, pair, 0)
    plsc.subcore_barrier()
    pltpu.sync_copy(acc.at[pl.ds(s * RPS, RPS)],
                    part_out.at[c, pl.ds(s * RPS, RPS)])


@functools.cache
def _get_agg():
    mesh = plsc.VectorSubcoreMesh(
        core_axis_name="c", subcore_axis_name="s",
        num_cores=NC, num_subcores=NS)
    return pl.kernel(
        _agg_body,
        out_type=jax.ShapeDtypeStruct((NC, ACC_ROWS, 128), jnp.float32),
        mesh=mesh,
        scratch_types=[
            pltpu.VMEM((CHUNK, 128), jnp.float32),
            pltpu.VMEM((CHUNK, 128), jnp.float32),
            pltpu.VMEM((CHUNK,), jnp.int32),
            pltpu.VMEM((CHUNK,), jnp.int32),
            pltpu.VMEM((CHUNK,), jnp.int32),
            pltpu.VMEM((CHUNK,), jnp.int32),
            pltpu.SemaphoreType.DMA,
            pltpu.SemaphoreType.DMA,
            pltpu.SemaphoreType.DMA,
            pltpu.SemaphoreType.DMA,
            pltpu.VMEM_SHARED((ACC_ROWS, 128), jnp.float32),
        ],
    )


def _tcA_body(x_ref, w0_ref, b0_ref, w1_ref, cnt_ref, u1_ref, dinv_ref):
    t = jnp.dot(x_ref[:], w0_ref[:], preferred_element_type=jnp.float32)
    t = t + b0_ref[:]
    t1 = jnp.dot(t, w1_ref[:], preferred_element_type=jnp.float32)
    deg_row = jnp.sum(cnt_ref[:], axis=0, keepdims=True) + 1.0
    dinv = lax.rsqrt(jnp.transpose(deg_row))
    dinv_ref[:] = dinv
    u1_ref[:] = dinv * t1


def _bn_relu(y, g, be):
    m = jnp.mean(y, axis=0, keepdims=True)
    d = y - m
    v = jnp.mean(d * d, axis=0, keepdims=True)
    h = g * d * lax.rsqrt(v + EPS) + be
    return jnp.maximum(h, 0.0)


def _tcB_body(p0_ref, p1_ref, u1_ref, dinv_ref, b1_ref, g1_ref, be1_ref,
              w2_ref, u2_ref):
    dinv = dinv_ref[:]
    y = dinv * (p0_ref[:] + p1_ref[:] + u1_ref[:]) + b1_ref[:]
    h = _bn_relu(y, g1_ref[:], be1_ref[:])
    t2 = jnp.dot(h, w2_ref[:], preferred_element_type=jnp.float32)
    u2_ref[:] = dinv * t2


def _tcC_body(p0_ref, p1_ref, u2_ref, dinv_ref, b2_ref, g2_ref, be2_ref,
              wout_ref, bout_ref, out_ref):
    y = dinv_ref[:] * (p0_ref[:] + p1_ref[:] + u2_ref[:]) + b2_ref[:]
    h = _bn_relu(y, g2_ref[:], be2_ref[:])
    logits = jnp.dot(h, wout_ref[:], preferred_element_type=jnp.float32)
    logits = logits + bout_ref[:]
    mx = jnp.max(logits, axis=1, keepdims=True)
    lse = jnp.log(jnp.sum(jnp.exp(logits - mx), axis=1, keepdims=True)) + mx
    out_ref[:] = logits - lse


_tcA = pl.pallas_call(
    _tcA_body,
    out_shape=[jax.ShapeDtypeStruct((N, 128), jnp.float32),
               jax.ShapeDtypeStruct((N, 1), jnp.float32)])

_tcB = pl.pallas_call(
    _tcB_body,
    out_shape=jax.ShapeDtypeStruct((N, 128), jnp.float32))

_tcC = pl.pallas_call(
    _tcC_body,
    out_shape=jax.ShapeDtypeStruct((N, 16), jnp.float32))


def kernel(x, edge_index, W0, b0, W1, b1, W2, b2, g1, be1, g2, be2, Wout, bout):
    src = edge_index[0].astype(jnp.int32)
    dst = edge_index[1].astype(jnp.int32)
    pad = E_PAD - E
    srcp = jnp.concatenate([src, jnp.zeros((pad,), jnp.int32)])
    dstp = jnp.concatenate([dst, jnp.full((pad,), TRASH, jnp.int32)])
    src2 = srcp.reshape(TOTC, CHUNK)
    dst2 = dstp.reshape(TOTC, CHUNK)
    dst3 = dstp.reshape(NW, CPW, CHUNK)

    zeros128 = jnp.zeros((CHUNK, 128), jnp.float32)

    cnt = _get_deg()(dst3)
    u1, dinv = _tcA(x, W0, b0.reshape(1, -1), W1, cnt[:, :N])
    agg = _get_agg()
    part1 = agg(u1, src2, dst2, zeros128)
    u2 = _tcB(part1[0, :N], part1[1, :N], u1, dinv, b1.reshape(1, -1),
              g1.reshape(1, -1), be1.reshape(1, -1), W2)
    part2 = agg(u2, src2, dst2, zeros128)
    out = _tcC(part2[0, :N], part2[1, :N], u2, dinv, b2.reshape(1, -1),
               g2.reshape(1, -1), be2.reshape(1, -1), Wout,
               bout.reshape(1, -1))
    return out

# --- scband reference (transcript-rebuilt; emitter-appended) ---
"""Pipeline reference for scband-gcn-14671608283464 (READ-ONLY COPY).

The authoritative reference and input builder live on the scoring server;
editing this copy changes nothing except your own understanding.
"""

import jax, jax.numpy as jnp
import numpy as np

N_NODES = 10000
N_EDGES = 320000
IN_DIM = 128
HID = 128
NUM_CLASSES = 16
EPS = 1e-5


def setup_inputs(seed: int = 0) -> dict:
    key = jax.random.key(seed)
    ks = jax.random.split(key, 16)
    x = jax.random.normal(ks[0], (N_NODES, IN_DIM), dtype=jnp.float32)
    edge_index = jax.random.randint(ks[1], (2, N_EDGES), 0, N_NODES, dtype=jnp.int64)
    W0 = jax.random.normal(ks[2], (IN_DIM, 512), dtype=jnp.float32) * 0.05
    b0 = jnp.zeros((512,), dtype=jnp.float32)
    W1 = jax.random.normal(ks[3], (512, HID), dtype=jnp.float32) * 0.05
    b1 = jnp.zeros((HID,), dtype=jnp.float32)
    W2 = jax.random.normal(ks[4], (HID, HID), dtype=jnp.float32) * 0.05
    b2 = jnp.zeros((HID,), dtype=jnp.float32)
    g1 = jnp.ones((HID,), dtype=jnp.float32)
    be1 = jnp.zeros((HID,), dtype=jnp.float32)
    g2 = jnp.ones((HID,), dtype=jnp.float32)
    be2 = jnp.zeros((HID,), dtype=jnp.float32)
    Wout = jax.random.normal(ks[5], (HID, NUM_CLASSES), dtype=jnp.float32) * 0.05
    bout = jnp.zeros((NUM_CLASSES,), dtype=jnp.float32)
    return {"x": x, "edge_index": edge_index, "W0": W0, "b0": b0, "W1": W1, "b1": b1,
            "W2": W2, "b2": b2, "g1": g1, "be1": be1, "g2": g2, "be2": be2,
            "Wout": Wout, "bout": bout}


def _gcn_conv(h, W, b, src, dst, n):
    # linear transform first (PyG GCNConv)
    h = h @ W
    # add self loops
    loop = jnp.arange(n, dtype=src.dtype)
    src2 = jnp.concatenate([src, loop])
    dst2 = jnp.concatenate([dst, loop])
    # symmetric normalization D^{-1/2} (A+I) D^{-1/2}
    deg = jnp.zeros((n,), dtype=h.dtype).at[dst2].add(1.0)
    dinv = jnp.where(deg > 0, deg ** -0.5, 0.0)
    norm = dinv[src2] * dinv[dst2]
    msg = h[src2] * norm[:, None]
    out = jnp.zeros((n, h.shape[1]), dtype=h.dtype).at[dst2].add(msg)
    return out + b


def _batch_norm(h, g, b):
    m = jnp.mean(h, axis=0)
    v = jnp.var(h, axis=0)  # biased variance, matches torch BN normalization
    return g * (h - m) / jnp.sqrt(v + EPS) + b


def reference(x, edge_index, W0, b0, W1, b1, W2, b2, g1, be1, g2, be2, Wout, bout):
    src = edge_index[0]
    dst = edge_index[1]
    n = x.shape[0]
    h = x @ W0 + b0
    h = _gcn_conv(h, W1, b1, src, dst, n)
    h = _batch_norm(h, g1, be1)
    h = jax.nn.relu(h)
    # dropout is identity in eval mode
    h = _gcn_conv(h, W2, b2, src, dst, n)
    h = _batch_norm(h, g2, be2)
    h = jax.nn.relu(h)
    h = h @ Wout + bout
    return jax.nn.log_softmax(h, axis=1)

if __name__ == "__main__":
    import jax
    _d = setup_inputs()
    print(jax.jit(kernel)(*tuple(_d.values())))

</pallas_src>

<mosaic_0001>
#map = affine_map<(d0, d1) -> (0, 0, 0)>
#map1 = affine_map<(d0, d1) -> (0, 0)>
module attributes {stable_mosaic.version = 14 : i64} {
  func.func @_deg_body(%arg0: i32, %arg1: i32, %arg2: memref<32x80x128xi32, #tpu.memory_space<hbm>>, %arg3: memref<32x10240xf32, #tpu.memory_space<hbm>>, %arg4: memref<10240xf32, #tpu.memory_space<vmem>>, %arg5: memref<128xi32, #tpu.memory_space<vmem>>, %arg6: memref<128xi32, #tpu.memory_space<vmem>>, %arg7: memref<!tpu.dma_semaphore, #tpu.memory_space<semaphore_mem>>, %arg8: memref<!tpu.dma_semaphore, #tpu.memory_space<semaphore_mem>>) attributes {dimension_semantics = [#tpu.dimension_semantics<core_parallel>, #tpu.dimension_semantics<subcore_parallel>], iteration_bounds = array<i64: 2, 16>, scalar_prefetch = 0 : i64, scratch_operands = 5 : i64, tpu.core_type = #tpu.core_type<sc_vector_subcore>, window_params = [{transform_indices = #map}, {transform_indices = #map1}]} {
    %mul3A = arith.constant 2 : i32
    %mul3A_0 = arith.muli %arg1, %mul3A : i32
    %add3A = arith.addi %mul3A_0, %arg0 : i32
    %broadcast_in_dim3A = arith.constant 0.000000e+00 : f32
    %broadcast_in_dim3A_1 = vector.broadcast %broadcast_in_dim3A : f32 to vector<16xf32>
    %broadcast_in_dim3A_2 = arith.constant 1.000000e+00 : f32
    %broadcast_in_dim3A_3 = vector.broadcast %broadcast_in_dim3A_2 : f32 to vector<16xf32>
    %scan3A = arith.constant 0 : i32
    %scan3A_4 = arith.constant 0 : i32
    %scan3A_5 = arith.constant 640 : i32
    %scan3A_6 = arith.addi %scan3A_4, %scan3A_5 : i32
    %scan3A_7 = arith.constant 1 : i32
    %scan3A_8 = scf.for %scan3A_23 = %scan3A_4 to %scan3A_6 step %scan3A_7 iter_args(%scan3A_24 = %scan3A) -> (i32)  : i32 {
      %mul3A_25 = arith.constant 16 : i32
      %mul3A_26 = arith.muli %scan3A_23, %mul3A_25 : i32
      %swap3A = arith.index_cast %mul3A_26 : i32 to index
      %swap3A_27 = tpu.vector_load %arg4[%swap3A] {strides = array<i32>} : memref<10240xf32, #tpu.memory_space<vmem>>, vector<16xf32>,
      tpu.vector_store %arg4[%swap3A], %broadcast_in_dim3A_1 {strides = array<i32>} : memref<10240xf32, #tpu.memory_space<vmem>>, vector<16xf32>,
      %scan3A_28 = arith.constant 0 : i32
      scf.yield %scan3A_28 : i32
    }
    %scan3A_9 = arith.constant 640 : i32
    %dma_start3A = arith.constant 0 : i32
    %dma_start3A_10 = arith.constant 0 : i32
    %dma_start3A_11 = tpu.memref_slice %arg2[%add3A, %dma_start3A, %dma_start3A_10] : memref<32x80x128xi32, #tpu.memory_space<hbm>> -> memref<1x1x128xi32, #tpu.memory_space<hbm>>
    %dma_start3A_12 = tpu.memref_squeeze %dma_start3A_11 : memref<1x1x128xi32, #tpu.memory_space<hbm>> -> memref<128xi32, #tpu.memory_space<hbm>>
    %dma_start3A_13 = arith.constant 0 : i32
    %dma_start3A_14 = tpu.memref_slice %arg2[%add3A, %dma_start3A, %dma_start3A_13] : memref<32x80x128xi32, #tpu.memory_space<hbm>> -> memref<1x1x128xi32, #tpu.memory_space<hbm>>
    %dma_start3A_15 = tpu.memref_squeeze %dma_start3A_14 : memref<1x1x128xi32, #tpu.memory_space<hbm>> -> memref<128xi32, #tpu.memory_space<hbm>>
    tpu.enqueue_dma source(%dma_start3A_15 : memref<128xi32, #tpu.memory_space<hbm>>) target(%arg5 : memref<128xi32, #tpu.memory_space<vmem>>) target_semaphore(%arg7 : memref<!tpu.dma_semaphore, #tpu.memory_space<semaphore_mem>>)
    %scan3A_16 = arith.constant 0 : i32
    %scan3A_17 = arith.constant 0 : i32
    %scan3A_18 = arith.constant 40 : i32
    %scan3A_19 = arith.addi %scan3A_17, %scan3A_18 : i32
    %scan3A_20 = arith.constant 1 : i32
    %scan3A_21 = scf.for %scan3A_23 = %scan3A_17 to %scan3A_19 step %scan3A_20 iter_args(%scan3A_24 = %scan3A_16) -> (i32)  : i32 {
      %mul3A_25 = arith.constant 2 : i32
      %mul3A_26 = arith.muli %mul3A_25, %scan3A_23 : i32
      %add3A_27 = arith.constant 0 : i32
      %add3A_28 = arith.addi %mul3A_26, %add3A_27 : i32
      %dma_wait3A = arith.constant 0 : i32
      %dma_wait3A_29 = arith.constant 0 : i32
      %dma_wait3A_30 = arith.constant 0 : i32
      %dma_wait3A_31 = tpu.memref_slice %arg2[%dma_wait3A, %dma_wait3A_29, %dma_wait3A_30] : memref<32x80x128xi32, #tpu.memory_space<hbm>> -> memref<1x1x128xi32, #tpu.memory_space<hbm>>
      %dma_wait3A_32 = tpu.memref_squeeze %dma_wait3A_31 : memref<1x1x128xi32, #tpu.memory_space<hbm>> -> memref<128xi32, #tpu.memory_space<hbm>>
      %dma_wait3A_33 = arith.constant 0 : i32
      %dma_wait3A_34 = tpu.memref_slice %arg2[%dma_wait3A, %dma_wait3A_29, %dma_wait3A_33] : memref<32x80x128xi32, #tpu.memory_space<hbm>> -> memref<1x1x128xi32, #tpu.memory_space<hbm>>
      %dma_wait3A_35 = tpu.memref_squeeze %dma_wait3A_34 : memref<1x1x128xi32, #tpu.memory_space<hbm>> -> memref<128xi32, #tpu.memory_space<hbm>>
      tpu.wait_dma2 semaphore(%arg7 : memref<!tpu.dma_semaphore, #tpu.memory_space<semaphore_mem>>) src(%dma_wait3A_35 : memref<128xi32, #tpu.memory_space<hbm>>) dst(%arg5 : memref<128xi32, #tpu.memory_space<vmem>>)
      %add3A_36 = arith.constant 1 : i32
      %add3A_37 = arith.addi %add3A_28, %add3A_36 : i32
      %lt3A = arith.constant 80 : i32
      %lt3A_38 = arith.cmpi slt, %add3A_37, %lt3A : i32
      %convert_element_type3A = arith.extui %lt3A_38 : i1 to i32
      %cond3A = arith.constant 0 : i32
      %cond3A_39 = arith.cmpi ne, %convert_element_type3A, %cond3A : i32
      scf.if %cond3A_39 {
        %add3A_91 = arith.constant 1 : i32
        %add3A_92 = arith.addi %add3A_28, %add3A_91 : i32
        %dma_start3A_93 = arith.constant 0 : i32
        %dma_start3A_94 = tpu.memref_slice %arg2[%add3A, %add3A_92, %dma_start3A_93] : memref<32x80x128xi32, #tpu.memory_space<hbm>> -> memref<1x1x128xi32, #tpu.memory_space<hbm>>
        %dma_start3A_95 = tpu.memref_squeeze %dma_start3A_94 : memref<1x1x128xi32, #tpu.memory_space<hbm>> -> memref<128xi32, #tpu.memory_space<hbm>>
        %dma_start3A_96 = arith.constant 0 : i32
        %dma_start3A_97 = tpu.memref_slice %arg2[%add3A, %add3A_92, %dma_start3A_96] : memref<32x80x128xi32, #tpu.memory_space<hbm>> -> memref<1x1x128xi32, #tpu.memory_space<hbm>>
        %dma_start3A_98 = tpu.memref_squeeze %dma_start3A_97 : memref<1x1x128xi32, #tpu.memory_space<hbm>> -> memref<128xi32, #tpu.memory_space<hbm>>
        tpu.enqueue_dma source(%dma_start3A_98 : memref<128xi32, #tpu.memory_space<hbm>>) target(%arg6 : memref<128xi32, #tpu.memory_space<vmem>>) target_semaphore(%arg8 : memref<!tpu.dma_semaphore, #tpu.memory_space<semaphore_mem>>)
      } else {
      }
      %get3A = arith.constant 0 : index
      %get3A_40 = tpu.vector_load %arg5[%get3A] {strides = array<i32>} : memref<128xi32, #tpu.memory_space<vmem>>, vector<16xi32>,
      tpu.vector_store_idx %arg4[%get3A_40], %broadcast_in_dim3A_3 {add = true} : memref<10240xf32, #tpu.memory_space<vmem>>[vector<16xi32>], vector<16xf32>,
      %get3A_41 = arith.constant 16 : index
      %get3A_42 = tpu.vector_load %arg5[%get3A_41] {strides = array<i32>} : memref<128xi32, #tpu.memory_space<vmem>>, vector<16xi32>,
      tpu.vector_store_idx %arg4[%get3A_42], %broadcast_in_dim3A_3 {add = true} : memref<10240xf32, #tpu.memory_space<vmem>>[vector<16xi32>], vector<16xf32>,
      %get3A_43 = arith.constant 32 : index
      %get3A_44 = tpu.vector_load %arg5[%get3A_43] {strides = array<i32>} : memref<128xi32, #tpu.memory_space<vmem>>, vector<16xi32>,
      tpu.vector_store_idx %arg4[%get3A_44], %broadcast_in_dim3A_3 {add = true} : memref<10240xf32, #tpu.memory_space<vmem>>[vector<16xi32>], vector<16xf32>,
      %get3A_45 = arith.constant 48 : index
      %get3A_46 = tpu.vector_load %arg5[%get3A_45] {strides = array<i32>} : memref<128xi32, #tpu.memory_space<vmem>>, vector<16xi32>,
      tpu.vector_store_idx %arg4[%get3A_46], %broadcast_in_dim3A_3 {add = true} : memref<10240xf32, #tpu.memory_space<vmem>>[vector<16xi32>], vector<16xf32>,
      %get3A_47 = arith.constant 64 : index
      %get3A_48 = tpu.vector_load %arg5[%get3A_47] {strides = array<i32>} : memref<128xi32, #tpu.memory_space<vmem>>, vector<16xi32>,
      tpu.vector_store_idx %arg4[%get3A_48], %broadcast_in_dim3A_3 {add = true} : memref<10240xf32, #tpu.memory_space<vmem>>[vector<16xi32>], vector<16xf32>,
      %get3A_49 = arith.constant 80 : index
      %get3A_50 = tpu.vector_load %arg5[%get3A_49] {strides = array<i32>} : memref<128xi32, #tpu.memory_space<vmem>>, vector<16xi32>,
      tpu.vector_store_idx %arg4[%get3A_50], %broadcast_in_dim3A_3 {add = true} : memref<10240xf32, #tpu.memory_space<vmem>>[vector<16xi32>], vector<16xf32>,
      %get3A_51 = arith.constant 96 : index
      %get3A_52 = tpu.vector_load %arg5[%get3A_51] {strides = array<i32>} : memref<128xi32, #tpu.memory_space<vmem>>, vector<16xi32>,
      tpu.vector_store_idx %arg4[%get3A_52], %broadcast_in_dim3A_3 {add = true} : memref<10240xf32, #tpu.memory_space<vmem>>[vector<16xi32>], vector<16xf32>,
      %get3A_53 = arith.constant 112 : index
      %get3A_54 = tpu.vector_load %arg5[%get3A_53] {strides = array<i32>} : memref<128xi32, #tpu.memory_space<vmem>>, vector<16xi32>,
      tpu.vector_store_idx %arg4[%get3A_54], %broadcast_in_dim3A_3 {add = true} : memref<10240xf32, #tpu.memory_space<vmem>>[vector<16xi32>], vector<16xf32>,
      %mul3A_55 = arith.constant 2 : i32
      %mul3A_56 = arith.muli %mul3A_55, %scan3A_23 : i32
      %add3A_57 = arith.constant 1 : i32
      %add3A_58 = arith.addi %mul3A_56, %add3A_57 : i32
      %dma_wait3A_59 = arith.constant 0 : i32
      %dma_wait3A_60 = arith.constant 0 : i32
      %dma_wait3A_61 = arith.constant 0 : i32
      %dma_wait3A_62 = tpu.memref_slice %arg2[%dma_wait3A_59, %dma_wait3A_60, %dma_wait3A_61] : memref<32x80x128xi32, #tpu.memory_space<hbm>> -> memref<1x1x128xi32, #tpu.memory_space<hbm>>
      %dma_wait3A_63 = tpu.memref_squeeze %dma_wait3A_62 : memref<1x1x128xi32, #tpu.memory_space<hbm>> -> memref<128xi32, #tpu.memory_space<hbm>>
      %dma_wait3A_64 = arith.constant 0 : i32
      %dma_wait3A_65 = tpu.memref_slice %arg2[%dma_wait3A_59, %dma_wait3A_60, %dma_wait3A_64] : memref<32x80x128xi32, #tpu.memory_space<hbm>> -> memref<1x1x128xi32, #tpu.memory_space<hbm>>
      %dma_wait3A_66 = tpu.memref_squeeze %dma_wait3A_65 : memref<1x1x128xi32, #tpu.memory_space<hbm>> -> memref<128xi32, #tpu.memory_space<hbm>>
      tpu.wait_dma2 semaphore(%arg8 : memref<!tpu.dma_semaphore, #tpu.memory_space<semaphore_mem>>) src(%dma_wait3A_66 : memref<128xi32, #tpu.memory_space<hbm>>) dst(%arg6 : memref<128xi32, #tpu.memory_space<vmem>>)
      %add3A_67 = arith.constant 1 : i32
      %add3A_68 = arith.addi %add3A_58, %add3A_67 : i32
      %lt3A_69 = arith.constant 80 : i32
      %lt3A_70 = arith.cmpi slt, %add3A_68, %lt3A_69 : i32
      %convert_element_type3A_71 = arith.extui %lt3A_70 : i1 to i32
      %cond3A_72 = arith.constant 0 : i32
      %cond3A_73 = arith.cmpi ne, %convert_element_type3A_71, %cond3A_72 : i32
      scf.if %cond3A_73 {
        %add3A_91 = arith.constant 1 : i32
        %add3A_92 = arith.addi %add3A_58, %add3A_91 : i32
        %dma_start3A_93 = arith.constant 0 : i32
        %dma_start3A_94 = tpu.memref_slice %arg2[%add3A, %add3A_92, %dma_start3A_93] : memref<32x80x128xi32, #tpu.memory_space<hbm>> -> memref<1x1x128xi32, #tpu.memory_space<hbm>>
        %dma_start3A_95 = tpu.memref_squeeze %dma_start3A_94 : memref<1x1x128xi32, #tpu.memory_space<hbm>> -> memref<128xi32, #tpu.memory_space<hbm>>
        %dma_start3A_96 = arith.constant 0 : i32
        %dma_start3A_97 = tpu.memref_slice %arg2[%add3A, %add3A_92, %dma_start3A_96] : memref<32x80x128xi32, #tpu.memory_space<hbm>> -> memref<1x1x128xi32, #tpu.memory_space<hbm>>
        %dma_start3A_98 = tpu.memref_squeeze %dma_start3A_97 : memref<1x1x128xi32, #tpu.memory_space<hbm>> -> memref<128xi32, #tpu.memory_space<hbm>>
        tpu.enqueue_dma source(%dma_start3A_98 : memref<128xi32, #tpu.memory_space<hbm>>) target(%arg5 : memref<128xi32, #tpu.memory_space<vmem>>) target_semaphore(%arg7 : memref<!tpu.dma_semaphore, #tpu.memory_space<semaphore_mem>>)
      } else {
      }
      %get3A_74 = arith.constant 0 : index
      %get3A_75 = tpu.vector_load %arg6[%get3A_74] {strides = array<i32>} : memref<128xi32, #tpu.memory_space<vmem>>, vector<16xi32>,
      tpu.vector_store_idx %arg4[%get3A_75], %broadcast_in_dim3A_3 {add = true} : memref<10240xf32, #tpu.memory_space<vmem>>[vector<16xi32>], vector<16xf32>,
      %get3A_76 = arith.constant 16 : index
      %get3A_77 = tpu.vector_load %arg6[%get3A_76] {strides = array<i32>} : memref<128xi32, #tpu.memory_space<vmem>>, vector<16xi32>,
      tpu.vector_store_idx %arg4[%get3A_77], %broadcast_in_dim3A_3 {add = true} : memref<10240xf32, #tpu.memory_space<vmem>>[vector<16xi32>], vector<16xf32>,
      %get3A_78 = arith.constant 32 : index
      %get3A_79 = tpu.vector_load %arg6[%get3A_78] {strides = array<i32>} : memref<128xi32, #tpu.memory_space<vmem>>, vector<16xi32>,
      tpu.vector_store_idx %arg4[%get3A_79], %broadcast_in_dim3A_3 {add = true} : memref<10240xf32, #tpu.memory_space<vmem>>[vector<16xi32>], vector<16xf32>,
      %get3A_80 = arith.constant 48 : index
      %get3A_81 = tpu.vector_load %arg6[%get3A_80] {strides = array<i32>} : memref<128xi32, #tpu.memory_space<vmem>>, vector<16xi32>,
      tpu.vector_store_idx %arg4[%get3A_81], %broadcast_in_dim3A_3 {add = true} : memref<10240xf32, #tpu.memory_space<vmem>>[vector<16xi32>], vector<16xf32>,
      %get3A_82 = arith.constant 64 : index
      %get3A_83 = tpu.vector_load %arg6[%get3A_82] {strides = array<i32>} : memref<128xi32, #tpu.memory_space<vmem>>, vector<16xi32>,
      tpu.vector_store_idx %arg4[%get3A_83], %broadcast_in_dim3A_3 {add = true} : memref<10240xf32, #tpu.memory_space<vmem>>[vector<16xi32>], vector<16xf32>,
      %get3A_84 = arith.constant 80 : index
      %get3A_85 = tpu.vector_load %arg6[%get3A_84] {strides = array<i32>} : memref<128xi32, #tpu.memory_space<vmem>>, vector<16xi32>,
      tpu.vector_store_idx %arg4[%get3A_85], %broadcast_in_dim3A_3 {add = true} : memref<10240xf32, #tpu.memory_space<vmem>>[vector<16xi32>], vector<16xf32>,
      %get3A_86 = arith.constant 96 : index
      %get3A_87 = tpu.vector_load %arg6[%get3A_86] {strides = array<i32>} : memref<128xi32, #tpu.memory_space<vmem>>, vector<16xi32>,
      tpu.vector_store_idx %arg4[%get3A_87], %broadcast_in_dim3A_3 {add = true} : memref<10240xf32, #tpu.memory_space<vmem>>[vector<16xi32>], vector<16xf32>,
      %get3A_88 = arith.constant 112 : index
      %get3A_89 = tpu.vector_load %arg6[%get3A_88] {strides = array<i32>} : memref<128xi32, #tpu.memory_space<vmem>>, vector<16xi32>,
      tpu.vector_store_idx %arg4[%get3A_89], %broadcast_in_dim3A_3 {add = true} : memref<10240xf32, #tpu.memory_space<vmem>>[vector<16xi32>], vector<16xf32>,
      %scan3A_90 = arith.constant 0 : i32
      scf.yield %scan3A_90 : i32
    }
    %scan3A_22 = arith.constant 40 : i32
    "tpu.region"() ({
      %run_scoped3A = tpu.sem_alloc : memref<!tpu.dma_semaphore, #tpu.memory_space<semaphore_mem>>
      %dma_start3A_23 = arith.constant 0 : i32
      %dma_start3A_24 = tpu.memref_slice %arg3[%add3A, %dma_start3A_23] : memref<32x10240xf32, #tpu.memory_space<hbm>> -> memref<1x10240xf32, #tpu.memory_space<hbm>>
      %dma_start3A_25 = tpu.memref_squeeze %dma_start3A_24 : memref<1x10240xf32, #tpu.memory_space<hbm>> -> memref<10240xf32, #tpu.memory_space<hbm>>
      %dma_start3A_26 = arith.constant 0 : i32
      %dma_start3A_27 = tpu.memref_slice %arg3[%add3A, %dma_start3A_26] : memref<32x10240xf32, #tpu.memory_space<hbm>> -> memref<1x10240xf32, #tpu.memory_space<hbm>>
      %dma_start3A_28 = tpu.memref_squeeze %dma_start3A_27 : memref<1x10240xf32, #tpu.memory_space<hbm>> -> memref<10240xf32, #tpu.memory_space<hbm>>
      tpu.enqueue_dma source(%arg4 : memref<10240xf32, #tpu.memory_space<vmem>>) target(%dma_start3A_28 : memref<10240xf32, #tpu.memory_space<hbm>>) target_semaphore(%run_scoped3A : memref<!tpu.dma_semaphore, #tpu.memory_space<semaphore_mem>>)
      %dma_wait3A = arith.constant 0 : i32
      %dma_wait3A_29 = tpu.memref_slice %arg3[%add3A, %dma_wait3A] : memref<32x10240xf32, #tpu.memory_space<hbm>> -> memref<1x10240xf32, #tpu.memory_space<hbm>>
      %dma_wait3A_30 = tpu.memref_squeeze %dma_wait3A_29 : memref<1x10240xf32, #tpu.memory_space<hbm>> -> memref<10240xf32, #tpu.memory_space<hbm>>
      %dma_wait3A_31 = arith.constant 0 : i32
      %dma_wait3A_32 = tpu.memref_slice %arg3[%add3A, %dma_wait3A_31] : memref<32x10240xf32, #tpu.memory_space<hbm>> -> memref<1x10240xf32, #tpu.memory_space<hbm>>
      %dma_wait3A_33 = tpu.memref_squeeze %dma_wait3A_32 : memref<1x10240xf32, #tpu.memory_space<hbm>> -> memref<10240xf32, #tpu.memory_space<hbm>>
      tpu.wait_dma2 semaphore(%run_scoped3A : memref<!tpu.dma_semaphore, #tpu.memory_space<semaphore_mem>>) src(%arg4 : memref<10240xf32, #tpu.memory_space<vmem>>) dst(%dma_wait3A_33 : memref<10240xf32, #tpu.memory_space<hbm>>)
      tpu.yield
    }) : () -> ()
    return
  }
}

#map = affine_map<(d0, d1) -> (0, 0)>
#map1 = affine_map<(d0, d1) -> (0, 0, 0)>
module attributes {stable_mosaic.version = 14 : i64} {
  func.func @_agg_body(%arg0: i32, %arg1: i32, %arg2: memref<10000x128xf32, #tpu.memory_space<hbm>>, %arg3: memref<2560x128xi32, #tpu.memory_space<hbm>>, %arg4: memref<2560x128xi32, #tpu.memory_space<hbm>>, %arg5: memref<128x128xf32, #tpu.memory_space<hbm>>, %arg6: memref<2x10240x128xf32, #tpu.memory_space<hbm>>, %arg7: memref<128x128xf32, #tpu.memory_space<vmem>>, %arg8: memref<128x128xf32, #tpu.memory_space<vmem>>, %arg9: memref<128xi32, #tpu.memory_space<vmem>>, %arg10: memref<128xi32, #tpu.memory_space<vmem>>, %arg11: memref<128xi32, #tpu.memory_space<vmem>>, %arg12: memref<128xi32, #tpu.memory_space<vmem>>, %arg13: memref<!tpu.dma_semaphore, #tpu.memory_space<semaphore_mem>>, %arg14: memref<!tpu.dma_semaphore, #tpu.memory_space<semaphore_mem>>, %arg15: memref<!tpu.dma_semaphore, #tpu.memory_space<semaphore_mem>>, %arg16: memref<!tpu.dma_semaphore, #tpu.memory_space<semaphore_mem>>, %arg17: memref<10240x128xf32, #tpu.memory_space<vmem_shared>>) attributes {dimension_semantics = [#tpu.dimension_semantics<core_parallel>, #tpu.dimension_semantics<subcore_parallel>], iteration_bounds = array<i64: 2, 16>, scalar_prefetch = 0 : i64, scratch_operands = 11 : i64, tpu.core_type = #tpu.core_type<sc_vector_subcore>, window_params = [{transform_indices = #map}, {transform_indices = #map}, {transform_indices = #map}, {transform_indices = #map}, {transform_indices = #map1}]} {
    "tpu.region"() ({
      %run_scoped3A = tpu.sem_alloc : memref<!tpu.dma_semaphore, #tpu.memory_space<semaphore_mem>>
      tpu.enqueue_dma source(%arg5 : memref<128x128xf32, #tpu.memory_space<hbm>>) target(%arg7 : memref<128x128xf32, #tpu.memory_space<vmem>>) target_semaphore(%run_scoped3A : memref<!tpu.dma_semaphore, #tpu.memory_space<semaphore_mem>>)
      tpu.wait_dma2 semaphore(%run_scoped3A : memref<!tpu.dma_semaphore, #tpu.memory_space<semaphore_mem>>) src(%arg5 : memref<128x128xf32, #tpu.memory_space<hbm>>) dst(%arg7 : memref<128x128xf32, #tpu.memory_space<vmem>>)
      tpu.yield
    }) : () -> ()
    %mul3A = arith.constant 640 : i32
    %mul3A_0 = arith.muli %arg1, %mul3A : i32
    %add3A = arith.constant 0 : i32
    %add3A_1 = arith.addi %mul3A_0, %add3A : i32
    "tpu.region"() ({
      %run_scoped3A = tpu.sem_alloc : memref<!tpu.dma_semaphore, #tpu.memory_space<semaphore_mem>>
      %dma_start3A = arith.constant 0 : i32
      %dma_start3A_30 = tpu.memref_slice %arg17[%add3A_1, %dma_start3A] : memref<10240x128xf32, #tpu.memory_space<vmem_shared>> -> memref<128x128xf32, #tpu.memory_space<vmem_shared>>
      %dma_start3A_31 = arith.constant 0 : i32
      %dma_start3A_32 = tpu.memref_slice %arg17[%add3A_1, %dma_start3A_31] : memref<10240x128xf32, #tpu.memory_space<vmem_shared>> -> memref<128x128xf32, #tpu.memory_space<vmem_shared>>
      tpu.enqueue_dma source(%arg7 : memref<128x128xf32, #tpu.memory_space<vmem>>) target(%dma_start3A_32 : memref<128x128xf32, #tpu.memory_space<vmem_shared>>) target_semaphore(%run_scoped3A : memref<!tpu.dma_semaphore, #tpu.memory_space<semaphore_mem>>)
      %dma_wait3A = arith.constant 0 : i32
      %dma_wait3A_33 = tpu.memref_slice %arg17[%add3A_1, %dma_wait3A] : memref<10240x128xf32, #tpu.memory_space<vmem_shared>> -> memref<128x128xf32, #tpu.memory_space<vmem_shared>>
      %dma_wait3A_34 = arith.constant 0 : i32
      %dma_wait3A_35 = tpu.memref_slice %arg17[%add3A_1, %dma_wait3A_34] : memref<10240x128xf32, #tpu.memory_space<vmem_shared>> -> memref<128x128xf32, #tpu.memory_space<vmem_shared>>
      tpu.wait_dma2 semaphore(%run_scoped3A : memref<!tpu.dma_semaphore, #tpu.memory_space<semaphore_mem>>) src(%arg7 : memref<128x128xf32, #tpu.memory_space<vmem>>) dst(%dma_wait3A_35 : memref<128x128xf32, #tpu.memory_space<vmem_shared>>)
      tpu.yield
    }) : () -> ()
    %mul3A_2 = arith.constant 640 : i32
    %mul3A_3 = arith.muli %arg1, %mul3A_2 : i32
    %add3A_4 = arith.constant 128 : i32
    %add3A_5 = arith.addi %mul3A_3, %add3A_4 : i32
    "tpu.region"() ({
      %run_scoped3A = tpu.sem_alloc : memref<!tpu.dma_semaphore, #tpu.memory_space<semaphore_mem>>
      %dma_start3A = arith.constant 0 : i32
      %dma_start3A_30 = tpu.memref_slice %arg17[%add3A_5, %dma_start3A] : memref<10240x128xf32, #tpu.memory_space<vmem_shared>> -> memref<128x128xf32, #tpu.memory_space<vmem_shared>>
      %dma_start3A_31 = arith.constant 0 : i32
      %dma_start3A_32 = tpu.memref_slice %arg17[%add3A_5, %dma_start3A_31] : memref<10240x128xf32, #tpu.memory_space<vmem_shared>> -> memref<128x128xf32, #tpu.memory_space<vmem_shared>>
      tpu.enqueue_dma source(%arg7 : memref<128x128xf32, #tpu.memory_space<vmem>>) target(%dma_start3A_32 : memref<128x128xf32, #tpu.memory_space<vmem_shared>>) target_semaphore(%run_scoped3A : memref<!tpu.dma_semaphore, #tpu.memory_space<semaphore_mem>>)
      %dma_wait3A = arith.constant 0 : i32
      %dma_wait3A_33 = tpu.memref_slice %arg17[%add3A_5, %dma_wait3A] : memref<10240x128xf32, #tpu.memory_space<vmem_shared>> -> memref<128x128xf32, #tpu.memory_space<vmem_shared>>
      %dma_wait3A_34 = arith.constant 0 : i32
      %dma_wait3A_35 = tpu.memref_slice %arg17[%add3A_5, %dma_wait3A_34] : memref<10240x128xf32, #tpu.memory_space<vmem_shared>> -> memref<128x128xf32, #tpu.memory_space<vmem_shared>>
      tpu.wait_dma2 semaphore(%run_scoped3A : memref<!tpu.dma_semaphore, #tpu.memory_space<semaphore_mem>>) src(%arg7 : memref<128x128xf32, #tpu.memory_space<vmem>>) dst(%dma_wait3A_35 : memref<128x128xf32, #tpu.memory_space<vmem_shared>>)
      tpu.yield
    }) : () -> ()
    %mul3A_6 = arith.constant 640 : i32
    %mul3A_7 = arith.muli %arg1, %mul3A_6 : i32
    %add3A_8 = arith.constant 256 : i32
    %add3A_9 = arith.addi %mul3A_7, %add3A_8 : i32
    "tpu.region"() ({
      %run_scoped3A = tpu.sem_alloc : memref<!tpu.dma_semaphore, #tpu.memory_space<semaphore_mem>>
      %dma_start3A = arith.constant 0 : i32
      %dma_start3A_30 = tpu.memref_slice %arg17[%add3A_9, %dma_start3A] : memref<10240x128xf32, #tpu.memory_space<vmem_shared>> -> memref<128x128xf32, #tpu.memory_space<vmem_shared>>
      %dma_start3A_31 = arith.constant 0 : i32
      %dma_start3A_32 = tpu.memref_slice %arg17[%add3A_9, %dma_start3A_31] : memref<10240x128xf32, #tpu.memory_space<vmem_shared>> -> memref<128x128xf32, #tpu.memory_space<vmem_shared>>
      tpu.enqueue_dma source(%arg7 : memref<128x128xf32, #tpu.memory_space<vmem>>) target(%dma_start3A_32 : memref<128x128xf32, #tpu.memory_space<vmem_shared>>) target_semaphore(%run_scoped3A : memref<!tpu.dma_semaphore, #tpu.memory_space<semaphore_mem>>)
      %dma_wait3A = arith.constant 0 : i32
      %dma_wait3A_33 = tpu.memref_slice %arg17[%add3A_9, %dma_wait3A] : memref<10240x128xf32, #tpu.memory_space<vmem_shared>> -> memref<128x128xf32, #tpu.memory_space<vmem_shared>>
      %dma_wait3A_34 = arith.constant 0 : i32
      %dma_wait3A_35 = tpu.memref_slice %arg17[%add3A_9, %dma_wait3A_34] : memref<10240x128xf32, #tpu.memory_space<vmem_shared>> -> memref<128x128xf32, #tpu.memory_space<vmem_shared>>
      tpu.wait_dma2 semaphore(%run_scoped3A : memref<!tpu.dma_semaphore, #tpu.memory_space<semaphore_mem>>) src(%arg7 : memref<128x128xf32, #tpu.memory_space<vmem>>) dst(%dma_wait3A_35 : memref<128x128xf32, #tpu.memory_space<vmem_shared>>)
      tpu.yield
    }) : () -> ()
    %mul3A_10 = arith.constant 640 : i32
    %mul3A_11 = arith.muli %arg1, %mul3A_10 : i32
    %add3A_12 = arith.constant 384 : i32
    %add3A_13 = arith.addi %mul3A_11, %add3A_12 : i32
    "tpu.region"() ({
      %run_scoped3A = tpu.sem_alloc : memref<!tpu.dma_semaphore, #tpu.memory_space<semaphore_mem>>
      %dma_start3A = arith.constant 0 : i32
      %dma_start3A_30 = tpu.memref_slice %arg17[%add3A_13, %dma_start3A] : memref<10240x128xf32, #tpu.memory_space<vmem_shared>> -> memref<128x128xf32, #tpu.memory_space<vmem_shared>>
      %dma_start3A_31 = arith.constant 0 : i32
      %dma_start3A_32 = tpu.memref_slice %arg17[%add3A_13, %dma_start3A_31] : memref<10240x128xf32, #tpu.memory_space<vmem_shared>> -> memref<128x128xf32, #tpu.memory_space<vmem_shared>>
      tpu.enqueue_dma source(%arg7 : memref<128x128xf32, #tpu.memory_space<vmem>>) target(%dma_start3A_32 : memref<128x128xf32, #tpu.memory_space<vmem_shared>>) target_semaphore(%run_scoped3A : memref<!tpu.dma_semaphore, #tpu.memory_space<semaphore_mem>>)
      %dma_wait3A = arith.constant 0 : i32
      %dma_wait3A_33 = tpu.memref_slice %arg17[%add3A_13, %dma_wait3A] : memref<10240x128xf32, #tpu.memory_space<vmem_shared>> -> memref<128x128xf32, #tpu.memory_space<vmem_shared>>
      %dma_wait3A_34 = arith.constant 0 : i32
      %dma_wait3A_35 = tpu.memref_slice %arg17[%add3A_13, %dma_wait3A_34] : memref<10240x128xf32, #tpu.memory_space<vmem_shared>> -> memref<128x128xf32, #tpu.memory_space<vmem_shared>>
      tpu.wait_dma2 semaphore(%run_scoped3A : memref<!tpu.dma_semaphore, #tpu.memory_space<semaphore_mem>>) src(%arg7 : memref<128x128xf32, #tpu.memory_space<vmem>>) dst(%dma_wait3A_35 : memref<128x128xf32, #tpu.memory_space<vmem_shared>>)
      tpu.yield
    }) : () -> ()
    %mul3A_14 = arith.constant 640 : i32
    %mul3A_15 = arith.muli %arg1, %mul3A_14 : i32
    %add3A_16 = arith.constant 512 : i32
    %add3A_17 = arith.addi %mul3A_15, %add3A_16 : i32
    "tpu.region"() ({
      %run_scoped3A = tpu.sem_alloc : memref<!tpu.dma_semaphore, #tpu.memory_space<semaphore_mem>>
      %dma_start3A = arith.constant 0 : i32
      %dma_start3A_30 = tpu.memref_slice %arg17[%add3A_17, %dma_start3A] : memref<10240x128xf32, #tpu.memory_space<vmem_shared>> -> memref<128x128xf32, #tpu.memory_space<vmem_shared>>
      %dma_start3A_31 = arith.constant 0 : i32
      %dma_start3A_32 = tpu.memref_slice %arg17[%add3A_17, %dma_start3A_31] : memref<10240x128xf32, #tpu.memory_space<vmem_shared>> -> memref<128x128xf32, #tpu.memory_space<vmem_shared>>
      tpu.enqueue_dma source(%arg7 : memref<128x128xf32, #tpu.memory_space<vmem>>) target(%dma_start3A_32 : memref<128x128xf32, #tpu.memory_space<vmem_shared>>) target_semaphore(%run_scoped3A : memref<!tpu.dma_semaphore, #tpu.memory_space<semaphore_mem>>)
      %dma_wait3A = arith.constant 0 : i32
      %dma_wait3A_33 = tpu.memref_slice %arg17[%add3A_17, %dma_wait3A] : memref<10240x128xf32, #tpu.memory_space<vmem_shared>> -> memref<128x128xf32, #tpu.memory_space<vmem_shared>>
      %dma_wait3A_34 = arith.constant 0 : i32
      %dma_wait3A_35 = tpu.memref_slice %arg17[%add3A_17, %dma_wait3A_34] : memref<10240x128xf32, #tpu.memory_space<vmem_shared>> -> memref<128x128xf32, #tpu.memory_space<vmem_shared>>
      tpu.wait_dma2 semaphore(%run_scoped3A : memref<!tpu.dma_semaphore, #tpu.memory_space<semaphore_mem>>) src(%arg7 : memref<128x128xf32, #tpu.memory_space<vmem>>) dst(%dma_wait3A_35 : memref<128x128xf32, #tpu.memory_space<vmem_shared>>)
      tpu.yield
    }) : () -> ()
    %barrier3A = arith.constant 0 : index
    tpu.barrier barrier_id(%barrier3A)
    %eq3A = arith.constant 0 : i32
    %eq3A_18 = arith.cmpi eq, %arg0, %eq3A : i32
    %convert_element_type3A = arith.extui %eq3A_18 : i1 to i32
    %cond3A = arith.constant 0 : i32
    %cond3A_19 = arith.cmpi ne, %convert_element_type3A, %cond3A : i32
    scf.if %cond3A_19 {
      %mul3A_30 = arith.constant 112 : i32
      %mul3A_31 = arith.muli %arg1, %mul3A_30 : i32
      %add3A_32 = arith.constant 0 : i32
      %add3A_33 = arith.addi %mul3A_31, %add3A_32 : i32
      %dma_start3A = arith.constant 0 : i32
      %dma_start3A_34 = tpu.memref_slice %arg3[%add3A_33, %dma_start3A] : memref<2560x128xi32, #tpu.memory_space<hbm>> -> memref<1x128xi32, #tpu.memory_space<hbm>>
      %dma_start3A_35 = tpu.memref_squeeze %dma_start3A_34 : memref<1x128xi32, #tpu.memory_space<hbm>> -> memref<128xi32, #tpu.memory_space<hbm>>
      %dma_start3A_36 = arith.constant 0 : i32
      %dma_start3A_37 = tpu.memref_slice %arg3[%add3A_33, %dma_start3A_36] : memref<2560x128xi32, #tpu.memory_space<hbm>> -> memref<1x128xi32, #tpu.memory_space<hbm>>
      %dma_start3A_38 = tpu.memref_squeeze %dma_start3A_37 : memref<1x128xi32, #tpu.memory_space<hbm>> -> memref<128xi32, #tpu.memory_space<hbm>>
      tpu.enqueue_dma source(%dma_start3A_38 : memref<128xi32, #tpu.memory_space<hbm>>) target(%arg9 : memref<128xi32, #tpu.memory_space<vmem>>) target_semaphore(%arg15 : memref<!tpu.dma_semaphore, #tpu.memory_space<semaphore_mem>>)
      %add3A_39 = arith.constant 0 : i32
      %add3A_40 = arith.addi %mul3A_31, %add3A_39 : i32
      %dma_start3A_41 = arith.constant 0 : i32
      %dma_start3A_42 = tpu.memref_slice %arg4[%add3A_40, %dma_start3A_41] : memref<2560x128xi32, #tpu.memory_space<hbm>> -> memref<1x128xi32, #tpu.memory_space<hbm>>
      %dma_start3A_43 = tpu.memref_squeeze %dma_start3A_42 : memref<1x128xi32, #tpu.memory_space<hbm>> -> memref<128xi32, #tpu.memory_space<hbm>>
      %dma_start3A_44 = arith.constant 0 : i32
      %dma_start3A_45 = tpu.memref_slice %arg4[%add3A_40, %dma_start3A_44] : memref<2560x128xi32, #tpu.memory_space<hbm>> -> memref<1x128xi32, #tpu.memory_space<hbm>>
      %dma_start3A_46 = tpu.memref_squeeze %dma_start3A_45 : memref<1x128xi32, #tpu.memory_space<hbm>> -> memref<128xi32, #tpu.memory_space<hbm>>
      tpu.enqueue_dma source(%dma_start3A_46 : memref<128xi32, #tpu.memory_space<hbm>>) target(%arg11 : memref<128xi32, #tpu.memory_space<vmem>>) target_semaphore(%arg15 : memref<!tpu.dma_semaphore, #tpu.memory_space<semaphore_mem>>)
      %add3A_47 = arith.constant 1 : i32
      %add3A_48 = arith.addi %mul3A_31, %add3A_47 : i32
      %dma_start3A_49 = arith.constant 0 : i32
      %dma_start3A_50 = tpu.memref_slice %arg3[%add3A_48, %dma_start3A_49] : memref<2560x128xi32, #tpu.memory_space<hbm>> -> memref<1x128xi32, #tpu.memory_space<hbm>>
      %dma_start3A_51 = tpu.memref_squeeze %dma_start3A_50 : memref<1x128xi32, #tpu.memory_space<hbm>> -> memref<128xi32, #tpu.memory_space<hbm>>
      %dma_start3A_52 = arith.constant 0 : i32
      %dma_start3A_53 = tpu.memref_slice %arg3[%add3A_48, %dma_start3A_52] : memref<2560x128xi32, #tpu.memory_space<hbm>> -> memref<1x128xi32, #tpu.memory_space<hbm>>
      %dma_start3A_54 = tpu.memref_squeeze %dma_start3A_53 : memref<1x128xi32, #tpu.memory_space<hbm>> -> memref<128xi32, #tpu.memory_space<hbm>>
      tpu.enqueue_dma source(%dma_start3A_54 : memref<128xi32, #tpu.memory_space<hbm>>) target(%arg10 : memref<128xi32, #tpu.memory_space<vmem>>) target_semaphore(%arg16 : memref<!tpu.dma_semaphore, #tpu.memory_space<semaphore_mem>>)
      %add3A_55 = arith.constant 1 : i32
      %add3A_56 = arith.addi %mul3A_31, %add3A_55 : i32
      %dma_start3A_57 = arith.constant 0 : i32
      %dma_start3A_58 = tpu.memref_slice %arg4[%add3A_56, %dma_start3A_57] : memref<2560x128xi32, #tpu.memory_space<hbm>> -> memref<1x128xi32, #tpu.memory_space<hbm>>
      %dma_start3A_59 = tpu.memref_squeeze %dma_start3A_58 : memref<1x128xi32, #tpu.memory_space<hbm>> -> memref<128xi32, #tpu.memory_space<hbm>>
      %dma_start3A_60 = arith.constant 0 : i32
      %dma_start3A_61 = tpu.memref_slice %arg4[%add3A_56, %dma_start3A_60] : memref<2560x128xi32, #tpu.memory_space<hbm>> -> memref<1x128xi32, #tpu.memory_space<hbm>>
      %dma_start3A_62 = tpu.memref_squeeze %dma_start3A_61 : memref<1x128xi32, #tpu.memory_space<hbm>> -> memref<128xi32, #tpu.memory_space<hbm>>
      tpu.enqueue_dma source(%dma_start3A_62 : memref<128xi32, #tpu.memory_space<hbm>>) target(%arg12 : memref<128xi32, #tpu.memory_space<vmem>>) target_semaphore(%arg16 : memref<!tpu.dma_semaphore, #tpu.memory_space<semaphore_mem>>)
      %dma_wait3A = arith.constant 0 : i32
      %dma_wait3A_63 = arith.constant 0 : i32
      %dma_wait3A_64 = tpu.memref_slice %arg3[%dma_wait3A, %dma_wait3A_63] : memref<2560x128xi32, #tpu.memory_space<hbm>> -> memref<1x128xi32, #tpu.memory_space<hbm>>
      %dma_wait3A_65 = tpu.memref_squeeze %dma_wait3A_64 : memref<1x128xi32, #tpu.memory_space<hbm>> -> memref<128xi32, #tpu.memory_space<hbm>>
      %dma_wait3A_66 = arith.constant 0 : i32
      %dma_wait3A_67 = tpu.memref_slice %arg3[%dma_wait3A, %dma_wait3A_66] : memref<2560x128xi32, #tpu.memory_space<hbm>> -> memref<1x128xi32, #tpu.memory_space<hbm>>
      %dma_wait3A_68 = tpu.memref_squeeze %dma_wait3A_67 : memref<1x128xi32, #tpu.memory_space<hbm>> -> memref<128xi32, #tpu.memory_space<hbm>>
      tpu.wait_dma2 semaphore(%arg15 : memref<!tpu.dma_semaphore, #tpu.memory_space<semaphore_mem>>) src(%dma_wait3A_68 : memref<128xi32, #tpu.memory_space<hbm>>) dst(%arg9 : memref<128xi32, #tpu.memory_space<vmem>>)
      %dma_wait3A_69 = arith.constant 0 : i32
      %dma_wait3A_70 = arith.constant 0 : i32
      %dma_wait3A_71 = tpu.memref_slice %arg4[%dma_wait3A_69, %dma_wait3A_70] : memref<2560x128xi32, #tpu.memory_space<hbm>> -> memref<1x128xi32, #tpu.memory_space<hbm>>
      %dma_wait3A_72 = tpu.memref_squeeze %dma_wait3A_71 : memref<1x128xi32, #tpu.memory_space<hbm>> -> memref<128xi32, #tpu.memory_space<hbm>>
      %dma_wait3A_73 = arith.constant 0 : i32
      %dma_wait3A_74 = tpu.memref_slice %arg4[%dma_wait3A_69, %dma_wait3A_73] : memref<2560x128xi32, #tpu.memory_space<hbm>> -> memref<1x128xi32, #tpu.memory_space<hbm>>
      %dma_wait3A_75 = tpu.memref_squeeze %dma_wait3A_74 : memref<1x128xi32, #tpu.memory_space<hbm>> -> memref<128xi32, #tpu.memory_space<hbm>>
      tpu.wait_dma2 semaphore(%arg15 : memref<!tpu.dma_semaphore, #tpu.memory_space<semaphore_mem>>) src(%dma_wait3A_75 : memref<128xi32, #tpu.memory_space<hbm>>) dst(%arg11 : memref<128xi32, #tpu.memory_space<vmem>>)
      %dma_start3A_76 = arith.constant 0 : i32
      %dma_start3A_77 = arith.constant 0 : i32
      %dma_start3A_78 = tpu.memref_slice %arg2[%dma_start3A_76, %dma_start3A_77] : memref<10000x128xf32, #tpu.memory_space<hbm>> -> memref<10000x128xf32, #tpu.memory_space<hbm>>
      tpu.enqueue_indirect_dma source(%dma_start3A_78 : memref<10000x128xf32, #tpu.memory_space<hbm>>) target(%arg7 : memref<128x128xf32, #tpu.memory_space<vmem>>) offsets(%arg9 : memref<128xi32, #tpu.memory_space<vmem>>) semaphore(%arg13 : memref<!tpu.dma_semaphore, #tpu.memory_space<semaphore_mem>>)
      %scan3A = arith.constant 0 : i32
      %scan3A_79 = arith.constant 0 : i32
      %scan3A_80 = arith.constant 56 : i32
      %scan3A_81 = arith.addi %scan3A_79, %scan3A_80 : i32
      %scan3A_82 = arith.constant 1 : i32
      %scan3A_83 = scf.for %scan3A_85 = %scan3A_79 to %scan3A_81 step %scan3A_82 iter_args(%scan3A_86 = %scan3A) -> (i32)  : i32 {
        %mul3A_87 = arith.constant 2 : i32
        %mul3A_88 = arith.muli %mul3A_87, %scan3A_85 : i32
        %add3A_89 = arith.constant 0 : i32
        %add3A_90 = arith.addi %mul3A_88, %add3A_89 : i32
        %add3A_91 = arith.constant 1 : i32
        %add3A_92 = arith.addi %add3A_90, %add3A_91 : i32
        %lt3A = arith.constant 112 : i32
        %lt3A_93 = arith.cmpi slt, %add3A_92, %lt3A : i32
        %convert_element_type3A_94 = arith.extui %lt3A_93 : i1 to i32
        %cond3A_95 = arith.constant 0 : i32
        %cond3A_96 = arith.cmpi ne, %convert_element_type3A_94, %cond3A_95 : i32
        scf.if %cond3A_96 {
          %dma_wait3A_127 = arith.constant 0 : i32
          %dma_wait3A_128 = arith.constant 0 : i32
          %dma_wait3A_129 = tpu.memref_slice %arg3[%dma_wait3A_127, %dma_wait3A_128] : memref<2560x128xi32, #tpu.memory_space<hbm>> -> memref<1x128xi32, #tpu.memory_space<hbm>>
          %dma_wait3A_130 = tpu.memref_squeeze %dma_wait3A_129 : memref<1x128xi32, #tpu.memory_space<hbm>> -> memref<128xi32, #tpu.memory_space<hbm>>
          %dma_wait3A_131 = arith.constant 0 : i32
          %dma_wait3A_132 = tpu.memref_slice %arg3[%dma_wait3A_127, %dma_wait3A_131] : memref<2560x128xi32, #tpu.memory_space<hbm>> -> memref<1x128xi32, #tpu.memory_space<hbm>>
          %dma_wait3A_133 = tpu.memref_squeeze %dma_wait3A_132 : memref<1x128xi32, #tpu.memory_space<hbm>> -> memref<128xi32, #tpu.memory_space<hbm>>
          tpu.wait_dma2 semaphore(%arg16 : memref<!tpu.dma_semaphore, #tpu.memory_space<semaphore_mem>>) src(%dma_wait3A_133 : memref<128xi32, #tpu.memory_space<hbm>>) dst(%arg10 : memref<128xi32, #tpu.memory_space<vmem>>)
          %dma_wait3A_134 = arith.constant 0 : i32
          %dma_wait3A_135 = arith.constant 0 : i32
          %dma_wait3A_136 = tpu.memref_slice %arg4[%dma_wait3A_134, %dma_wait3A_135] : memref<2560x128xi32, #tpu.memory_space<hbm>> -> memref<1x128xi32, #tpu.memory_space<hbm>>
          %dma_wait3A_137 = tpu.memref_squeeze %dma_wait3A_136 : memref<1x128xi32, #tpu.memory_space<hbm>> -> memref<128xi32, #tpu.memory_space<hbm>>
          %dma_wait3A_138 = arith.constant 0 : i32
          %dma_wait3A_139 = tpu.memref_slice %arg4[%dma_wait3A_134, %dma_wait3A_138] : memref<2560x128xi32, #tpu.memory_space<hbm>> -> memref<1x128xi32, #tpu.memory_space<hbm>>
          %dma_wait3A_140 = tpu.memref_squeeze %dma_wait3A_139 : memref<1x128xi32, #tpu.memory_space<hbm>> -> memref<128xi32, #tpu.memory_space<hbm>>
          tpu.wait_dma2 semaphore(%arg16 : memref<!tpu.dma_semaphore, #tpu.memory_space<semaphore_mem>>) src(%dma_wait3A_140 : memref<128xi32, #tpu.memory_space<hbm>>) dst(%arg12 : memref<128xi32, #tpu.memory_space<vmem>>)
          %dma_start3A_141 = arith.constant 0 : i32
          %dma_start3A_142 = arith.constant 0 : i32
          %dma_start3A_143 = tpu.memref_slice %arg2[%dma_start3A_141, %dma_start3A_142] : memref<10000x128xf32, #tpu.memory_space<hbm>> -> memref<10000x128xf32, #tpu.memory_space<hbm>>
          tpu.enqueue_indirect_dma source(%dma_start3A_143 : memref<10000x128xf32, #tpu.memory_space<hbm>>) target(%arg8 : memref<128x128xf32, #tpu.memory_space<vmem>>) offsets(%arg10 : memref<128xi32, #tpu.memory_space<vmem>>) semaphore(%arg14 : memref<!tpu.dma_semaphore, #tpu.memory_space<semaphore_mem>>)
        } else {
        }
        %dma_wait3A_97 = arith.constant 0 : i32
        %dma_wait3A_98 = arith.constant 0 : i32
        %dma_wait3A_99 = tpu.memref_slice %arg2[%dma_wait3A_97, %dma_wait3A_98] : memref<10000x128xf32, #tpu.memory_space<hbm>> -> memref<10000x128xf32, #tpu.memory_space<hbm>>
        tpu.wait_indirect_dma semaphore(%arg13 : memref<!tpu.dma_semaphore, #tpu.memory_space<semaphore_mem>>) src(%dma_wait3A_99 : memref<10000x128xf32, #tpu.memory_space<hbm>>) dst(%arg7 : memref<128x128xf32, #tpu.memory_space<vmem>>)
        "tpu.region"() ({
          %run_scoped3A = tpu.sem_alloc : memref<!tpu.dma_semaphore, #tpu.memory_space<semaphore_mem>>
          %dma_start3A_127 = arith.constant 0 : i32
          %dma_start3A_128 = arith.constant 0 : i32
          %dma_start3A_129 = tpu.memref_slice %arg17[%dma_start3A_127, %dma_start3A_128] : memref<10240x128xf32, #tpu.memory_space<vmem_shared>> -> memref<10240x128xf32, #tpu.memory_space<vmem_shared>>
          tpu.enqueue_indirect_dma source(%arg7 : memref<128x128xf32, #tpu.memory_space<vmem>>) target(%dma_start3A_129 : memref<10240x128xf32, #tpu.memory_space<vmem_shared>>) offsets(%arg11 : memref<128xi32, #tpu.memory_space<vmem>>) semaphore(%run_scoped3A : memref<!tpu.dma_semaphore, #tpu.memory_space<semaphore_mem>>) {add = true}
          %dma_wait3A_130 = arith.constant 0 : i32
          %dma_wait3A_131 = arith.constant 0 : i32
          %dma_wait3A_132 = tpu.memref_slice %arg17[%dma_wait3A_130, %dma_wait3A_131] : memref<10240x128xf32, #tpu.memory_space<vmem_shared>> -> memref<10240x128xf32, #tpu.memory_space<vmem_shared>>
          tpu.wait_indirect_dma semaphore(%run_scoped3A : memref<!tpu.dma_semaphore, #tpu.memory_space<semaphore_mem>>) src(%arg7 : memref<128x128xf32, #tpu.memory_space<vmem>>) dst(%dma_wait3A_132 : memref<10240x128xf32, #tpu.memory_space<vmem_shared>>)
          tpu.yield
        }) : () -> ()
        %add3A_100 = arith.constant 2 : i32
        %add3A_101 = arith.addi %add3A_90, %add3A_100 : i32
        %lt3A_102 = arith.constant 112 : i32
        %lt3A_103 = arith.cmpi slt, %add3A_101, %lt3A_102 : i32
        %convert_element_type3A_104 = arith.extui %lt3A_103 : i1 to i32
        %cond3A_105 = arith.constant 0 : i32
        %cond3A_106 = arith.cmpi ne, %convert_element_type3A_104, %cond3A_105 : i32
        scf.if %cond3A_106 {
          %add3A_127 = arith.constant 2 : i32
          %add3A_128 = arith.addi %add3A_90, %add3A_127 : i32
          %add3A_129 = arith.addi %mul3A_31, %add3A_128 : i32
          %dma_start3A_130 = arith.constant 0 : i32
          %dma_start3A_131 = tpu.memref_slice %arg3[%add3A_129, %dma_start3A_130] : memref<2560x128xi32, #tpu.memory_space<hbm>> -> memref<1x128xi32, #tpu.memory_space<hbm>>
          %dma_start3A_132 = tpu.memref_squeeze %dma_start3A_131 : memref<1x128xi32, #tpu.memory_space<hbm>> -> memref<128xi32, #tpu.memory_space<hbm>>
          %dma_start3A_133 = arith.constant 0 : i32
          %dma_start3A_134 = tpu.memref_slice %arg3[%add3A_129, %dma_start3A_133] : memref<2560x128xi32, #tpu.memory_space<hbm>> -> memref<1x128xi32, #tpu.memory_space<hbm>>
          %dma_start3A_135 = tpu.memref_squeeze %dma_start3A_134 : memref<1x128xi32, #tpu.memory_space<hbm>> -> memref<128xi32, #tpu.memory_space<hbm>>
          tpu.enqueue_dma source(%dma_start3A_135 : memref<128xi32, #tpu.memory_space<hbm>>) target(%arg9 : memref<128xi32, #tpu.memory_space<vmem>>) target_semaphore(%arg15 : memref<!tpu.dma_semaphore, #tpu.memory_space<semaphore_mem>>)
          %add3A_136 = arith.addi %mul3A_31, %add3A_128 : i32
          %dma_start3A_137 = arith.constant 0 : i32
          %dma_start3A_138 = tpu.memref_slice %arg4[%add3A_136, %dma_start3A_137] : memref<2560x128xi32, #tpu.memory_space<hbm>> -> memref<1x128xi32, #tpu.memory_space<hbm>>
          %dma_start3A_139 = tpu.memref_squeeze %dma_start3A_138 : memref<1x128xi32, #tpu.memory_space<hbm>> -> memref<128xi32, #tpu.memory_space<hbm>>
          %dma_start3A_140 = arith.constant 0 : i32
          %dma_start3A_141 = tpu.memref_slice %arg4[%add3A_136, %dma_start3A_140] : memref<2560x128xi32, #tpu.memory_space<hbm>> -> memref<1x128xi32, #tpu.memory_space<hbm>>
          %dma_start3A_142 = tpu.memref_squeeze %dma_start3A_141 : memref<1x128xi32, #tpu.memory_space<hbm>> -> memref<128xi32, #tpu.memory_space<hbm>>
          tpu.enqueue_dma source(%dma_start3A_142 : memref<128xi32, #tpu.memory_space<hbm>>) target(%arg11 : memref<128xi32, #tpu.memory_space<vmem>>) target_semaphore(%arg15 : memref<!tpu.dma_semaphore, #tpu.memory_space<semaphore_mem>>)
        } else {
        }
        %add3A_107 = arith.constant 1 : i32
        %add3A_108 = arith.addi %mul3A_88, %add3A_107 : i32
        %add3A_109 = arith.constant 1 : i32
        %add3A_110 = arith.addi %add3A_108, %add3A_109 : i32
        %lt3A_111 = arith.constant 112 : i32
        %lt3A_112 = arith.cmpi slt, %add3A_110, %lt3A_111 : i32
        %convert_element_type3A_113 = arith.extui %lt3A_112 : i1 to i32
        %cond3A_114 = arith.constant 0 : i32
        %cond3A_115 = arith.cmpi ne, %convert_element_type3A_113, %cond3A_114 : i32
        scf.if %cond3A_115 {
          %dma_wait3A_127 = arith.constant 0 : i32
          %dma_wait3A_128 = arith.constant 0 : i32
          %dma_wait3A_129 = tpu.memref_slice %arg3[%dma_wait3A_127, %dma_wait3A_128] : memref<2560x128xi32, #tpu.memory_space<hbm>> -> memref<1x128xi32, #tpu.memory_space<hbm>>
          %dma_wait3A_130 = tpu.memref_squeeze %dma_wait3A_129 : memref<1x128xi32, #tpu.memory_space<hbm>> -> memref<128xi32, #tpu.memory_space<hbm>>
          %dma_wait3A_131 = arith.constant 0 : i32
          %dma_wait3A_132 = tpu.memref_slice %arg3[%dma_wait3A_127, %dma_wait3A_131] : memref<2560x128xi32, #tpu.memory_space<hbm>> -> memref<1x128xi32, #tpu.memory_space<hbm>>
          %dma_wait3A_133 = tpu.memref_squeeze %dma_wait3A_132 : memref<1x128xi32, #tpu.memory_space<hbm>> -> memref<128xi32, #tpu.memory_space<hbm>>
          tpu.wait_dma2 semaphore(%arg15 : memref<!tpu.dma_semaphore, #tpu.memory_space<semaphore_mem>>) src(%dma_wait3A_133 : memref<128xi32, #tpu.memory_space<hbm>>) dst(%arg9 : memref<128xi32, #tpu.memory_space<vmem>>)
          %dma_wait3A_134 = arith.constant 0 : i32
          %dma_wait3A_135 = arith.constant 0 : i32
          %dma_wait3A_136 = tpu.memref_slice %arg4[%dma_wait3A_134, %dma_wait3A_135] : memref<2560x128xi32, #tpu.memory_space<hbm>> -> memref<1x128xi32, #tpu.memory_space<hbm>>
          %dma_wait3A_137 = tpu.memref_squeeze %dma_wait3A_136 : memref<1x128xi32, #tpu.memory_space<hbm>> -> memref<128xi32, #tpu.memory_space<hbm>>
          %dma_wait3A_138 = arith.constant 0 : i32
          %dma_wait3A_139 = tpu.memref_slice %arg4[%dma_wait3A_134, %dma_wait3A_138] : memref<2560x128xi32, #tpu.memory_space<hbm>> -> memref<1x128xi32, #tpu.memory_space<hbm>>
          %dma_wait3A_140 = tpu.memref_squeeze %dma_wait3A_139 : memref<1x128xi32, #tpu.memory_space<hbm>> -> memref<128xi32, #tpu.memory_space<hbm>>
          tpu.wait_dma2 semaphore(%arg15 : memref<!tpu.dma_semaphore, #tpu.memory_space<semaphore_mem>>) src(%dma_wait3A_140 : memref<128xi32, #tpu.memory_space<hbm>>) dst(%arg11 : memref<128xi32, #tpu.memory_space<vmem>>)
          %dma_start3A_141 = arith.constant 0 : i32
          %dma_start3A_142 = arith.constant 0 : i32
          %dma_start3A_143 = tpu.memref_slice %arg2[%dma_start3A_141, %dma_start3A_142] : memref<10000x128xf32, #tpu.memory_space<hbm>> -> memref<10000x128xf32, #tpu.memory_space<hbm>>
          tpu.enqueue_indirect_dma source(%dma_start3A_143 : memref<10000x128xf32, #tpu.memory_space<hbm>>) target(%arg7 : memref<128x128xf32, #tpu.memory_space<vmem>>) offsets(%arg9 : memref<128xi32, #tpu.memory_space<vmem>>) semaphore(%arg13 : memref<!tpu.dma_semaphore, #tpu.memory_space<semaphore_mem>>)
        } else {
        }
        %dma_wait3A_116 = arith.constant 0 : i32
        %dma_wait3A_117 = arith.constant 0 : i32
        %dma_wait3A_118 = tpu.memref_slice %arg2[%dma_wait3A_116, %dma_wait3A_117] : memref<10000x128xf32, #tpu.memory_space<hbm>> -> memref<10000x128xf32, #tpu.memory_space<hbm>>
        tpu.wait_indirect_dma semaphore(%arg14 : memref<!tpu.dma_semaphore, #tpu.memory_space<semaphore_mem>>) src(%dma_wait3A_118 : memref<10000x128xf32, #tpu.memory_space<hbm>>) dst(%arg8 : memref<128x128xf32, #tpu.memory_space<vmem>>)
        "tpu.region"() ({
          %run_scoped3A = tpu.sem_alloc : memref<!tpu.dma_semaphore, #tpu.memory_space<semaphore_mem>>
          %dma_start3A_127 = arith.constant 0 : i32
          %dma_start3A_128 = arith.constant 0 : i32
          %dma_start3A_129 = tpu.memref_slice %arg17[%dma_start3A_127, %dma_start3A_128] : memref<10240x128xf32, #tpu.memory_space<vmem_shared>> -> memref<10240x128xf32, #tpu.memory_space<vmem_shared>>
          tpu.enqueue_indirect_dma source(%arg8 : memref<128x128xf32, #tpu.memory_space<vmem>>) target(%dma_start3A_129 : memref<10240x128xf32, #tpu.memory_space<vmem_shared>>) offsets(%arg12 : memref<128xi32, #tpu.memory_space<vmem>>) semaphore(%run_scoped3A : memref<!tpu.dma_semaphore, #tpu.memory_space<semaphore_mem>>) {add = true}
          %dma_wait3A_130 = arith.constant 0 : i32
          %dma_wait3A_131 = arith.constant 0 : i32
          %dma_wait3A_132 = tpu.memref_slice %arg17[%dma_wait3A_130, %dma_wait3A_131] : memref<10240x128xf32, #tpu.memory_space<vmem_shared>> -> memref<10240x128xf32, #tpu.memory_space<vmem_shared>>
          tpu.wait_indirect_dma semaphore(%run_scoped3A : memref<!tpu.dma_semaphore, #tpu.memory_space<semaphore_mem>>) src(%arg8 : memref<128x128xf32, #tpu.memory_space<vmem>>) dst(%dma_wait3A_132 : memref<10240x128xf32, #tpu.memory_space<vmem_shared>>)
          tpu.yield
        }) : () -> ()
        %add3A_119 = arith.constant 2 : i32
        %add3A_120 = arith.addi %add3A_108, %add3A_119 : i32
        %lt3A_121 = arith.constant 112 : i32
        %lt3A_122 = arith.cmpi slt, %add3A_120, %lt3A_121 : i32
        %convert_element_type3A_123 = arith.extui %lt3A_122 : i1 to i32
        %cond3A_124 = arith.constant 0 : i32
        %cond3A_125 = arith.cmpi ne, %convert_element_type3A_123, %cond3A_124 : i32
        scf.if %cond3A_125 {
          %add3A_127 = arith.constant 2 : i32
          %add3A_128 = arith.addi %add3A_108, %add3A_127 : i32
          %add3A_129 = arith.addi %mul3A_31, %add3A_128 : i32
          %dma_start3A_130 = arith.constant 0 : i32
          %dma_start3A_131 = tpu.memref_slice %arg3[%add3A_129, %dma_start3A_130] : memref<2560x128xi32, #tpu.memory_space<hbm>> -> memref<1x128xi32, #tpu.memory_space<hbm>>
          %dma_start3A_132 = tpu.memref_squeeze %dma_start3A_131 : memref<1x128xi32, #tpu.memory_space<hbm>> -> memref<128xi32, #tpu.memory_space<hbm>>
          %dma_start3A_133 = arith.constant 0 : i32
          %dma_start3A_134 = tpu.memref_slice %arg3[%add3A_129, %dma_start3A_133] : memref<2560x128xi32, #tpu.memory_space<hbm>> -> memref<1x128xi32, #tpu.memory_space<hbm>>
          %dma_start3A_135 = tpu.memref_squeeze %dma_start3A_134 : memref<1x128xi32, #tpu.memory_space<hbm>> -> memref<128xi32, #tpu.memory_space<hbm>>
          tpu.enqueue_dma source(%dma_start3A_135 : memref<128xi32, #tpu.memory_space<hbm>>) target(%arg10 : memref<128xi32, #tpu.memory_space<vmem>>) target_semaphore(%arg16 : memref<!tpu.dma_semaphore, #tpu.memory_space<semaphore_mem>>)
          %add3A_136 = arith.addi %mul3A_31, %add3A_128 : i32
          %dma_start3A_137 = arith.constant 0 : i32
          %dma_start3A_138 = tpu.memref_slice %arg4[%add3A_136, %dma_start3A_137] : memref<2560x128xi32, #tpu.memory_space<hbm>> -> memref<1x128xi32, #tpu.memory_space<hbm>>
          %dma_start3A_139 = tpu.memref_squeeze %dma_start3A_138 : memref<1x128xi32, #tpu.memory_space<hbm>> -> memref<128xi32, #tpu.memory_space<hbm>>
          %dma_start3A_140 = arith.constant 0 : i32
          %dma_start3A_141 = tpu.memref_slice %arg4[%add3A_136, %dma_start3A_140] : memref<2560x128xi32, #tpu.memory_space<hbm>> -> memref<1x128xi32, #tpu.memory_space<hbm>>
          %dma_start3A_142 = tpu.memref_squeeze %dma_start3A_141 : memref<1x128xi32, #tpu.memory_space<hbm>> -> memref<128xi32, #tpu.memory_space<hbm>>
          tpu.enqueue_dma source(%dma_start3A_142 : memref<128xi32, #tpu.memory_space<hbm>>) target(%arg12 : memref<128xi32, #tpu.memory_space<vmem>>) target_semaphore(%arg16 : memref<!tpu.dma_semaphore, #tpu.memory_space<semaphore_mem>>)
        } else {
        }
        %scan3A_126 = arith.constant 0 : i32
        scf.yield %scan3A_126 : i32
      }
      %scan3A_84 = arith.constant 56 : i32
    } else {
    }
    %eq3A_20 = arith.constant 1 : i32
    %eq3A_21 = arith.cmpi eq, %arg0, %eq3A_20 : i32
    %convert_element_type3A_22 = arith.extui %eq3A_21 : i1 to i32
    %cond3A_23 = arith.constant 0 : i32
    %cond3A_24 = arith.cmpi ne, %convert_element_type3A_22, %cond3A_23 : i32
    scf.if %cond3A_24 {
      %mul3A_30 = arith.constant 48 : i32
      %mul3A_31 = arith.muli %arg1, %mul3A_30 : i32
      %add3A_32 = arith.constant 1792 : i32
      %add3A_33 = arith.addi %add3A_32, %mul3A_31 : i32
      %add3A_34 = arith.constant 0 : i32
      %add3A_35 = arith.addi %add3A_33, %add3A_34 : i32
      %dma_start3A = arith.constant 0 : i32
      %dma_start3A_36 = tpu.memref_slice %arg3[%add3A_35, %dma_start3A] : memref<2560x128xi32, #tpu.memory_space<hbm>> -> memref<1x128xi32, #tpu.memory_space<hbm>>
      %dma_start3A_37 = tpu.memref_squeeze %dma_start3A_36 : memref<1x128xi32, #tpu.memory_space<hbm>> -> memref<128xi32, #tpu.memory_space<hbm>>
      %dma_start3A_38 = arith.constant 0 : i32
      %dma_start3A_39 = tpu.memref_slice %arg3[%add3A_35, %dma_start3A_38] : memref<2560x128xi32, #tpu.memory_space<hbm>> -> memref<1x128xi32, #tpu.memory_space<hbm>>
      %dma_start3A_40 = tpu.memref_squeeze %dma_start3A_39 : memref<1x128xi32, #tpu.memory_space<hbm>> -> memref<128xi32, #tpu.memory_space<hbm>>
      tpu.enqueue_dma source(%dma_start3A_40 : memref<128xi32, #tpu.memory_space<hbm>>) target(%arg9 : memref<128xi32, #tpu.memory_space<vmem>>) target_semaphore(%arg15 : memref<!tpu.dma_semaphore, #tpu.memory_space<semaphore_mem>>)
      %add3A_41 = arith.constant 0 : i32
      %add3A_42 = arith.addi %add3A_33, %add3A_41 : i32
      %dma_start3A_43 = arith.constant 0 : i32
      %dma_start3A_44 = tpu.memref_slice %arg4[%add3A_42, %dma_start3A_43] : memref<2560x128xi32, #tpu.memory_space<hbm>> -> memref<1x128xi32, #tpu.memory_space<hbm>>
      %dma_start3A_45 = tpu.memref_squeeze %dma_start3A_44 : memref<1x128xi32, #tpu.memory_space<hbm>> -> memref<128xi32, #tpu.memory_space<hbm>>
      %dma_start3A_46 = arith.constant 0 : i32
      %dma_start3A_47 = tpu.memref_slice %arg4[%add3A_42, %dma_start3A_46] : memref<2560x128xi32, #tpu.memory_space<hbm>> -> memref<1x128xi32, #tpu.memory_space<hbm>>
      %dma_start3A_48 = tpu.memref_squeeze %dma_start3A_47 : memref<1x128xi32, #tpu.memory_space<hbm>> -> memref<128xi32, #tpu.memory_space<hbm>>
      tpu.enqueue_dma source(%dma_start3A_48 : memref<128xi32, #tpu.memory_space<hbm>>) target(%arg11 : memref<128xi32, #tpu.memory_space<vmem>>) target_semaphore(%arg15 : memref<!tpu.dma_semaphore, #tpu.memory_space<semaphore_mem>>)
      %scan3A = arith.constant 0 : i32
      %scan3A_49 = arith.constant 0 : i32
      %scan3A_50 = arith.constant 24 : i32
      %scan3A_51 = arith.addi %scan3A_49, %scan3A_50 : i32
      %scan3A_52 = arith.constant 1 : i32
      %scan3A_53 = scf.for %scan3A_55 = %scan3A_49 to %scan3A_51 step %scan3A_52 iter_args(%scan3A_56 = %scan3A) -> (i32)  : i32 {
        %mul3A_57 = arith.constant 2 : i32
        %mul3A_58 = arith.muli %mul3A_57, %scan3A_55 : i32
        %add3A_59 = arith.constant 0 : i32
        %add3A_60 = arith.addi %mul3A_58, %add3A_59 : i32
        %dma_wait3A = arith.constant 0 : i32
        %dma_wait3A_61 = arith.constant 0 : i32
        %dma_wait3A_62 = tpu.memref_slice %arg3[%dma_wait3A, %dma_wait3A_61] : memref<2560x128xi32, #tpu.memory_space<hbm>> -> memref<1x128xi32, #tpu.memory_space<hbm>>
        %dma_wait3A_63 = tpu.memref_squeeze %dma_wait3A_62 : memref<1x128xi32, #tpu.memory_space<hbm>> -> memref<128xi32, #tpu.memory_space<hbm>>
        %dma_wait3A_64 = arith.constant 0 : i32
        %dma_wait3A_65 = tpu.memref_slice %arg3[%dma_wait3A, %dma_wait3A_64] : memref<2560x128xi32, #tpu.memory_space<hbm>> -> memref<1x128xi32, #tpu.memory_space<hbm>>
        %dma_wait3A_66 = tpu.memref_squeeze %dma_wait3A_65 : memref<1x128xi32, #tpu.memory_space<hbm>> -> memref<128xi32, #tpu.memory_space<hbm>>
        tpu.wait_dma2 semaphore(%arg15 : memref<!tpu.dma_semaphore, #tpu.memory_space<semaphore_mem>>) src(%dma_wait3A_66 : memref<128xi32, #tpu.memory_space<hbm>>) dst(%arg9 : memref<128xi32, #tpu.memory_space<vmem>>)
        %dma_wait3A_67 = arith.constant 0 : i32
        %dma_wait3A_68 = arith.constant 0 : i32
        %dma_wait3A_69 = tpu.memref_slice %arg4[%dma_wait3A_67, %dma_wait3A_68] : memref<2560x128xi32, #tpu.memory_space<hbm>> -> memref<1x128xi32, #tpu.memory_space<hbm>>
        %dma_wait3A_70 = tpu.memref_squeeze %dma_wait3A_69 : memref<1x128xi32, #tpu.memory_space<hbm>> -> memref<128xi32, #tpu.memory_space<hbm>>
        %dma_wait3A_71 = arith.constant 0 : i32
        %dma_wait3A_72 = tpu.memref_slice %arg4[%dma_wait3A_67, %dma_wait3A_71] : memref<2560x128xi32, #tpu.memory_space<hbm>> -> memref<1x128xi32, #tpu.memory_space<hbm>>
        %dma_wait3A_73 = tpu.memref_squeeze %dma_wait3A_72 : memref<1x128xi32, #tpu.memory_space<hbm>> -> memref<128xi32, #tpu.memory_space<hbm>>
        tpu.wait_dma2 semaphore(%arg15 : memref<!tpu.dma_semaphore, #tpu.memory_space<semaphore_mem>>) src(%dma_wait3A_73 : memref<128xi32, #tpu.memory_space<hbm>>) dst(%arg11 : memref<128xi32, #tpu.memory_space<vmem>>)
        %add3A_74 = arith.constant 1 : i32
        %add3A_75 = arith.addi %add3A_60, %add3A_74 : i32
        %lt3A = arith.constant 48 : i32
        %lt3A_76 = arith.cmpi slt, %add3A_75, %lt3A : i32
        %convert_element_type3A_77 = arith.extui %lt3A_76 : i1 to i32
        %cond3A_78 = arith.constant 0 : i32
        %cond3A_79 = arith.cmpi ne, %convert_element_type3A_77, %cond3A_78 : i32
        scf.if %cond3A_79 {
          %add3A_118 = arith.constant 1 : i32
          %add3A_119 = arith.addi %add3A_60, %add3A_118 : i32
          %add3A_120 = arith.addi %add3A_33, %add3A_119 : i32
          %dma_start3A_121 = arith.constant 0 : i32
          %dma_start3A_122 = tpu.memref_slice %arg3[%add3A_120, %dma_start3A_121] : memref<2560x128xi32, #tpu.memory_space<hbm>> -> memref<1x128xi32, #tpu.memory_space<hbm>>
          %dma_start3A_123 = tpu.memref_squeeze %dma_start3A_122 : memref<1x128xi32, #tpu.memory_space<hbm>> -> memref<128xi32, #tpu.memory_space<hbm>>
          %dma_start3A_124 = arith.constant 0 : i32
          %dma_start3A_125 = tpu.memref_slice %arg3[%add3A_120, %dma_start3A_124] : memref<2560x128xi32, #tpu.memory_space<hbm>> -> memref<1x128xi32, #tpu.memory_space<hbm>>
          %dma_start3A_126 = tpu.memref_squeeze %dma_start3A_125 : memref<1x128xi32, #tpu.memory_space<hbm>> -> memref<128xi32, #tpu.memory_space<hbm>>
          tpu.enqueue_dma source(%dma_start3A_126 : memref<128xi32, #tpu.memory_space<hbm>>) target(%arg10 : memref<128xi32, #tpu.memory_space<vmem>>) target_semaphore(%arg16 : memref<!tpu.dma_semaphore, #tpu.memory_space<semaphore_mem>>)
          %add3A_127 = arith.addi %add3A_33, %add3A_119 : i32
          %dma_start3A_128 = arith.constant 0 : i32
          %dma_start3A_129 = tpu.memref_slice %arg4[%add3A_127, %dma_start3A_128] : memref<2560x128xi32, #tpu.memory_space<hbm>> -> memref<1x128xi32, #tpu.memory_space<hbm>>
          %dma_start3A_130 = tpu.memref_squeeze %dma_start3A_129 : memref<1x128xi32, #tpu.memory_space<hbm>> -> memref<128xi32, #tpu.memory_space<hbm>>
          %dma_start3A_131 = arith.constant 0 : i32
          %dma_start3A_132 = tpu.memref_slice %arg4[%add3A_127, %dma_start3A_131] : memref<2560x128xi32, #tpu.memory_space<hbm>> -> memref<1x128xi32, #tpu.memory_space<hbm>>
          %dma_start3A_133 = tpu.memref_squeeze %dma_start3A_132 : memref<1x128xi32, #tpu.memory_space<hbm>> -> memref<128xi32, #tpu.memory_space<hbm>>
          tpu.enqueue_dma source(%dma_start3A_133 : memref<128xi32, #tpu.memory_space<hbm>>) target(%arg12 : memref<128xi32, #tpu.memory_space<vmem>>) target_semaphore(%arg16 : memref<!tpu.dma_semaphore, #tpu.memory_space<semaphore_mem>>)
        } else {
        }
        %dma_start3A_80 = arith.constant 0 : i32
        %dma_start3A_81 = arith.constant 0 : i32
        %dma_start3A_82 = tpu.memref_slice %arg2[%dma_start3A_80, %dma_start3A_81] : memref<10000x128xf32, #tpu.memory_space<hbm>> -> memref<10000x128xf32, #tpu.memory_space<hbm>>
        tpu.enqueue_indirect_dma source(%dma_start3A_82 : memref<10000x128xf32, #tpu.memory_space<hbm>>) target(%arg7 : memref<128x128xf32, #tpu.memory_space<vmem>>) offsets(%arg9 : memref<128xi32, #tpu.memory_space<vmem>>) semaphore(%arg13 : memref<!tpu.dma_semaphore, #tpu.memory_space<semaphore_mem>>)
        %dma_wait3A_83 = arith.constant 0 : i32
        %dma_wait3A_84 = arith.constant 0 : i32
        %dma_wait3A_85 = tpu.memref_slice %arg2[%dma_wait3A_83, %dma_wait3A_84] : memref<10000x128xf32, #tpu.memory_space<hbm>> -> memref<10000x128xf32, #tpu.memory_space<hbm>>
        tpu.wait_indirect_dma semaphore(%arg13 : memref<!tpu.dma_semaphore, #tpu.memory_space<semaphore_mem>>) src(%dma_wait3A_85 : memref<10000x128xf32, #tpu.memory_space<hbm>>) dst(%arg7 : memref<128x128xf32, #tpu.memory_space<vmem>>)
        "tpu.region"() ({
          %run_scoped3A = tpu.sem_alloc : memref<!tpu.dma_semaphore, #tpu.memory_space<semaphore_mem>>
          %dma_start3A_118 = arith.constant 0 : i32
          %dma_start3A_119 = arith.constant 0 : i32
          %dma_start3A_120 = tpu.memref_slice %arg17[%dma_start3A_118, %dma_start3A_119] : memref<10240x128xf32, #tpu.memory_space<vmem_shared>> -> memref<10240x128xf32, #tpu.memory_space<vmem_shared>>
          tpu.enqueue_indirect_dma source(%arg7 : memref<128x128xf32, #tpu.memory_space<vmem>>) target(%dma_start3A_120 : memref<10240x128xf32, #tpu.memory_space<vmem_shared>>) offsets(%arg11 : memref<128xi32, #tpu.memory_space<vmem>>) semaphore(%run_scoped3A : memref<!tpu.dma_semaphore, #tpu.memory_space<semaphore_mem>>) {add = true}
          %dma_wait3A_121 = arith.constant 0 : i32
          %dma_wait3A_122 = arith.constant 0 : i32
          %dma_wait3A_123 = tpu.memref_slice %arg17[%dma_wait3A_121, %dma_wait3A_122] : memref<10240x128xf32, #tpu.memory_space<vmem_shared>> -> memref<10240x128xf32, #tpu.memory_space<vmem_shared>>
          tpu.wait_indirect_dma semaphore(%run_scoped3A : memref<!tpu.dma_semaphore, #tpu.memory_space<semaphore_mem>>) src(%arg7 : memref<128x128xf32, #tpu.memory_space<vmem>>) dst(%dma_wait3A_123 : memref<10240x128xf32, #tpu.memory_space<vmem_shared>>)
          tpu.yield
        }) : () -> ()
        %mul3A_86 = arith.constant 2 : i32
        %mul3A_87 = arith.muli %mul3A_86, %scan3A_55 : i32
        %add3A_88 = arith.constant 1 : i32
        %add3A_89 = arith.addi %mul3A_87, %add3A_88 : i32
        %dma_wait3A_90 = arith.constant 0 : i32
        %dma_wait3A_91 = arith.constant 0 : i32
        %dma_wait3A_92 = tpu.memref_slice %arg3[%dma_wait3A_90, %dma_wait3A_91] : memref<2560x128xi32, #tpu.memory_space<hbm>> -> memref<1x128xi32, #tpu.memory_space<hbm>>
        %dma_wait3A_93 = tpu.memref_squeeze %dma_wait3A_92 : memref<1x128xi32, #tpu.memory_space<hbm>> -> memref<128xi32, #tpu.memory_space<hbm>>
        %dma_wait3A_94 = arith.constant 0 : i32
        %dma_wait3A_95 = tpu.memref_slice %arg3[%dma_wait3A_90, %dma_wait3A_94] : memref<2560x128xi32, #tpu.memory_space<hbm>> -> memref<1x128xi32, #tpu.memory_space<hbm>>
        %dma_wait3A_96 = tpu.memref_squeeze %dma_wait3A_95 : memref<1x128xi32, #tpu.memory_space<hbm>> -> memref<128xi32, #tpu.memory_space<hbm>>
        tpu.wait_dma2 semaphore(%arg16 : memref<!tpu.dma_semaphore, #tpu.memory_space<semaphore_mem>>) src(%dma_wait3A_96 : memref<128xi32, #tpu.memory_space<hbm>>) dst(%arg10 : memref<128xi32, #tpu.memory_space<vmem>>)
        %dma_wait3A_97 = arith.constant 0 : i32
        %dma_wait3A_98 = arith.constant 0 : i32
        %dma_wait3A_99 = tpu.memref_slice %arg4[%dma_wait3A_97, %dma_wait3A_98] : memref<2560x128xi32, #tpu.memory_space<hbm>> -> memref<1x128xi32, #tpu.memory_space<hbm>>
        %dma_wait3A_100 = tpu.memref_squeeze %dma_wait3A_99 : memref<1x128xi32, #tpu.memory_space<hbm>> -> memref<128xi32, #tpu.memory_space<hbm>>
        %dma_wait3A_101 = arith.constant 0 : i32
        %dma_wait3A_102 = tpu.memref_slice %arg4[%dma_wait3A_97, %dma_wait3A_101] : memref<2560x128xi32, #tpu.memory_space<hbm>> -> memref<1x128xi32, #tpu.memory_space<hbm>>
        %dma_wait3A_103 = tpu.memref_squeeze %dma_wait3A_102 : memref<1x128xi32, #tpu.memory_space<hbm>> -> memref<128xi32, #tpu.memory_space<hbm>>
        tpu.wait_dma2 semaphore(%arg16 : memref<!tpu.dma_semaphore, #tpu.memory_space<semaphore_mem>>) src(%dma_wait3A_103 : memref<128xi32, #tpu.memory_space<hbm>>) dst(%arg12 : memref<128xi32, #tpu.memory_space<vmem>>)
        %add3A_104 = arith.constant 1 : i32
        %add3A_105 = arith.addi %add3A_89, %add3A_104 : i32
        %lt3A_106 = arith.constant 48 : i32
        %lt3A_107 = arith.cmpi slt, %add3A_105, %lt3A_106 : i32
        %convert_element_type3A_108 = arith.extui %lt3A_107 : i1 to i32
        %cond3A_109 = arith.constant 0 : i32
        %cond3A_110 = arith.cmpi ne, %convert_element_type3A_108, %cond3A_109 : i32
        scf.if %cond3A_110 {
          %add3A_118 = arith.constant 1 : i32
          %add3A_119 = arith.addi %add3A_89, %add3A_118 : i32
          %add3A_120 = arith.addi %add3A_33, %add3A_119 : i32
          %dma_start3A_121 = arith.constant 0 : i32
          %dma_start3A_122 = tpu.memref_slice %arg3[%add3A_120, %dma_start3A_121] : memref<2560x128xi32, #tpu.memory_space<hbm>> -> memref<1x128xi32, #tpu.memory_space<hbm>>
          %dma_start3A_123 = tpu.memref_squeeze %dma_start3A_122 : memref<1x128xi32, #tpu.memory_space<hbm>> -> memref<128xi32, #tpu.memory_space<hbm>>
          %dma_start3A_124 = arith.constant 0 : i32
          %dma_start3A_125 = tpu.memref_slice %arg3[%add3A_120, %dma_start3A_124] : memref<2560x128xi32, #tpu.memory_space<hbm>> -> memref<1x128xi32, #tpu.memory_space<hbm>>
          %dma_start3A_126 = tpu.memref_squeeze %dma_start3A_125 : memref<1x128xi32, #tpu.memory_space<hbm>> -> memref<128xi32, #tpu.memory_space<hbm>>
          tpu.enqueue_dma source(%dma_start3A_126 : memref<128xi32, #tpu.memory_space<hbm>>) target(%arg9 : memref<128xi32, #tpu.memory_space<vmem>>) target_semaphore(%arg15 : memref<!tpu.dma_semaphore, #tpu.memory_space<semaphore_mem>>)
          %add3A_127 = arith.addi %add3A_33, %add3A_119 : i32
          %dma_start3A_128 = arith.constant 0 : i32
          %dma_start3A_129 = tpu.memref_slice %arg4[%add3A_127, %dma_start3A_128] : memref<2560x128xi32, #tpu.memory_space<hbm>> -> memref<1x128xi32, #tpu.memory_space<hbm>>
          %dma_start3A_130 = tpu.memref_squeeze %dma_start3A_129 : memref<1x128xi32, #tpu.memory_space<hbm>> -> memref<128xi32, #tpu.memory_space<hbm>>
          %dma_start3A_131 = arith.constant 0 : i32
          %dma_start3A_132 = tpu.memref_slice %arg4[%add3A_127, %dma_start3A_131] : memref<2560x128xi32, #tpu.memory_space<hbm>> -> memref<1x128xi32, #tpu.memory_space<hbm>>
          %dma_start3A_133 = tpu.memref_squeeze %dma_start3A_132 : memref<1x128xi32, #tpu.memory_space<hbm>> -> memref<128xi32, #tpu.memory_space<hbm>>
          tpu.enqueue_dma source(%dma_start3A_133 : memref<128xi32, #tpu.memory_space<hbm>>) target(%arg11 : memref<128xi32, #tpu.memory_space<vmem>>) target_semaphore(%arg15 : memref<!tpu.dma_semaphore, #tpu.memory_space<semaphore_mem>>)
        } else {
        }
        %dma_start3A_111 = arith.constant 0 : i32
        %dma_start3A_112 = arith.constant 0 : i32
        %dma_start3A_113 = tpu.memref_slice %arg2[%dma_start3A_111, %dma_start3A_112] : memref<10000x128xf32, #tpu.memory_space<hbm>> -> memref<10000x128xf32, #tpu.memory_space<hbm>>
        tpu.enqueue_indirect_dma source(%dma_start3A_113 : memref<10000x128xf32, #tpu.memory_space<hbm>>) target(%arg7 : memref<128x128xf32, #tpu.memory_space<vmem>>) offsets(%arg10 : memref<128xi32, #tpu.memory_space<vmem>>) semaphore(%arg13 : memref<!tpu.dma_semaphore, #tpu.memory_space<semaphore_mem>>)
        %dma_wait3A_114 = arith.constant 0 : i32
        %dma_wait3A_115 = arith.constant 0 : i32
        %dma_wait3A_116 = tpu.memref_slice %arg2[%dma_wait3A_114, %dma_wait3A_115] : memref<10000x128xf32, #tpu.memory_space<hbm>> -> memref<10000x128xf32, #tpu.memory_space<hbm>>
        tpu.wait_indirect_dma semaphore(%arg13 : memref<!tpu.dma_semaphore, #tpu.memory_space<semaphore_mem>>) src(%dma_wait3A_116 : memref<10000x128xf32, #tpu.memory_space<hbm>>) dst(%arg7 : memref<128x128xf32, #tpu.memory_space<vmem>>)
        "tpu.region"() ({
          %run_scoped3A = tpu.sem_alloc : memref<!tpu.dma_semaphore, #tpu.memory_space<semaphore_mem>>
          %dma_start3A_118 = arith.constant 0 : i32
          %dma_start3A_119 = arith.constant 0 : i32
          %dma_start3A_120 = tpu.memref_slice %arg17[%dma_start3A_118, %dma_start3A_119] : memref<10240x128xf32, #tpu.memory_space<vmem_shared>> -> memref<10240x128xf32, #tpu.memory_space<vmem_shared>>
          tpu.enqueue_indirect_dma source(%arg7 : memref<128x128xf32, #tpu.memory_space<vmem>>) target(%dma_start3A_120 : memref<10240x128xf32, #tpu.memory_space<vmem_shared>>) offsets(%arg12 : memref<128xi32, #tpu.memory_space<vmem>>) semaphore(%run_scoped3A : memref<!tpu.dma_semaphore, #tpu.memory_space<semaphore_mem>>) {add = true}
          %dma_wait3A_121 = arith.constant 0 : i32
          %dma_wait3A_122 = arith.constant 0 : i32
          %dma_wait3A_123 = tpu.memref_slice %arg17[%dma_wait3A_121, %dma_wait3A_122] : memref<10240x128xf32, #tpu.memory_space<vmem_shared>> -> memref<10240x128xf32, #tpu.memory_space<vmem_shared>>
          tpu.wait_indirect_dma semaphore(%run_scoped3A : memref<!tpu.dma_semaphore, #tpu.memory_space<semaphore_mem>>) src(%arg7 : memref<128x128xf32, #tpu.memory_space<vmem>>) dst(%dma_wait3A_123 : memref<10240x128xf32, #tpu.memory_space<vmem_shared>>)
          tpu.yield
        }) : () -> ()
        %scan3A_117 = arith.constant 0 : i32
        scf.yield %scan3A_117 : i32
      }
      %scan3A_54 = arith.constant 24 : i32
    } else {
    }
    %barrier3A_25 = arith.constant 0 : index
    tpu.barrier barrier_id(%barrier3A_25)
    %mul3A_26 = arith.constant 640 : i32
    %mul3A_27 = arith.muli %arg1, %mul3A_26 : i32
    %mul3A_28 = arith.constant 640 : i32
    %mul3A_29 = arith.muli %arg1, %mul3A_28 : i32
    "tpu.region"() ({
      %run_scoped3A = tpu.sem_alloc : memref<!tpu.dma_semaphore, #tpu.memory_space<semaphore_mem>>
      %dma_start3A = arith.constant 0 : i32
      %dma_start3A_30 = tpu.memref_slice %arg6[%arg0, %mul3A_29, %dma_start3A] : memref<2x10240x128xf32, #tpu.memory_space<hbm>> -> memref<1x640x128xf32, #tpu.memory_space<hbm>>
      %dma_start3A_31 = tpu.memref_squeeze %dma_start3A_30 : memref<1x640x128xf32, #tpu.memory_space<hbm>> -> memref<640x128xf32, #tpu.memory_space<hbm>>
      %dma_start3A_32 = arith.constant 0 : i32
      %dma_start3A_33 = tpu.memref_slice %arg17[%mul3A_27, %dma_start3A_32] : memref<10240x128xf32, #tpu.memory_space<vmem_shared>> -> memref<640x128xf32, #tpu.memory_space<vmem_shared>>
      tpu.enqueue_dma source(%dma_start3A_33 : memref<640x128xf32, #tpu.memory_space<vmem_shared>>) target(%dma_start3A_31 : memref<640x128xf32, #tpu.memory_space<hbm>>) target_semaphore(%run_scoped3A : memref<!tpu.dma_semaphore, #tpu.memory_space<semaphore_mem>>)
      %dma_wait3A = arith.constant 0 : i32
      %dma_wait3A_34 = tpu.memref_slice %arg6[%arg0, %mul3A_29, %dma_wait3A] : memref<2x10240x128xf32, #tpu.memory_space<hbm>> -> memref<1x640x128xf32, #tpu.memory_space<hbm>>
      %dma_wait3A_35 = tpu.memref_squeeze %dma_wait3A_34 : memref<1x640x128xf32, #tpu.memory_space<hbm>> -> memref<640x128xf32, #tpu.memory_space<hbm>>
      %dma_wait3A_36 = arith.constant 0 : i32
      %dma_wait3A_37 = tpu.memref_slice %arg17[%mul3A_27, %dma_wait3A_36] : memref<10240x128xf32, #tpu.memory_space<vmem_shared>> -> memref<640x128xf32, #tpu.memory_space<vmem_shared>>
      tpu.wait_dma2 semaphore(%run_scoped3A : memref<!tpu.dma_semaphore, #tpu.memory_space<semaphore_mem>>) src(%dma_wait3A_37 : memref<640x128xf32, #tpu.memory_space<vmem_shared>>) dst(%dma_wait3A_35 : memref<640x128xf32, #tpu.memory_space<hbm>>)
      tpu.yield
    }) : () -> ()
    return
  }
}

#map = affine_map<(d0, d1) -> (0, 0)>
#map1 = affine_map<(d0, d1) -> (0, 0, 0)>
module attributes {stable_mosaic.version = 14 : i64} {
  func.func @_agg_body(%arg0: i32, %arg1: i32, %arg2: memref<10000x128xf32, #tpu.memory_space<hbm>>, %arg3: memref<2560x128xi32, #tpu.memory_space<hbm>>, %arg4: memref<2560x128xi32, #tpu.memory_space<hbm>>, %arg5: memref<128x128xf32, #tpu.memory_space<hbm>>, %arg6: memref<2x10240x128xf32, #tpu.memory_space<hbm>>, %arg7: memref<128x128xf32, #tpu.memory_space<vmem>>, %arg8: memref<128x128xf32, #tpu.memory_space<vmem>>, %arg9: memref<128xi32, #tpu.memory_space<vmem>>, %arg10: memref<128xi32, #tpu.memory_space<vmem>>, %arg11: memref<128xi32, #tpu.memory_space<vmem>>, %arg12: memref<128xi32, #tpu.memory_space<vmem>>, %arg13: memref<!tpu.dma_semaphore, #tpu.memory_space<semaphore_mem>>, %arg14: memref<!tpu.dma_semaphore, #tpu.memory_space<semaphore_mem>>, %arg15: memref<!tpu.dma_semaphore, #tpu.memory_space<semaphore_mem>>, %arg16: memref<!tpu.dma_semaphore, #tpu.memory_space<semaphore_mem>>, %arg17: memref<10240x128xf32, #tpu.memory_space<vmem_shared>>) attributes {dimension_semantics = [#tpu.dimension_semantics<core_parallel>, #tpu.dimension_semantics<subcore_parallel>], iteration_bounds = array<i64: 2, 16>, scalar_prefetch = 0 : i64, scratch_operands = 11 : i64, tpu.core_type = #tpu.core_type<sc_vector_subcore>, window_params = [{transform_indices = #map}, {transform_indices = #map}, {transform_indices = #map}, {transform_indices = #map}, {transform_indices = #map1}]} {
    "tpu.region"() ({
      %run_scoped3A = tpu.sem_alloc : memref<!tpu.dma_semaphore, #tpu.memory_space<semaphore_mem>>
      tpu.enqueue_dma source(%arg5 : memref<128x128xf32, #tpu.memory_space<hbm>>) target(%arg7 : memref<128x128xf32, #tpu.memory_space<vmem>>) target_semaphore(%run_scoped3A : memref<!tpu.dma_semaphore, #tpu.memory_space<semaphore_mem>>)
      tpu.wait_dma2 semaphore(%run_scoped3A : memref<!tpu.dma_semaphore, #tpu.memory_space<semaphore_mem>>) src(%arg5 : memref<128x128xf32, #tpu.memory_space<hbm>>) dst(%arg7 : memref<128x128xf32, #tpu.memory_space<vmem>>)
      tpu.yield
    }) : () -> ()
    %mul3A = arith.constant 640 : i32
    %mul3A_0 = arith.muli %arg1, %mul3A : i32
    %add3A = arith.constant 0 : i32
    %add3A_1 = arith.addi %mul3A_0, %add3A : i32
    "tpu.region"() ({
      %run_scoped3A = tpu.sem_alloc : memref<!tpu.dma_semaphore, #tpu.memory_space<semaphore_mem>>
      %dma_start3A = arith.constant 0 : i32
      %dma_start3A_30 = tpu.memref_slice %arg17[%add3A_1, %dma_start3A] : memref<10240x128xf32, #tpu.memory_space<vmem_shared>> -> memref<128x128xf32, #tpu.memory_space<vmem_shared>>
      %dma_start3A_31 = arith.constant 0 : i32
      %dma_start3A_32 = tpu.memref_slice %arg17[%add3A_1, %dma_start3A_31] : memref<10240x128xf32, #tpu.memory_space<vmem_shared>> -> memref<128x128xf32, #tpu.memory_space<vmem_shared>>
      tpu.enqueue_dma source(%arg7 : memref<128x128xf32, #tpu.memory_space<vmem>>) target(%dma_start3A_32 : memref<128x128xf32, #tpu.memory_space<vmem_shared>>) target_semaphore(%run_scoped3A : memref<!tpu.dma_semaphore, #tpu.memory_space<semaphore_mem>>)
      %dma_wait3A = arith.constant 0 : i32
      %dma_wait3A_33 = tpu.memref_slice %arg17[%add3A_1, %dma_wait3A] : memref<10240x128xf32, #tpu.memory_space<vmem_shared>> -> memref<128x128xf32, #tpu.memory_space<vmem_shared>>
      %dma_wait3A_34 = arith.constant 0 : i32
      %dma_wait3A_35 = tpu.memref_slice %arg17[%add3A_1, %dma_wait3A_34] : memref<10240x128xf32, #tpu.memory_space<vmem_shared>> -> memref<128x128xf32, #tpu.memory_space<vmem_shared>>
      tpu.wait_dma2 semaphore(%run_scoped3A : memref<!tpu.dma_semaphore, #tpu.memory_space<semaphore_mem>>) src(%arg7 : memref<128x128xf32, #tpu.memory_space<vmem>>) dst(%dma_wait3A_35 : memref<128x128xf32, #tpu.memory_space<vmem_shared>>)
      tpu.yield
    }) : () -> ()
    %mul3A_2 = arith.constant 640 : i32
    %mul3A_3 = arith.muli %arg1, %mul3A_2 : i32
    %add3A_4 = arith.constant 128 : i32
    %add3A_5 = arith.addi %mul3A_3, %add3A_4 : i32
    "tpu.region"() ({
      %run_scoped3A = tpu.sem_alloc : memref<!tpu.dma_semaphore, #tpu.memory_space<semaphore_mem>>
      %dma_start3A = arith.constant 0 : i32
      %dma_start3A_30 = tpu.memref_slice %arg17[%add3A_5, %dma_start3A] : memref<10240x128xf32, #tpu.memory_space<vmem_shared>> -> memref<128x128xf32, #tpu.memory_space<vmem_shared>>
      %dma_start3A_31 = arith.constant 0 : i32
      %dma_start3A_32 = tpu.memref_slice %arg17[%add3A_5, %dma_start3A_31] : memref<10240x128xf32, #tpu.memory_space<vmem_shared>> -> memref<128x128xf32, #tpu.memory_space<vmem_shared>>
      tpu.enqueue_dma source(%arg7 : memref<128x128xf32, #tpu.memory_space<vmem>>) target(%dma_start3A_32 : memref<128x128xf32, #tpu.memory_space<vmem_shared>>) target_semaphore(%run_scoped3A : memref<!tpu.dma_semaphore, #tpu.memory_space<semaphore_mem>>)
      %dma_wait3A = arith.constant 0 : i32
      %dma_wait3A_33 = tpu.memref_slice %arg17[%add3A_5, %dma_wait3A] : memref<10240x128xf32, #tpu.memory_space<vmem_shared>> -> memref<128x128xf32, #tpu.memory_space<vmem_shared>>
      %dma_wait3A_34 = arith.constant 0 : i32
      %dma_wait3A_35 = tpu.memref_slice %arg17[%add3A_5, %dma_wait3A_34] : memref<10240x128xf32, #tpu.memory_space<vmem_shared>> -> memref<128x128xf32, #tpu.memory_space<vmem_shared>>
      tpu.wait_dma2 semaphore(%run_scoped3A : memref<!tpu.dma_semaphore, #tpu.memory_space<semaphore_mem>>) src(%arg7 : memref<128x128xf32, #tpu.memory_space<vmem>>) dst(%dma_wait3A_35 : memref<128x128xf32, #tpu.memory_space<vmem_shared>>)
      tpu.yield
    }) : () -> ()
    %mul3A_6 = arith.constant 640 : i32
    %mul3A_7 = arith.muli %arg1, %mul3A_6 : i32
    %add3A_8 = arith.constant 256 : i32
    %add3A_9 = arith.addi %mul3A_7, %add3A_8 : i32
    "tpu.region"() ({
      %run_scoped3A = tpu.sem_alloc : memref<!tpu.dma_semaphore, #tpu.memory_space<semaphore_mem>>
      %dma_start3A = arith.constant 0 : i32
      %dma_start3A_30 = tpu.memref_slice %arg17[%add3A_9, %dma_start3A] : memref<10240x128xf32, #tpu.memory_space<vmem_shared>> -> memref<128x128xf32, #tpu.memory_space<vmem_shared>>
      %dma_start3A_31 = arith.constant 0 : i32
      %dma_start3A_32 = tpu.memref_slice %arg17[%add3A_9, %dma_start3A_31] : memref<10240x128xf32, #tpu.memory_space<vmem_shared>> -> memref<128x128xf32, #tpu.memory_space<vmem_shared>>
      tpu.enqueue_dma source(%arg7 : memref<128x128xf32, #tpu.memory_space<vmem>>) target(%dma_start3A_32 : memref<128x128xf32, #tpu.memory_space<vmem_shared>>) target_semaphore(%run_scoped3A : memref<!tpu.dma_semaphore, #tpu.memory_space<semaphore_mem>>)
      %dma_wait3A = arith.constant 0 : i32
      %dma_wait3A_33 = tpu.memref_slice %arg17[%add3A_9, %dma_wait3A] : memref<10240x128xf32, #tpu.memory_space<vmem_shared>> -> memref<128x128xf32, #tpu.memory_space<vmem_shared>>
      %dma_wait3A_34 = arith.constant 0 : i32
      %dma_wait3A_35 = tpu.memref_slice %arg17[%add3A_9, %dma_wait3A_34] : memref<10240x128xf32, #tpu.memory_space<vmem_shared>> -> memref<128x128xf32, #tpu.memory_space<vmem_shared>>
      tpu.wait_dma2 semaphore(%run_scoped3A : memref<!tpu.dma_semaphore, #tpu.memory_space<semaphore_mem>>) src(%arg7 : memref<128x128xf32, #tpu.memory_space<vmem>>) dst(%dma_wait3A_35 : memref<128x128xf32, #tpu.memory_space<vmem_shared>>)
      tpu.yield
    }) : () -> ()
    %mul3A_10 = arith.constant 640 : i32
    %mul3A_11 = arith.muli %arg1, %mul3A_10 : i32
    %add3A_12 = arith.constant 384 : i32
    %add3A_13 = arith.addi %mul3A_11, %add3A_12 : i32
    "tpu.region"() ({
      %run_scoped3A = tpu.sem_alloc : memref<!tpu.dma_semaphore, #tpu.memory_space<semaphore_mem>>
      %dma_start3A = arith.constant 0 : i32
      %dma_start3A_30 = tpu.memref_slice %arg17[%add3A_13, %dma_start3A] : memref<10240x128xf32, #tpu.memory_space<vmem_shared>> -> memref<128x128xf32, #tpu.memory_space<vmem_shared>>
      %dma_start3A_31 = arith.constant 0 : i32
      %dma_start3A_32 = tpu.memref_slice %arg17[%add3A_13, %dma_start3A_31] : memref<10240x128xf32, #tpu.memory_space<vmem_shared>> -> memref<128x128xf32, #tpu.memory_space<vmem_shared>>
      tpu.enqueue_dma source(%arg7 : memref<128x128xf32, #tpu.memory_space<vmem>>) target(%dma_start3A_32 : memref<128x128xf32, #tpu.memory_space<vmem_shared>>) target_semaphore(%run_scoped3A : memref<!tpu.dma_semaphore, #tpu.memory_space<semaphore_mem>>)
      %dma_wait3A = arith.constant 0 : i32
      %dma_wait3A_33 = tpu.memref_slice %arg17[%add3A_13, %dma_wait3A] : memref<10240x128xf32, #tpu.memory_space<vmem_shared>> -> memref<128x128xf32, #tpu.memory_space<vmem_shared>>
      %dma_wait3A_34 = arith.constant 0 : i32
      %dma_wait3A_35 = tpu.memref_slice %arg17[%add3A_13, %dma_wait3A_34] : memref<10240x128xf32, #tpu.memory_space<vmem_shared>> -> memref<128x128xf32, #tpu.memory_space<vmem_shared>>
      tpu.wait_dma2 semaphore(%run_scoped3A : memref<!tpu.dma_semaphore, #tpu.memory_space<semaphore_mem>>) src(%arg7 : memref<128x128xf32, #tpu.memory_space<vmem>>) dst(%dma_wait3A_35 : memref<128x128xf32, #tpu.memory_space<vmem_shared>>)
      tpu.yield
    }) : () -> ()
    %mul3A_14 = arith.constant 640 : i32
    %mul3A_15 = arith.muli %arg1, %mul3A_14 : i32
    %add3A_16 = arith.constant 512 : i32
    %add3A_17 = arith.addi %mul3A_15, %add3A_16 : i32
    "tpu.region"() ({
      %run_scoped3A = tpu.sem_alloc : memref<!tpu.dma_semaphore, #tpu.memory_space<semaphore_mem>>
      %dma_start3A = arith.constant 0 : i32
      %dma_start3A_30 = tpu.memref_slice %arg17[%add3A_17, %dma_start3A] : memref<10240x128xf32, #tpu.memory_space<vmem_shared>> -> memref<128x128xf32, #tpu.memory_space<vmem_shared>>
      %dma_start3A_31 = arith.constant 0 : i32
      %dma_start3A_32 = tpu.memref_slice %arg17[%add3A_17, %dma_start3A_31] : memref<10240x128xf32, #tpu.memory_space<vmem_shared>> -> memref<128x128xf32, #tpu.memory_space<vmem_shared>>
      tpu.enqueue_dma source(%arg7 : memref<128x128xf32, #tpu.memory_space<vmem>>) target(%dma_start3A_32 : memref<128x128xf32, #tpu.memory_space<vmem_shared>>) target_semaphore(%run_scoped3A : memref<!tpu.dma_semaphore, #tpu.memory_space<semaphore_mem>>)
      %dma_wait3A = arith.constant 0 : i32
      %dma_wait3A_33 = tpu.memref_slice %arg17[%add3A_17, %dma_wait3A] : memref<10240x128xf32, #tpu.memory_space<vmem_shared>> -> memref<128x128xf32, #tpu.memory_space<vmem_shared>>
      %dma_wait3A_34 = arith.constant 0 : i32
      %dma_wait3A_35 = tpu.memref_slice %arg17[%add3A_17, %dma_wait3A_34] : memref<10240x128xf32, #tpu.memory_space<vmem_shared>> -> memref<128x128xf32, #tpu.memory_space<vmem_shared>>
      tpu.wait_dma2 semaphore(%run_scoped3A : memref<!tpu.dma_semaphore, #tpu.memory_space<semaphore_mem>>) src(%arg7 : memref<128x128xf32, #tpu.memory_space<vmem>>) dst(%dma_wait3A_35 : memref<128x128xf32, #tpu.memory_space<vmem_shared>>)
      tpu.yield
    }) : () -> ()
    %barrier3A = arith.constant 0 : index
    tpu.barrier barrier_id(%barrier3A)
    %eq3A = arith.constant 0 : i32
    %eq3A_18 = arith.cmpi eq, %arg0, %eq3A : i32
    %convert_element_type3A = arith.extui %eq3A_18 : i1 to i32
    %cond3A = arith.constant 0 : i32
    %cond3A_19 = arith.cmpi ne, %convert_element_type3A, %cond3A : i32
    scf.if %cond3A_19 {
      %mul3A_30 = arith.constant 112 : i32
      %mul3A_31 = arith.muli %arg1, %mul3A_30 : i32
      %add3A_32 = arith.constant 0 : i32
      %add3A_33 = arith.addi %mul3A_31, %add3A_32 : i32
      %dma_start3A = arith.constant 0 : i32
      %dma_start3A_34 = tpu.memref_slice %arg3[%add3A_33, %dma_start3A] : memref<2560x128xi32, #tpu.memory_space<hbm>> -> memref<1x128xi32, #tpu.memory_space<hbm>>
      %dma_start3A_35 = tpu.memref_squeeze %dma_start3A_34 : memref<1x128xi32, #tpu.memory_space<hbm>> -> memref<128xi32, #tpu.memory_space<hbm>>
      %dma_start3A_36 = arith.constant 0 : i32
      %dma_start3A_37 = tpu.memref_slice %arg3[%add3A_33, %dma_start3A_36] : memref<2560x128xi32, #tpu.memory_space<hbm>> -> memref<1x128xi32, #tpu.memory_space<hbm>>
      %dma_start3A_38 = tpu.memref_squeeze %dma_start3A_37 : memref<1x128xi32, #tpu.memory_space<hbm>> -> memref<128xi32, #tpu.memory_space<hbm>>
      tpu.enqueue_dma source(%dma_start3A_38 : memref<128xi32, #tpu.memory_space<hbm>>) target(%arg9 : memref<128xi32, #tpu.memory_space<vmem>>) target_semaphore(%arg15 : memref<!tpu.dma_semaphore, #tpu.memory_space<semaphore_mem>>)
      %add3A_39 = arith.constant 0 : i32
      %add3A_40 = arith.addi %mul3A_31, %add3A_39 : i32
      %dma_start3A_41 = arith.constant 0 : i32
      %dma_start3A_42 = tpu.memref_slice %arg4[%add3A_40, %dma_start3A_41] : memref<2560x128xi32, #tpu.memory_space<hbm>> -> memref<1x128xi32, #tpu.memory_space<hbm>>
      %dma_start3A_43 = tpu.memref_squeeze %dma_start3A_42 : memref<1x128xi32, #tpu.memory_space<hbm>> -> memref<128xi32, #tpu.memory_space<hbm>>
      %dma_start3A_44 = arith.constant 0 : i32
      %dma_start3A_45 = tpu.memref_slice %arg4[%add3A_40, %dma_start3A_44] : memref<2560x128xi32, #tpu.memory_space<hbm>> -> memref<1x128xi32, #tpu.memory_space<hbm>>
      %dma_start3A_46 = tpu.memref_squeeze %dma_start3A_45 : memref<1x128xi32, #tpu.memory_space<hbm>> -> memref<128xi32, #tpu.memory_space<hbm>>
      tpu.enqueue_dma source(%dma_start3A_46 : memref<128xi32, #tpu.memory_space<hbm>>) target(%arg11 : memref<128xi32, #tpu.memory_space<vmem>>) target_semaphore(%arg15 : memref<!tpu.dma_semaphore, #tpu.memory_space<semaphore_mem>>)
      %add3A_47 = arith.constant 1 : i32
      %add3A_48 = arith.addi %mul3A_31, %add3A_47 : i32
      %dma_start3A_49 = arith.constant 0 : i32
      %dma_start3A_50 = tpu.memref_slice %arg3[%add3A_48, %dma_start3A_49] : memref<2560x128xi32, #tpu.memory_space<hbm>> -> memref<1x128xi32, #tpu.memory_space<hbm>>
      %dma_start3A_51 = tpu.memref_squeeze %dma_start3A_50 : memref<1x128xi32, #tpu.memory_space<hbm>> -> memref<128xi32, #tpu.memory_space<hbm>>
      %dma_start3A_52 = arith.constant 0 : i32
      %dma_start3A_53 = tpu.memref_slice %arg3[%add3A_48, %dma_start3A_52] : memref<2560x128xi32, #tpu.memory_space<hbm>> -> memref<1x128xi32, #tpu.memory_space<hbm>>
      %dma_start3A_54 = tpu.memref_squeeze %dma_start3A_53 : memref<1x128xi32, #tpu.memory_space<hbm>> -> memref<128xi32, #tpu.memory_space<hbm>>
      tpu.enqueue_dma source(%dma_start3A_54 : memref<128xi32, #tpu.memory_space<hbm>>) target(%arg10 : memref<128xi32, #tpu.memory_space<vmem>>) target_semaphore(%arg16 : memref<!tpu.dma_semaphore, #tpu.memory_space<semaphore_mem>>)
      %add3A_55 = arith.constant 1 : i32
      %add3A_56 = arith.addi %mul3A_31, %add3A_55 : i32
      %dma_start3A_57 = arith.constant 0 : i32
      %dma_start3A_58 = tpu.memref_slice %arg4[%add3A_56, %dma_start3A_57] : memref<2560x128xi32, #tpu.memory_space<hbm>> -> memref<1x128xi32, #tpu.memory_space<hbm>>
      %dma_start3A_59 = tpu.memref_squeeze %dma_start3A_58 : memref<1x128xi32, #tpu.memory_space<hbm>> -> memref<128xi32, #tpu.memory_space<hbm>>
      %dma_start3A_60 = arith.constant 0 : i32
      %dma_start3A_61 = tpu.memref_slice %arg4[%add3A_56, %dma_start3A_60] : memref<2560x128xi32, #tpu.memory_space<hbm>> -> memref<1x128xi32, #tpu.memory_space<hbm>>
      %dma_start3A_62 = tpu.memref_squeeze %dma_start3A_61 : memref<1x128xi32, #tpu.memory_space<hbm>> -> memref<128xi32, #tpu.memory_space<hbm>>
      tpu.enqueue_dma source(%dma_start3A_62 : memref<128xi32, #tpu.memory_space<hbm>>) target(%arg12 : memref<128xi32, #tpu.memory_space<vmem>>) target_semaphore(%arg16 : memref<!tpu.dma_semaphore, #tpu.memory_space<semaphore_mem>>)
      %dma_wait3A = arith.constant 0 : i32
      %dma_wait3A_63 = arith.constant 0 : i32
      %dma_wait3A_64 = tpu.memref_slice %arg3[%dma_wait3A, %dma_wait3A_63] : memref<2560x128xi32, #tpu.memory_space<hbm>> -> memref<1x128xi32, #tpu.memory_space<hbm>>
      %dma_wait3A_65 = tpu.memref_squeeze %dma_wait3A_64 : memref<1x128xi32, #tpu.memory_space<hbm>> -> memref<128xi32, #tpu.memory_space<hbm>>
      %dma_wait3A_66 = arith.constant 0 : i32
      %dma_wait3A_67 = tpu.memref_slice %arg3[%dma_wait3A, %dma_wait3A_66] : memref<2560x128xi32, #tpu.memory_space<hbm>> -> memref<1x128xi32, #tpu.memory_space<hbm>>
      %dma_wait3A_68 = tpu.memref_squeeze %dma_wait3A_67 : memref<1x128xi32, #tpu.memory_space<hbm>> -> memref<128xi32, #tpu.memory_space<hbm>>
      tpu.wait_dma2 semaphore(%arg15 : memref<!tpu.dma_semaphore, #tpu.memory_space<semaphore_mem>>) src(%dma_wait3A_68 : memref<128xi32, #tpu.memory_space<hbm>>) dst(%arg9 : memref<128xi32, #tpu.memory_space<vmem>>)
      %dma_wait3A_69 = arith.constant 0 : i32
      %dma_wait3A_70 = arith.constant 0 : i32
      %dma_wait3A_71 = tpu.memref_slice %arg4[%dma_wait3A_69, %dma_wait3A_70] : memref<2560x128xi32, #tpu.memory_space<hbm>> -> memref<1x128xi32, #tpu.memory_space<hbm>>
      %dma_wait3A_72 = tpu.memref_squeeze %dma_wait3A_71 : memref<1x128xi32, #tpu.memory_space<hbm>> -> memref<128xi32, #tpu.memory_space<hbm>>
      %dma_wait3A_73 = arith.constant 0 : i32
      %dma_wait3A_74 = tpu.memref_slice %arg4[%dma_wait3A_69, %dma_wait3A_73] : memref<2560x128xi32, #tpu.memory_space<hbm>> -> memref<1x128xi32, #tpu.memory_space<hbm>>
      %dma_wait3A_75 = tpu.memref_squeeze %dma_wait3A_74 : memref<1x128xi32, #tpu.memory_space<hbm>> -> memref<128xi32, #tpu.memory_space<hbm>>
      tpu.wait_dma2 semaphore(%arg15 : memref<!tpu.dma_semaphore, #tpu.memory_space<semaphore_mem>>) src(%dma_wait3A_75 : memref<128xi32, #tpu.memory_space<hbm>>) dst(%arg11 : memref<128xi32, #tpu.memory_space<vmem>>)
      %dma_start3A_76 = arith.constant 0 : i32
      %dma_start3A_77 = arith.constant 0 : i32
      %dma_start3A_78 = tpu.memref_slice %arg2[%dma_start3A_76, %dma_start3A_77] : memref<10000x128xf32, #tpu.memory_space<hbm>> -> memref<10000x128xf32, #tpu.memory_space<hbm>>
      tpu.enqueue_indirect_dma source(%dma_start3A_78 : memref<10000x128xf32, #tpu.memory_space<hbm>>) target(%arg7 : memref<128x128xf32, #tpu.memory_space<vmem>>) offsets(%arg9 : memref<128xi32, #tpu.memory_space<vmem>>) semaphore(%arg13 : memref<!tpu.dma_semaphore, #tpu.memory_space<semaphore_mem>>)
      %scan3A = arith.constant 0 : i32
      %scan3A_79 = arith.constant 0 : i32
      %scan3A_80 = arith.constant 56 : i32
      %scan3A_81 = arith.addi %scan3A_79, %scan3A_80 : i32
      %scan3A_82 = arith.constant 1 : i32
      %scan3A_83 = scf.for %scan3A_85 = %scan3A_79 to %scan3A_81 step %scan3A_82 iter_args(%scan3A_86 = %scan3A) -> (i32)  : i32 {
        %mul3A_87 = arith.constant 2 : i32
        %mul3A_88 = arith.muli %mul3A_87, %scan3A_85 : i32
        %add3A_89 = arith.constant 0 : i32
        %add3A_90 = arith.addi %mul3A_88, %add3A_89 : i32
        %add3A_91 = arith.constant 1 : i32
        %add3A_92 = arith.addi %add3A_90, %add3A_91 : i32
        %lt3A = arith.constant 112 : i32
        %lt3A_93 = arith.cmpi slt, %add3A_92, %lt3A : i32
        %convert_element_type3A_94 = arith.extui %lt3A_93 : i1 to i32
        %cond3A_95 = arith.constant 0 : i32
        %cond3A_96 = arith.cmpi ne, %convert_element_type3A_94, %cond3A_95 : i32
        scf.if %cond3A_96 {
          %dma_wait3A_127 = arith.constant 0 : i32
          %dma_wait3A_128 = arith.constant 0 : i32
          %dma_wait3A_129 = tpu.memref_slice %arg3[%dma_wait3A_127, %dma_wait3A_128] : memref<2560x128xi32, #tpu.memory_space<hbm>> -> memref<1x128xi32, #tpu.memory_space<hbm>>
          %dma_wait3A_130 = tpu.memref_squeeze %dma_wait3A_129 : memref<1x128xi32, #tpu.memory_space<hbm>> -> memref<128xi32, #tpu.memory_space<hbm>>
          %dma_wait3A_131 = arith.constant 0 : i32
          %dma_wait3A_132 = tpu.memref_slice %arg3[%dma_wait3A_127, %dma_wait3A_131] : memref<2560x128xi32, #tpu.memory_space<hbm>> -> memref<1x128xi32, #tpu.memory_space<hbm>>
          %dma_wait3A_133 = tpu.memref_squeeze %dma_wait3A_132 : memref<1x128xi32, #tpu.memory_space<hbm>> -> memref<128xi32, #tpu.memory_space<hbm>>
          tpu.wait_dma2 semaphore(%arg16 : memref<!tpu.dma_semaphore, #tpu.memory_space<semaphore_mem>>) src(%dma_wait3A_133 : memref<128xi32, #tpu.memory_space<hbm>>) dst(%arg10 : memref<128xi32, #tpu.memory_space<vmem>>)
          %dma_wait3A_134 = arith.constant 0 : i32
          %dma_wait3A_135 = arith.constant 0 : i32
          %dma_wait3A_136 = tpu.memref_slice %arg4[%dma_wait3A_134, %dma_wait3A_135] : memref<2560x128xi32, #tpu.memory_space<hbm>> -> memref<1x128xi32, #tpu.memory_space<hbm>>
          %dma_wait3A_137 = tpu.memref_squeeze %dma_wait3A_136 : memref<1x128xi32, #tpu.memory_space<hbm>> -> memref<128xi32, #tpu.memory_space<hbm>>
          %dma_wait3A_138 = arith.constant 0 : i32
          %dma_wait3A_139 = tpu.memref_slice %arg4[%dma_wait3A_134, %dma_wait3A_138] : memref<2560x128xi32, #tpu.memory_space<hbm>> -> memref<1x128xi32, #tpu.memory_space<hbm>>
          %dma_wait3A_140 = tpu.memref_squeeze %dma_wait3A_139 : memref<1x128xi32, #tpu.memory_space<hbm>> -> memref<128xi32, #tpu.memory_space<hbm>>
          tpu.wait_dma2 semaphore(%arg16 : memref<!tpu.dma_semaphore, #tpu.memory_space<semaphore_mem>>) src(%dma_wait3A_140 : memref<128xi32, #tpu.memory_space<hbm>>) dst(%arg12 : memref<128xi32, #tpu.memory_space<vmem>>)
          %dma_start3A_141 = arith.constant 0 : i32
          %dma_start3A_142 = arith.constant 0 : i32
          %dma_start3A_143 = tpu.memref_slice %arg2[%dma_start3A_141, %dma_start3A_142] : memref<10000x128xf32, #tpu.memory_space<hbm>> -> memref<10000x128xf32, #tpu.memory_space<hbm>>
          tpu.enqueue_indirect_dma source(%dma_start3A_143 : memref<10000x128xf32, #tpu.memory_space<hbm>>) target(%arg8 : memref<128x128xf32, #tpu.memory_space<vmem>>) offsets(%arg10 : memref<128xi32, #tpu.memory_space<vmem>>) semaphore(%arg14 : memref<!tpu.dma_semaphore, #tpu.memory_space<semaphore_mem>>)
        } else {
        }
        %dma_wait3A_97 = arith.constant 0 : i32
        %dma_wait3A_98 = arith.constant 0 : i32
        %dma_wait3A_99 = tpu.memref_slice %arg2[%dma_wait3A_97, %dma_wait3A_98] : memref<10000x128xf32, #tpu.memory_space<hbm>> -> memref<10000x128xf32, #tpu.memory_space<hbm>>
        tpu.wait_indirect_dma semaphore(%arg13 : memref<!tpu.dma_semaphore, #tpu.memory_space<semaphore_mem>>) src(%dma_wait3A_99 : memref<10000x128xf32, #tpu.memory_space<hbm>>) dst(%arg7 : memref<128x128xf32, #tpu.memory_space<vmem>>)
        "tpu.region"() ({
          %run_scoped3A = tpu.sem_alloc : memref<!tpu.dma_semaphore, #tpu.memory_space<semaphore_mem>>
          %dma_start3A_127 = arith.constant 0 : i32
          %dma_start3A_128 = arith.constant 0 : i32
          %dma_start3A_129 = tpu.memref_slice %arg17[%dma_start3A_127, %dma_start3A_128] : memref<10240x128xf32, #tpu.memory_space<vmem_shared>> -> memref<10240x128xf32, #tpu.memory_space<vmem_shared>>
          tpu.enqueue_indirect_dma source(%arg7 : memref<128x128xf32, #tpu.memory_space<vmem>>) target(%dma_start3A_129 : memref<10240x128xf32, #tpu.memory_space<vmem_shared>>) offsets(%arg11 : memref<128xi32, #tpu.memory_space<vmem>>) semaphore(%run_scoped3A : memref<!tpu.dma_semaphore, #tpu.memory_space<semaphore_mem>>) {add = true}
          %dma_wait3A_130 = arith.constant 0 : i32
          %dma_wait3A_131 = arith.constant 0 : i32
          %dma_wait3A_132 = tpu.memref_slice %arg17[%dma_wait3A_130, %dma_wait3A_131] : memref<10240x128xf32, #tpu.memory_space<vmem_shared>> -> memref<10240x128xf32, #tpu.memory_space<vmem_shared>>
          tpu.wait_indirect_dma semaphore(%run_scoped3A : memref<!tpu.dma_semaphore, #tpu.memory_space<semaphore_mem>>) src(%arg7 : memref<128x128xf32, #tpu.memory_space<vmem>>) dst(%dma_wait3A_132 : memref<10240x128xf32, #tpu.memory_space<vmem_shared>>)
          tpu.yield
        }) : () -> ()
        %add3A_100 = arith.constant 2 : i32
        %add3A_101 = arith.addi %add3A_90, %add3A_100 : i32
        %lt3A_102 = arith.constant 112 : i32
        %lt3A_103 = arith.cmpi slt, %add3A_101, %lt3A_102 : i32
        %convert_element_type3A_104 = arith.extui %lt3A_103 : i1 to i32
        %cond3A_105 = arith.constant 0 : i32
        %cond3A_106 = arith.cmpi ne, %convert_element_type3A_104, %cond3A_105 : i32
        scf.if %cond3A_106 {
          %add3A_127 = arith.constant 2 : i32
          %add3A_128 = arith.addi %add3A_90, %add3A_127 : i32
          %add3A_129 = arith.addi %mul3A_31, %add3A_128 : i32
          %dma_start3A_130 = arith.constant 0 : i32
          %dma_start3A_131 = tpu.memref_slice %arg3[%add3A_129, %dma_start3A_130] : memref<2560x128xi32, #tpu.memory_space<hbm>> -> memref<1x128xi32, #tpu.memory_space<hbm>>
          %dma_start3A_132 = tpu.memref_squeeze %dma_start3A_131 : memref<1x128xi32, #tpu.memory_space<hbm>> -> memref<128xi32, #tpu.memory_space<hbm>>
          %dma_start3A_133 = arith.constant 0 : i32
          %dma_start3A_134 = tpu.memref_slice %arg3[%add3A_129, %dma_start3A_133] : memref<2560x128xi32, #tpu.memory_space<hbm>> -> memref<1x128xi32, #tpu.memory_space<hbm>>
          %dma_start3A_135 = tpu.memref_squeeze %dma_start3A_134 : memref<1x128xi32, #tpu.memory_space<hbm>> -> memref<128xi32, #tpu.memory_space<hbm>>
          tpu.enqueue_dma source(%dma_start3A_135 : memref<128xi32, #tpu.memory_space<hbm>>) target(%arg9 : memref<128xi32, #tpu.memory_space<vmem>>) target_semaphore(%arg15 : memref<!tpu.dma_semaphore, #tpu.memory_space<semaphore_mem>>)
          %add3A_136 = arith.addi %mul3A_31, %add3A_128 : i32
          %dma_start3A_137 = arith.constant 0 : i32
          %dma_start3A_138 = tpu.memref_slice %arg4[%add3A_136, %dma_start3A_137] : memref<2560x128xi32, #tpu.memory_space<hbm>> -> memref<1x128xi32, #tpu.memory_space<hbm>>
          %dma_start3A_139 = tpu.memref_squeeze %dma_start3A_138 : memref<1x128xi32, #tpu.memory_space<hbm>> -> memref<128xi32, #tpu.memory_space<hbm>>
          %dma_start3A_140 = arith.constant 0 : i32
          %dma_start3A_141 = tpu.memref_slice %arg4[%add3A_136, %dma_start3A_140] : memref<2560x128xi32, #tpu.memory_space<hbm>> -> memref<1x128xi32, #tpu.memory_space<hbm>>
          %dma_start3A_142 = tpu.memref_squeeze %dma_start3A_141 : memref<1x128xi32, #tpu.memory_space<hbm>> -> memref<128xi32, #tpu.memory_space<hbm>>
          tpu.enqueue_dma source(%dma_start3A_142 : memref<128xi32, #tpu.memory_space<hbm>>) target(%arg11 : memref<128xi32, #tpu.memory_space<vmem>>) target_semaphore(%arg15 : memref<!tpu.dma_semaphore, #tpu.memory_space<semaphore_mem>>)
        } else {
        }
        %add3A_107 = arith.constant 1 : i32
        %add3A_108 = arith.addi %mul3A_88, %add3A_107 : i32
        %add3A_109 = arith.constant 1 : i32
        %add3A_110 = arith.addi %add3A_108, %add3A_109 : i32
        %lt3A_111 = arith.constant 112 : i32
        %lt3A_112 = arith.cmpi slt, %add3A_110, %lt3A_111 : i32
        %convert_element_type3A_113 = arith.extui %lt3A_112 : i1 to i32
        %cond3A_114 = arith.constant 0 : i32
        %cond3A_115 = arith.cmpi ne, %convert_element_type3A_113, %cond3A_114 : i32
        scf.if %cond3A_115 {
          %dma_wait3A_127 = arith.constant 0 : i32
          %dma_wait3A_128 = arith.constant 0 : i32
          %dma_wait3A_129 = tpu.memref_slice %arg3[%dma_wait3A_127, %dma_wait3A_128] : memref<2560x128xi32, #tpu.memory_space<hbm>> -> memref<1x128xi32, #tpu.memory_space<hbm>>
          %dma_wait3A_130 = tpu.memref_squeeze %dma_wait3A_129 : memref<1x128xi32, #tpu.memory_space<hbm>> -> memref<128xi32, #tpu.memory_space<hbm>>
          %dma_wait3A_131 = arith.constant 0 : i32
          %dma_wait3A_132 = tpu.memref_slice %arg3[%dma_wait3A_127, %dma_wait3A_131] : memref<2560x128xi32, #tpu.memory_space<hbm>> -> memref<1x128xi32, #tpu.memory_space<hbm>>
          %dma_wait3A_133 = tpu.memref_squeeze %dma_wait3A_132 : memref<1x128xi32, #tpu.memory_space<hbm>> -> memref<128xi32, #tpu.memory_space<hbm>>
          tpu.wait_dma2 semaphore(%arg15 : memref<!tpu.dma_semaphore, #tpu.memory_space<semaphore_mem>>) src(%dma_wait3A_133 : memref<128xi32, #tpu.memory_space<hbm>>) dst(%arg9 : memref<128xi32, #tpu.memory_space<vmem>>)
          %dma_wait3A_134 = arith.constant 0 : i32
          %dma_wait3A_135 = arith.constant 0 : i32
          %dma_wait3A_136 = tpu.memref_slice %arg4[%dma_wait3A_134, %dma_wait3A_135] : memref<2560x128xi32, #tpu.memory_space<hbm>> -> memref<1x128xi32, #tpu.memory_space<hbm>>
          %dma_wait3A_137 = tpu.memref_squeeze %dma_wait3A_136 : memref<1x128xi32, #tpu.memory_space<hbm>> -> memref<128xi32, #tpu.memory_space<hbm>>
          %dma_wait3A_138 = arith.constant 0 : i32
          %dma_wait3A_139 = tpu.memref_slice %arg4[%dma_wait3A_134, %dma_wait3A_138] : memref<2560x128xi32, #tpu.memory_space<hbm>> -> memref<1x128xi32, #tpu.memory_space<hbm>>
          %dma_wait3A_140 = tpu.memref_squeeze %dma_wait3A_139 : memref<1x128xi32, #tpu.memory_space<hbm>> -> memref<128xi32, #tpu.memory_space<hbm>>
          tpu.wait_dma2 semaphore(%arg15 : memref<!tpu.dma_semaphore, #tpu.memory_space<semaphore_mem>>) src(%dma_wait3A_140 : memref<128xi32, #tpu.memory_space<hbm>>) dst(%arg11 : memref<128xi32, #tpu.memory_space<vmem>>)
          %dma_start3A_141 = arith.constant 0 : i32
          %dma_start3A_142 = arith.constant 0 : i32
          %dma_start3A_143 = tpu.memref_slice %arg2[%dma_start3A_141, %dma_start3A_142] : memref<10000x128xf32, #tpu.memory_space<hbm>> -> memref<10000x128xf32, #tpu.memory_space<hbm>>
          tpu.enqueue_indirect_dma source(%dma_start3A_143 : memref<10000x128xf32, #tpu.memory_space<hbm>>) target(%arg7 : memref<128x128xf32, #tpu.memory_space<vmem>>) offsets(%arg9 : memref<128xi32, #tpu.memory_space<vmem>>) semaphore(%arg13 : memref<!tpu.dma_semaphore, #tpu.memory_space<semaphore_mem>>)
        } else {
        }
        %dma_wait3A_116 = arith.constant 0 : i32
        %dma_wait3A_117 = arith.constant 0 : i32
        %dma_wait3A_118 = tpu.memref_slice %arg2[%dma_wait3A_116, %dma_wait3A_117] : memref<10000x128xf32, #tpu.memory_space<hbm>> -> memref<10000x128xf32, #tpu.memory_space<hbm>>
        tpu.wait_indirect_dma semaphore(%arg14 : memref<!tpu.dma_semaphore, #tpu.memory_space<semaphore_mem>>) src(%dma_wait3A_118 : memref<10000x128xf32, #tpu.memory_space<hbm>>) dst(%arg8 : memref<128x128xf32, #tpu.memory_space<vmem>>)
        "tpu.region"() ({
          %run_scoped3A = tpu.sem_alloc : memref<!tpu.dma_semaphore, #tpu.memory_space<semaphore_mem>>
          %dma_start3A_127 = arith.constant 0 : i32
          %dma_start3A_128 = arith.constant 0 : i32
          %dma_start3A_129 = tpu.memref_slice %arg17[%dma_start3A_127, %dma_start3A_128] : memref<10240x128xf32, #tpu.memory_space<vmem_shared>> -> memref<10240x128xf32, #tpu.memory_space<vmem_shared>>
          tpu.enqueue_indirect_dma source(%arg8 : memref<128x128xf32, #tpu.memory_space<vmem>>) target(%dma_start3A_129 : memref<10240x128xf32, #tpu.memory_space<vmem_shared>>) offsets(%arg12 : memref<128xi32, #tpu.memory_space<vmem>>) semaphore(%run_scoped3A : memref<!tpu.dma_semaphore, #tpu.memory_space<semaphore_mem>>) {add = true}
          %dma_wait3A_130 = arith.constant 0 : i32
          %dma_wait3A_131 = arith.constant 0 : i32
          %dma_wait3A_132 = tpu.memref_slice %arg17[%dma_wait3A_130, %dma_wait3A_131] : memref<10240x128xf32, #tpu.memory_space<vmem_shared>> -> memref<10240x128xf32, #tpu.memory_space<vmem_shared>>
          tpu.wait_indirect_dma semaphore(%run_scoped3A : memref<!tpu.dma_semaphore, #tpu.memory_space<semaphore_mem>>) src(%arg8 : memref<128x128xf32, #tpu.memory_space<vmem>>) dst(%dma_wait3A_132 : memref<10240x128xf32, #tpu.memory_space<vmem_shared>>)
          tpu.yield
        }) : () -> ()
        %add3A_119 = arith.constant 2 : i32
        %add3A_120 = arith.addi %add3A_108, %add3A_119 : i32
        %lt3A_121 = arith.constant 112 : i32
        %lt3A_122 = arith.cmpi slt, %add3A_120, %lt3A_121 : i32
        %convert_element_type3A_123 = arith.extui %lt3A_122 : i1 to i32
        %cond3A_124 = arith.constant 0 : i32
        %cond3A_125 = arith.cmpi ne, %convert_element_type3A_123, %cond3A_124 : i32
        scf.if %cond3A_125 {
          %add3A_127 = arith.constant 2 : i32
          %add3A_128 = arith.addi %add3A_108, %add3A_127 : i32
          %add3A_129 = arith.addi %mul3A_31, %add3A_128 : i32
          %dma_start3A_130 = arith.constant 0 : i32
          %dma_start3A_131 = tpu.memref_slice %arg3[%add3A_129, %dma_start3A_130] : memref<2560x128xi32, #tpu.memory_space<hbm>> -> memref<1x128xi32, #tpu.memory_space<hbm>>
          %dma_start3A_132 = tpu.memref_squeeze %dma_start3A_131 : memref<1x128xi32, #tpu.memory_space<hbm>> -> memref<128xi32, #tpu.memory_space<hbm>>
          %dma_start3A_133 = arith.constant 0 : i32
          %dma_start3A_134 = tpu.memref_slice %arg3[%add3A_129, %dma_start3A_133] : memref<2560x128xi32, #tpu.memory_space<hbm>> -> memref<1x128xi32, #tpu.memory_space<hbm>>
          %dma_start3A_135 = tpu.memref_squeeze %dma_start3A_134 : memref<1x128xi32, #tpu.memory_space<hbm>> -> memref<128xi32, #tpu.memory_space<hbm>>
          tpu.enqueue_dma source(%dma_start3A_135 : memref<128xi32, #tpu.memory_space<hbm>>) target(%arg10 : memref<128xi32, #tpu.memory_space<vmem>>) target_semaphore(%arg16 : memref<!tpu.dma_semaphore, #tpu.memory_space<semaphore_mem>>)
          %add3A_136 = arith.addi %mul3A_31, %add3A_128 : i32
          %dma_start3A_137 = arith.constant 0 : i32
          %dma_start3A_138 = tpu.memref_slice %arg4[%add3A_136, %dma_start3A_137] : memref<2560x128xi32, #tpu.memory_space<hbm>> -> memref<1x128xi32, #tpu.memory_space<hbm>>
          %dma_start3A_139 = tpu.memref_squeeze %dma_start3A_138 : memref<1x128xi32, #tpu.memory_space<hbm>> -> memref<128xi32, #tpu.memory_space<hbm>>
          %dma_start3A_140 = arith.constant 0 : i32
          %dma_start3A_141 = tpu.memref_slice %arg4[%add3A_136, %dma_start3A_140] : memref<2560x128xi32, #tpu.memory_space<hbm>> -> memref<1x128xi32, #tpu.memory_space<hbm>>
          %dma_start3A_142 = tpu.memref_squeeze %dma_start3A_141 : memref<1x128xi32, #tpu.memory_space<hbm>> -> memref<128xi32, #tpu.memory_space<hbm>>
          tpu.enqueue_dma source(%dma_start3A_142 : memref<128xi32, #tpu.memory_space<hbm>>) target(%arg12 : memref<128xi32, #tpu.memory_space<vmem>>) target_semaphore(%arg16 : memref<!tpu.dma_semaphore, #tpu.memory_space<semaphore_mem>>)
        } else {
        }
        %scan3A_126 = arith.constant 0 : i32
        scf.yield %scan3A_126 : i32
      }
      %scan3A_84 = arith.constant 56 : i32
    } else {
    }
    %eq3A_20 = arith.constant 1 : i32
    %eq3A_21 = arith.cmpi eq, %arg0, %eq3A_20 : i32
    %convert_element_type3A_22 = arith.extui %eq3A_21 : i1 to i32
    %cond3A_23 = arith.constant 0 : i32
    %cond3A_24 = arith.cmpi ne, %convert_element_type3A_22, %cond3A_23 : i32
    scf.if %cond3A_24 {
      %mul3A_30 = arith.constant 48 : i32
      %mul3A_31 = arith.muli %arg1, %mul3A_30 : i32
      %add3A_32 = arith.constant 1792 : i32
      %add3A_33 = arith.addi %add3A_32, %mul3A_31 : i32
      %add3A_34 = arith.constant 0 : i32
      %add3A_35 = arith.addi %add3A_33, %add3A_34 : i32
      %dma_start3A = arith.constant 0 : i32
      %dma_start3A_36 = tpu.memref_slice %arg3[%add3A_35, %dma_start3A] : memref<2560x128xi32, #tpu.memory_space<hbm>> -> memref<1x128xi32, #tpu.memory_space<hbm>>
      %dma_start3A_37 = tpu.memref_squeeze %dma_start3A_36 : memref<1x128xi32, #tpu.memory_space<hbm>> -> memref<128xi32, #tpu.memory_space<hbm>>
      %dma_start3A_38 = arith.constant 0 : i32
      %dma_start3A_39 = tpu.memref_slice %arg3[%add3A_35, %dma_start3A_38] : memref<2560x128xi32, #tpu.memory_space<hbm>> -> memref<1x128xi32, #tpu.memory_space<hbm>>
      %dma_start3A_40 = tpu.memref_squeeze %dma_start3A_39 : memref<1x128xi32, #tpu.memory_space<hbm>> -> memref<128xi32, #tpu.memory_space<hbm>>
      tpu.enqueue_dma source(%dma_start3A_40 : memref<128xi32, #tpu.memory_space<hbm>>) target(%arg9 : memref<128xi32, #tpu.memory_space<vmem>>) target_semaphore(%arg15 : memref<!tpu.dma_semaphore, #tpu.memory_space<semaphore_mem>>)
      %add3A_41 = arith.constant 0 : i32
      %add3A_42 = arith.addi %add3A_33, %add3A_41 : i32
      %dma_start3A_43 = arith.constant 0 : i32
      %dma_start3A_44 = tpu.memref_slice %arg4[%add3A_42, %dma_start3A_43] : memref<2560x128xi32, #tpu.memory_space<hbm>> -> memref<1x128xi32, #tpu.memory_space<hbm>>
      %dma_start3A_45 = tpu.memref_squeeze %dma_start3A_44 : memref<1x128xi32, #tpu.memory_space<hbm>> -> memref<128xi32, #tpu.memory_space<hbm>>
      %dma_start3A_46 = arith.constant 0 : i32
      %dma_start3A_47 = tpu.memref_slice %arg4[%add3A_42, %dma_start3A_46] : memref<2560x128xi32, #tpu.memory_space<hbm>> -> memref<1x128xi32, #tpu.memory_space<hbm>>
      %dma_start3A_48 = tpu.memref_squeeze %dma_start3A_47 : memref<1x128xi32, #tpu.memory_space<hbm>> -> memref<128xi32, #tpu.memory_space<hbm>>
      tpu.enqueue_dma source(%dma_start3A_48 : memref<128xi32, #tpu.memory_space<hbm>>) target(%arg11 : memref<128xi32, #tpu.memory_space<vmem>>) target_semaphore(%arg15 : memref<!tpu.dma_semaphore, #tpu.memory_space<semaphore_mem>>)
      %scan3A = arith.constant 0 : i32
      %scan3A_49 = arith.constant 0 : i32
      %scan3A_50 = arith.constant 24 : i32
      %scan3A_51 = arith.addi %scan3A_49, %scan3A_50 : i32
      %scan3A_52 = arith.constant 1 : i32
      %scan3A_53 = scf.for %scan3A_55 = %scan3A_49 to %scan3A_51 step %scan3A_52 iter_args(%scan3A_56 = %scan3A) -> (i32)  : i32 {
        %mul3A_57 = arith.constant 2 : i32
        %mul3A_58 = arith.muli %mul3A_57, %scan3A_55 : i32
        %add3A_59 = arith.constant 0 : i32
        %add3A_60 = arith.addi %mul3A_58, %add3A_59 : i32
        %dma_wait3A = arith.constant 0 : i32
        %dma_wait3A_61 = arith.constant 0 : i32
        %dma_wait3A_62 = tpu.memref_slice %arg3[%dma_wait3A, %dma_wait3A_61] : memref<2560x128xi32, #tpu.memory_space<hbm>> -> memref<1x128xi32, #tpu.memory_space<hbm>>
        %dma_wait3A_63 = tpu.memref_squeeze %dma_wait3A_62 : memref<1x128xi32, #tpu.memory_space<hbm>> -> memref<128xi32, #tpu.memory_space<hbm>>
        %dma_wait3A_64 = arith.constant 0 : i32
        %dma_wait3A_65 = tpu.memref_slice %arg3[%dma_wait3A, %dma_wait3A_64] : memref<2560x128xi32, #tpu.memory_space<hbm>> -> memref<1x128xi32, #tpu.memory_space<hbm>>
        %dma_wait3A_66 = tpu.memref_squeeze %dma_wait3A_65 : memref<1x128xi32, #tpu.memory_space<hbm>> -> memref<128xi32, #tpu.memory_space<hbm>>
        tpu.wait_dma2 semaphore(%arg15 : memref<!tpu.dma_semaphore, #tpu.memory_space<semaphore_mem>>) src(%dma_wait3A_66 : memref<128xi32, #tpu.memory_space<hbm>>) dst(%arg9 : memref<128xi32, #tpu.memory_space<vmem>>)
        %dma_wait3A_67 = arith.constant 0 : i32
        %dma_wait3A_68 = arith.constant 0 : i32
        %dma_wait3A_69 = tpu.memref_slice %arg4[%dma_wait3A_67, %dma_wait3A_68] : memref<2560x128xi32, #tpu.memory_space<hbm>> -> memref<1x128xi32, #tpu.memory_space<hbm>>
        %dma_wait3A_70 = tpu.memref_squeeze %dma_wait3A_69 : memref<1x128xi32, #tpu.memory_space<hbm>> -> memref<128xi32, #tpu.memory_space<hbm>>
        %dma_wait3A_71 = arith.constant 0 : i32
        %dma_wait3A_72 = tpu.memref_slice %arg4[%dma_wait3A_67, %dma_wait3A_71] : memref<2560x128xi32, #tpu.memory_space<hbm>> -> memref<1x128xi32, #tpu.memory_space<hbm>>
        %dma_wait3A_73 = tpu.memref_squeeze %dma_wait3A_72 : memref<1x128xi32, #tpu.memory_space<hbm>> -> memref<128xi32, #tpu.memory_space<hbm>>
        tpu.wait_dma2 semaphore(%arg15 : memref<!tpu.dma_semaphore, #tpu.memory_space<semaphore_mem>>) src(%dma_wait3A_73 : memref<128xi32, #tpu.memory_space<hbm>>) dst(%arg11 : memref<128xi32, #tpu.memory_space<vmem>>)
        %add3A_74 = arith.constant 1 : i32
        %add3A_75 = arith.addi %add3A_60, %add3A_74 : i32
        %lt3A = arith.constant 48 : i32
        %lt3A_76 = arith.cmpi slt, %add3A_75, %lt3A : i32
        %convert_element_type3A_77 = arith.extui %lt3A_76 : i1 to i32
        %cond3A_78 = arith.constant 0 : i32
        %cond3A_79 = arith.cmpi ne, %convert_element_type3A_77, %cond3A_78 : i32
        scf.if %cond3A_79 {
          %add3A_118 = arith.constant 1 : i32
          %add3A_119 = arith.addi %add3A_60, %add3A_118 : i32
          %add3A_120 = arith.addi %add3A_33, %add3A_119 : i32
          %dma_start3A_121 = arith.constant 0 : i32
          %dma_start3A_122 = tpu.memref_slice %arg3[%add3A_120, %dma_start3A_121] : memref<2560x128xi32, #tpu.memory_space<hbm>> -> memref<1x128xi32, #tpu.memory_space<hbm>>
          %dma_start3A_123 = tpu.memref_squeeze %dma_start3A_122 : memref<1x128xi32, #tpu.memory_space<hbm>> -> memref<128xi32, #tpu.memory_space<hbm>>
          %dma_start3A_124 = arith.constant 0 : i32
          %dma_start3A_125 = tpu.memref_slice %arg3[%add3A_120, %dma_start3A_124] : memref<2560x128xi32, #tpu.memory_space<hbm>> -> memref<1x128xi32, #tpu.memory_space<hbm>>
          %dma_start3A_126 = tpu.memref_squeeze %dma_start3A_125 : memref<1x128xi32, #tpu.memory_space<hbm>> -> memref<128xi32, #tpu.memory_space<hbm>>
          tpu.enqueue_dma source(%dma_start3A_126 : memref<128xi32, #tpu.memory_space<hbm>>) target(%arg10 : memref<128xi32, #tpu.memory_space<vmem>>) target_semaphore(%arg16 : memref<!tpu.dma_semaphore, #tpu.memory_space<semaphore_mem>>)
          %add3A_127 = arith.addi %add3A_33, %add3A_119 : i32
          %dma_start3A_128 = arith.constant 0 : i32
          %dma_start3A_129 = tpu.memref_slice %arg4[%add3A_127, %dma_start3A_128] : memref<2560x128xi32, #tpu.memory_space<hbm>> -> memref<1x128xi32, #tpu.memory_space<hbm>>
          %dma_start3A_130 = tpu.memref_squeeze %dma_start3A_129 : memref<1x128xi32, #tpu.memory_space<hbm>> -> memref<128xi32, #tpu.memory_space<hbm>>
          %dma_start3A_131 = arith.constant 0 : i32
          %dma_start3A_132 = tpu.memref_slice %arg4[%add3A_127, %dma_start3A_131] : memref<2560x128xi32, #tpu.memory_space<hbm>> -> memref<1x128xi32, #tpu.memory_space<hbm>>
          %dma_start3A_133 = tpu.memref_squeeze %dma_start3A_132 : memref<1x128xi32, #tpu.memory_space<hbm>> -> memref<128xi32, #tpu.memory_space<hbm>>
          tpu.enqueue_dma source(%dma_start3A_133 : memref<128xi32, #tpu.memory_space<hbm>>) target(%arg12 : memref<128xi32, #tpu.memory_space<vmem>>) target_semaphore(%arg16 : memref<!tpu.dma_semaphore, #tpu.memory_space<semaphore_mem>>)
        } else {
        }
        %dma_start3A_80 = arith.constant 0 : i32
        %dma_start3A_81 = arith.constant 0 : i32
        %dma_start3A_82 = tpu.memref_slice %arg2[%dma_start3A_80, %dma_start3A_81] : memref<10000x128xf32, #tpu.memory_space<hbm>> -> memref<10000x128xf32, #tpu.memory_space<hbm>>
        tpu.enqueue_indirect_dma source(%dma_start3A_82 : memref<10000x128xf32, #tpu.memory_space<hbm>>) target(%arg7 : memref<128x128xf32, #tpu.memory_space<vmem>>) offsets(%arg9 : memref<128xi32, #tpu.memory_space<vmem>>) semaphore(%arg13 : memref<!tpu.dma_semaphore, #tpu.memory_space<semaphore_mem>>)
        %dma_wait3A_83 = arith.constant 0 : i32
        %dma_wait3A_84 = arith.constant 0 : i32
        %dma_wait3A_85 = tpu.memref_slice %arg2[%dma_wait3A_83, %dma_wait3A_84] : memref<10000x128xf32, #tpu.memory_space<hbm>> -> memref<10000x128xf32, #tpu.memory_space<hbm>>
        tpu.wait_indirect_dma semaphore(%arg13 : memref<!tpu.dma_semaphore, #tpu.memory_space<semaphore_mem>>) src(%dma_wait3A_85 : memref<10000x128xf32, #tpu.memory_space<hbm>>) dst(%arg7 : memref<128x128xf32, #tpu.memory_space<vmem>>)
        "tpu.region"() ({
          %run_scoped3A = tpu.sem_alloc : memref<!tpu.dma_semaphore, #tpu.memory_space<semaphore_mem>>
          %dma_start3A_118 = arith.constant 0 : i32
          %dma_start3A_119 = arith.constant 0 : i32
          %dma_start3A_120 = tpu.memref_slice %arg17[%dma_start3A_118, %dma_start3A_119] : memref<10240x128xf32, #tpu.memory_space<vmem_shared>> -> memref<10240x128xf32, #tpu.memory_space<vmem_shared>>
          tpu.enqueue_indirect_dma source(%arg7 : memref<128x128xf32, #tpu.memory_space<vmem>>) target(%dma_start3A_120 : memref<10240x128xf32, #tpu.memory_space<vmem_shared>>) offsets(%arg11 : memref<128xi32, #tpu.memory_space<vmem>>) semaphore(%run_scoped3A : memref<!tpu.dma_semaphore, #tpu.memory_space<semaphore_mem>>) {add = true}
          %dma_wait3A_121 = arith.constant 0 : i32
          %dma_wait3A_122 = arith.constant 0 : i32
          %dma_wait3A_123 = tpu.memref_slice %arg17[%dma_wait3A_121, %dma_wait3A_122] : memref<10240x128xf32, #tpu.memory_space<vmem_shared>> -> memref<10240x128xf32, #tpu.memory_space<vmem_shared>>
          tpu.wait_indirect_dma semaphore(%run_scoped3A : memref<!tpu.dma_semaphore, #tpu.memory_space<semaphore_mem>>) src(%arg7 : memref<128x128xf32, #tpu.memory_space<vmem>>) dst(%dma_wait3A_123 : memref<10240x128xf32, #tpu.memory_space<vmem_shared>>)
          tpu.yield
        }) : () -> ()
        %mul3A_86 = arith.constant 2 : i32
        %mul3A_87 = arith.muli %mul3A_86, %scan3A_55 : i32
        %add3A_88 = arith.constant 1 : i32
        %add3A_89 = arith.addi %mul3A_87, %add3A_88 : i32
        %dma_wait3A_90 = arith.constant 0 : i32
        %dma_wait3A_91 = arith.constant 0 : i32
        %dma_wait3A_92 = tpu.memref_slice %arg3[%dma_wait3A_90, %dma_wait3A_91] : memref<2560x128xi32, #tpu.memory_space<hbm>> -> memref<1x128xi32, #tpu.memory_space<hbm>>
        %dma_wait3A_93 = tpu.memref_squeeze %dma_wait3A_92 : memref<1x128xi32, #tpu.memory_space<hbm>> -> memref<128xi32, #tpu.memory_space<hbm>>
        %dma_wait3A_94 = arith.constant 0 : i32
        %dma_wait3A_95 = tpu.memref_slice %arg3[%dma_wait3A_90, %dma_wait3A_94] : memref<2560x128xi32, #tpu.memory_space<hbm>> -> memref<1x128xi32, #tpu.memory_space<hbm>>
        %dma_wait3A_96 = tpu.memref_squeeze %dma_wait3A_95 : memref<1x128xi32, #tpu.memory_space<hbm>> -> memref<128xi32, #tpu.memory_space<hbm>>
        tpu.wait_dma2 semaphore(%arg16 : memref<!tpu.dma_semaphore, #tpu.memory_space<semaphore_mem>>) src(%dma_wait3A_96 : memref<128xi32, #tpu.memory_space<hbm>>) dst(%arg10 : memref<128xi32, #tpu.memory_space<vmem>>)
        %dma_wait3A_97 = arith.constant 0 : i32
        %dma_wait3A_98 = arith.constant 0 : i32
        %dma_wait3A_99 = tpu.memref_slice %arg4[%dma_wait3A_97, %dma_wait3A_98] : memref<2560x128xi32, #tpu.memory_space<hbm>> -> memref<1x128xi32, #tpu.memory_space<hbm>>
        %dma_wait3A_100 = tpu.memref_squeeze %dma_wait3A_99 : memref<1x128xi32, #tpu.memory_space<hbm>> -> memref<128xi32, #tpu.memory_space<hbm>>
        %dma_wait3A_101 = arith.constant 0 : i32
        %dma_wait3A_102 = tpu.memref_slice %arg4[%dma_wait3A_97, %dma_wait3A_101] : memref<2560x128xi32, #tpu.memory_space<hbm>> -> memref<1x128xi32, #tpu.memory_space<hbm>>
        %dma_wait3A_103 = tpu.memref_squeeze %dma_wait3A_102 : memref<1x128xi32, #tpu.memory_space<hbm>> -> memref<128xi32, #tpu.memory_space<hbm>>
        tpu.wait_dma2 semaphore(%arg16 : memref<!tpu.dma_semaphore, #tpu.memory_space<semaphore_mem>>) src(%dma_wait3A_103 : memref<128xi32, #tpu.memory_space<hbm>>) dst(%arg12 : memref<128xi32, #tpu.memory_space<vmem>>)
        %add3A_104 = arith.constant 1 : i32
        %add3A_105 = arith.addi %add3A_89, %add3A_104 : i32
        %lt3A_106 = arith.constant 48 : i32
        %lt3A_107 = arith.cmpi slt, %add3A_105, %lt3A_106 : i32
        %convert_element_type3A_108 = arith.extui %lt3A_107 : i1 to i32
        %cond3A_109 = arith.constant 0 : i32
        %cond3A_110 = arith.cmpi ne, %convert_element_type3A_108, %cond3A_109 : i32
        scf.if %cond3A_110 {
          %add3A_118 = arith.constant 1 : i32
          %add3A_119 = arith.addi %add3A_89, %add3A_118 : i32
          %add3A_120 = arith.addi %add3A_33, %add3A_119 : i32
          %dma_start3A_121 = arith.constant 0 : i32
          %dma_start3A_122 = tpu.memref_slice %arg3[%add3A_120, %dma_start3A_121] : memref<2560x128xi32, #tpu.memory_space<hbm>> -> memref<1x128xi32, #tpu.memory_space<hbm>>
          %dma_start3A_123 = tpu.memref_squeeze %dma_start3A_122 : memref<1x128xi32, #tpu.memory_space<hbm>> -> memref<128xi32, #tpu.memory_space<hbm>>
          %dma_start3A_124 = arith.constant 0 : i32
          %dma_start3A_125 = tpu.memref_slice %arg3[%add3A_120, %dma_start3A_124] : memref<2560x128xi32, #tpu.memory_space<hbm>> -> memref<1x128xi32, #tpu.memory_space<hbm>>
          %dma_start3A_126 = tpu.memref_squeeze %dma_start3A_125 : memref<1x128xi32, #tpu.memory_space<hbm>> -> memref<128xi32, #tpu.memory_space<hbm>>
          tpu.enqueue_dma source(%dma_start3A_126 : memref<128xi32, #tpu.memory_space<hbm>>) target(%arg9 : memref<128xi32, #tpu.memory_space<vmem>>) target_semaphore(%arg15 : memref<!tpu.dma_semaphore, #tpu.memory_space<semaphore_mem>>)
          %add3A_127 = arith.addi %add3A_33, %add3A_119 : i32
          %dma_start3A_128 = arith.constant 0 : i32
          %dma_start3A_129 = tpu.memref_slice %arg4[%add3A_127, %dma_start3A_128] : memref<2560x128xi32, #tpu.memory_space<hbm>> -> memref<1x128xi32, #tpu.memory_space<hbm>>
          %dma_start3A_130 = tpu.memref_squeeze %dma_start3A_129 : memref<1x128xi32, #tpu.memory_space<hbm>> -> memref<128xi32, #tpu.memory_space<hbm>>
          %dma_start3A_131 = arith.constant 0 : i32
          %dma_start3A_132 = tpu.memref_slice %arg4[%add3A_127, %dma_start3A_131] : memref<2560x128xi32, #tpu.memory_space<hbm>> -> memref<1x128xi32, #tpu.memory_space<hbm>>
          %dma_start3A_133 = tpu.memref_squeeze %dma_start3A_132 : memref<1x128xi32, #tpu.memory_space<hbm>> -> memref<128xi32, #tpu.memory_space<hbm>>
          tpu.enqueue_dma source(%dma_start3A_133 : memref<128xi32, #tpu.memory_space<hbm>>) target(%arg11 : memref<128xi32, #tpu.memory_space<vmem>>) target_semaphore(%arg15 : memref<!tpu.dma_semaphore, #tpu.memory_space<semaphore_mem>>)
        } else {
        }
        %dma_start3A_111 = arith.constant 0 : i32
        %dma_start3A_112 = arith.constant 0 : i32
        %dma_start3A_113 = tpu.memref_slice %arg2[%dma_start3A_111, %dma_start3A_112] : memref<10000x128xf32, #tpu.memory_space<hbm>> -> memref<10000x128xf32, #tpu.memory_space<hbm>>
        tpu.enqueue_indirect_dma source(%dma_start3A_113 : memref<10000x128xf32, #tpu.memory_space<hbm>>) target(%arg7 : memref<128x128xf32, #tpu.memory_space<vmem>>) offsets(%arg10 : memref<128xi32, #tpu.memory_space<vmem>>) semaphore(%arg13 : memref<!tpu.dma_semaphore, #tpu.memory_space<semaphore_mem>>)
        %dma_wait3A_114 = arith.constant 0 : i32
        %dma_wait3A_115 = arith.constant 0 : i32
        %dma_wait3A_116 = tpu.memref_slice %arg2[%dma_wait3A_114, %dma_wait3A_115] : memref<10000x128xf32, #tpu.memory_space<hbm>> -> memref<10000x128xf32, #tpu.memory_space<hbm>>
        tpu.wait_indirect_dma semaphore(%arg13 : memref<!tpu.dma_semaphore, #tpu.memory_space<semaphore_mem>>) src(%dma_wait3A_116 : memref<10000x128xf32, #tpu.memory_space<hbm>>) dst(%arg7 : memref<128x128xf32, #tpu.memory_space<vmem>>)
        "tpu.region"() ({
          %run_scoped3A = tpu.sem_alloc : memref<!tpu.dma_semaphore, #tpu.memory_space<semaphore_mem>>
          %dma_start3A_118 = arith.constant 0 : i32
          %dma_start3A_119 = arith.constant 0 : i32
          %dma_start3A_120 = tpu.memref_slice %arg17[%dma_start3A_118, %dma_start3A_119] : memref<10240x128xf32, #tpu.memory_space<vmem_shared>> -> memref<10240x128xf32, #tpu.memory_space<vmem_shared>>
          tpu.enqueue_indirect_dma source(%arg7 : memref<128x128xf32, #tpu.memory_space<vmem>>) target(%dma_start3A_120 : memref<10240x128xf32, #tpu.memory_space<vmem_shared>>) offsets(%arg12 : memref<128xi32, #tpu.memory_space<vmem>>) semaphore(%run_scoped3A : memref<!tpu.dma_semaphore, #tpu.memory_space<semaphore_mem>>) {add = true}
          %dma_wait3A_121 = arith.constant 0 : i32
          %dma_wait3A_122 = arith.constant 0 : i32
          %dma_wait3A_123 = tpu.memref_slice %arg17[%dma_wait3A_121, %dma_wait3A_122] : memref<10240x128xf32, #tpu.memory_space<vmem_shared>> -> memref<10240x128xf32, #tpu.memory_space<vmem_shared>>
          tpu.wait_indirect_dma semaphore(%run_scoped3A : memref<!tpu.dma_semaphore, #tpu.memory_space<semaphore_mem>>) src(%arg7 : memref<128x128xf32, #tpu.memory_space<vmem>>) dst(%dma_wait3A_123 : memref<10240x128xf32, #tpu.memory_space<vmem_shared>>)
          tpu.yield
        }) : () -> ()
        %scan3A_117 = arith.constant 0 : i32
        scf.yield %scan3A_117 : i32
      }
      %scan3A_54 = arith.constant 24 : i32
    } else {
    }
    %barrier3A_25 = arith.constant 0 : index
    tpu.barrier barrier_id(%barrier3A_25)
    %mul3A_26 = arith.constant 640 : i32
    %mul3A_27 = arith.muli %arg1, %mul3A_26 : i32
    %mul3A_28 = arith.constant 640 : i32
    %mul3A_29 = arith.muli %arg1, %mul3A_28 : i32
    "tpu.region"() ({
      %run_scoped3A = tpu.sem_alloc : memref<!tpu.dma_semaphore, #tpu.memory_space<semaphore_mem>>
      %dma_start3A = arith.constant 0 : i32
      %dma_start3A_30 = tpu.memref_slice %arg6[%arg0, %mul3A_29, %dma_start3A] : memref<2x10240x128xf32, #tpu.memory_space<hbm>> -> memref<1x640x128xf32, #tpu.memory_space<hbm>>
      %dma_start3A_31 = tpu.memref_squeeze %dma_start3A_30 : memref<1x640x128xf32, #tpu.memory_space<hbm>> -> memref<640x128xf32, #tpu.memory_space<hbm>>
      %dma_start3A_32 = arith.constant 0 : i32
      %dma_start3A_33 = tpu.memref_slice %arg17[%mul3A_27, %dma_start3A_32] : memref<10240x128xf32, #tpu.memory_space<vmem_shared>> -> memref<640x128xf32, #tpu.memory_space<vmem_shared>>
      tpu.enqueue_dma source(%dma_start3A_33 : memref<640x128xf32, #tpu.memory_space<vmem_shared>>) target(%dma_start3A_31 : memref<640x128xf32, #tpu.memory_space<hbm>>) target_semaphore(%run_scoped3A : memref<!tpu.dma_semaphore, #tpu.memory_space<semaphore_mem>>)
      %dma_wait3A = arith.constant 0 : i32
      %dma_wait3A_34 = tpu.memref_slice %arg6[%arg0, %mul3A_29, %dma_wait3A] : memref<2x10240x128xf32, #tpu.memory_space<hbm>> -> memref<1x640x128xf32, #tpu.memory_space<hbm>>
      %dma_wait3A_35 = tpu.memref_squeeze %dma_wait3A_34 : memref<1x640x128xf32, #tpu.memory_space<hbm>> -> memref<640x128xf32, #tpu.memory_space<hbm>>
      %dma_wait3A_36 = arith.constant 0 : i32
      %dma_wait3A_37 = tpu.memref_slice %arg17[%mul3A_27, %dma_wait3A_36] : memref<10240x128xf32, #tpu.memory_space<vmem_shared>> -> memref<640x128xf32, #tpu.memory_space<vmem_shared>>
      tpu.wait_dma2 semaphore(%run_scoped3A : memref<!tpu.dma_semaphore, #tpu.memory_space<semaphore_mem>>) src(%dma_wait3A_37 : memref<640x128xf32, #tpu.memory_space<vmem_shared>>) dst(%dma_wait3A_35 : memref<640x128xf32, #tpu.memory_space<hbm>>)
      tpu.yield
    }) : () -> ()
    return
  }
}

module attributes {stable_mosaic.version = 14 : i64} {
  func.func @_tcA_body(%arg0: memref<10000x128xf32, #tpu.memory_space<vmem>>, %arg1: memref<128x512xf32, #tpu.memory_space<vmem>>, %arg2: memref<1x512xf32, #tpu.memory_space<vmem>>, %arg3: memref<512x128xf32, #tpu.memory_space<vmem>>, %arg4: memref<32x10000xf32, #tpu.memory_space<vmem>>, %arg5: memref<10000x128xf32, #tpu.memory_space<vmem>>, %arg6: memref<10000x1xf32, #tpu.memory_space<vmem>>) attributes {dimension_semantics = [], scalar_prefetch = 0 : i64, scratch_operands = 0 : i64, tpu.core_type = #tpu.core_type<tc>} {
    %get3A = arith.constant 0 : index
    %get3A_0 = arith.constant 0 : index
    %get3A_1 = vector.load %arg0[%get3A, %get3A_0] : memref<10000x128xf32, #tpu.memory_space<vmem>>, vector<10000x128xf32>
    %get3A_2 = arith.constant 0 : index
    %get3A_3 = arith.constant 0 : index
    %get3A_4 = vector.load %arg1[%get3A_2, %get3A_3] : memref<128x512xf32, #tpu.memory_space<vmem>>, vector<128x512xf32>
    %dot_general3A = arith.constant dense<0.000000e+00> : vector<10000x512xf32>
    %dot_general3A_5 = tpu.matmul %get3A_1, %get3A_4, %dot_general3A {dimension_numbers = #tpu.dot_dimension_numbers<[1], [0], [0], [1], [0, 0, 1, 1], [], []>, transpose_lhs_hint = false} : vector<10000x128xf32>, vector<128x512xf32>, vector<10000x512xf32> -> vector<10000x512xf32>
    %get3A_6 = arith.constant 0 : index
    %get3A_7 = arith.constant 0 : index
    %get3A_8 = vector.load %arg2[%get3A_6, %get3A_7] : memref<1x512xf32, #tpu.memory_space<vmem>>, vector<1x512xf32>
    %add3A = vector.broadcast %get3A_8 : vector<1x512xf32> to vector<10000x512xf32>
    %add3A_9 = arith.addf %dot_general3A_5, %add3A : vector<10000x512xf32>
    %get3A_10 = arith.constant 0 : index
    %get3A_11 = arith.constant 0 : index
    %get3A_12 = vector.load %arg3[%get3A_10, %get3A_11] : memref<512x128xf32, #tpu.memory_space<vmem>>, vector<512x128xf32>
    %dot_general3A_13 = arith.constant dense<0.000000e+00> : vector<10000x128xf32>
    %dot_general3A_14 = tpu.matmul %add3A_9, %get3A_12, %dot_general3A_13 {dimension_numbers = #tpu.dot_dimension_numbers<[1], [0], [0], [1], [0, 0, 1, 1], [], []>, transpose_lhs_hint = false} : vector<10000x512xf32>, vector<512x128xf32>, vector<10000x128xf32> -> vector<10000x128xf32>
    %get3A_15 = arith.constant 0 : index
    %get3A_16 = arith.constant 0 : index
    %get3A_17 = vector.load %arg4[%get3A_15, %get3A_16] : memref<32x10000xf32, #tpu.memory_space<vmem>>, vector<32x10000xf32>
    %reduce_sum3A = arith.constant dense<0.000000e+00> : vector<10000xf32>
    %reduce_sum3A_18 = vector.multi_reduction <add>, %get3A_17, %reduce_sum3A [0] : vector<32x10000xf32> to vector<10000xf32>
    %broadcast_in_dim3A = vector.shape_cast %reduce_sum3A_18 : vector<10000xf32> to vector<1x10000xf32>
    %add3A_19 = arith.constant 1.000000e+00 : f32
    %add3A_20 = vector.broadcast %add3A_19 : f32 to vector<1x10000xf32>
    %add3A_21 = arith.addf %broadcast_in_dim3A, %add3A_20 : vector<1x10000xf32>
    %transpose3A = tpu.transpose %add3A_21, [1, 0] : vector<1x10000xf32> -> vector<10000x1xf32>
    %rsqrt3A = math.rsqrt %transpose3A : vector<10000x1xf32>
    %swap3A = arith.constant 0 : index
    %swap3A_22 = arith.constant 0 : index
    %swap3A_23 = vector.load %arg6[%swap3A, %swap3A_22] : memref<10000x1xf32, #tpu.memory_space<vmem>>, vector<10000x1xf32>
    tpu.vector_store %arg6[%swap3A, %swap3A_22], %rsqrt3A {strides = array<i32>} : memref<10000x1xf32, #tpu.memory_space<vmem>>, vector<10000x1xf32>,
    %mul3A = vector.broadcast %rsqrt3A : vector<10000x1xf32> to vector<10000x128xf32>
    %mul3A_24 = arith.mulf %mul3A, %dot_general3A_14 : vector<10000x128xf32>
    %swap3A_25 = arith.constant 0 : index
    %swap3A_26 = arith.constant 0 : index
    %swap3A_27 = vector.load %arg5[%swap3A_25, %swap3A_26] : memref<10000x128xf32, #tpu.memory_space<vmem>>, vector<10000x128xf32>
    tpu.vector_store %arg5[%swap3A_25, %swap3A_26], %mul3A_24 {strides = array<i32>} : memref<10000x128xf32, #tpu.memory_space<vmem>>, vector<10000x128xf32>,
    return
  }
}

module attributes {stable_mosaic.version = 14 : i64} {
  func.func @_tcB_body(%arg0: memref<10000x128xf32, #tpu.memory_space<vmem>>, %arg1: memref<10000x128xf32, #tpu.memory_space<vmem>>, %arg2: memref<10000x128xf32, #tpu.memory_space<vmem>>, %arg3: memref<10000x1xf32, #tpu.memory_space<vmem>>, %arg4: memref<1x128xf32, #tpu.memory_space<vmem>>, %arg5: memref<1x128xf32, #tpu.memory_space<vmem>>, %arg6: memref<1x128xf32, #tpu.memory_space<vmem>>, %arg7: memref<128x128xf32, #tpu.memory_space<vmem>>, %arg8: memref<10000x128xf32, #tpu.memory_space<vmem>>) attributes {dimension_semantics = [], scalar_prefetch = 0 : i64, scratch_operands = 0 : i64, tpu.core_type = #tpu.core_type<tc>} {
    %get3A = arith.constant 0 : index
    %get3A_0 = arith.constant 0 : index
    %get3A_1 = vector.load %arg3[%get3A, %get3A_0] : memref<10000x1xf32, #tpu.memory_space<vmem>>, vector<10000x1xf32>
    %get3A_2 = arith.constant 0 : index
    %get3A_3 = arith.constant 0 : index
    %get3A_4 = vector.load %arg0[%get3A_2, %get3A_3] : memref<10000x128xf32, #tpu.memory_space<vmem>>, vector<10000x128xf32>
    %get3A_5 = arith.constant 0 : index
    %get3A_6 = arith.constant 0 : index
    %get3A_7 = vector.load %arg1[%get3A_5, %get3A_6] : memref<10000x128xf32, #tpu.memory_space<vmem>>, vector<10000x128xf32>
    %add3A = arith.addf %get3A_4, %get3A_7 : vector<10000x128xf32>
    %get3A_8 = arith.constant 0 : index
    %get3A_9 = arith.constant 0 : index
    %get3A_10 = vector.load %arg2[%get3A_8, %get3A_9] : memref<10000x128xf32, #tpu.memory_space<vmem>>, vector<10000x128xf32>
    %add3A_11 = arith.addf %add3A, %get3A_10 : vector<10000x128xf32>
    %mul3A = vector.broadcast %get3A_1 : vector<10000x1xf32> to vector<10000x128xf32>
    %mul3A_12 = arith.mulf %mul3A, %add3A_11 : vector<10000x128xf32>
    %get3A_13 = arith.constant 0 : index
    %get3A_14 = arith.constant 0 : index
    %get3A_15 = vector.load %arg4[%get3A_13, %get3A_14] : memref<1x128xf32, #tpu.memory_space<vmem>>, vector<1x128xf32>
    %add3A_16 = vector.broadcast %get3A_15 : vector<1x128xf32> to vector<10000x128xf32>
    %add3A_17 = arith.addf %mul3A_12, %add3A_16 : vector<10000x128xf32>
    %get3A_18 = arith.constant 0 : index
    %get3A_19 = arith.constant 0 : index
    %get3A_20 = vector.load %arg5[%get3A_18, %get3A_19] : memref<1x128xf32, #tpu.memory_space<vmem>>, vector<1x128xf32>
    %get3A_21 = arith.constant 0 : index
    %get3A_22 = arith.constant 0 : index
    %get3A_23 = vector.load %arg6[%get3A_21, %get3A_22] : memref<1x128xf32, #tpu.memory_space<vmem>>, vector<1x128xf32>
    %reduce_sum3A = arith.constant dense<0.000000e+00> : vector<128xf32>
    %reduce_sum3A_24 = vector.multi_reduction <add>, %add3A_17, %reduce_sum3A [0] : vector<10000x128xf32> to vector<128xf32>
    %broadcast_in_dim3A = vector.shape_cast %reduce_sum3A_24 : vector<128xf32> to vector<1x128xf32>
    %div3A = arith.constant 1.000000e+04 : f32
    %div3A_25 = vector.broadcast %div3A : f32 to vector<1x128xf32>
    %div3A_26 = arith.divf %broadcast_in_dim3A, %div3A_25 : vector<1x128xf32>
    %sub3A = vector.broadcast %div3A_26 : vector<1x128xf32> to vector<10000x128xf32>
    %sub3A_27 = arith.subf %add3A_17, %sub3A : vector<10000x128xf32>
    %mul3A_28 = arith.mulf %sub3A_27, %sub3A_27 : vector<10000x128xf32>
    %reduce_sum3A_29 = arith.constant dense<0.000000e+00> : vector<128xf32>
    %reduce_sum3A_30 = vector.multi_reduction <add>, %mul3A_28, %reduce_sum3A_29 [0] : vector<10000x128xf32> to vector<128xf32>
    %broadcast_in_dim3A_31 = vector.shape_cast %reduce_sum3A_30 : vector<128xf32> to vector<1x128xf32>
    %div3A_32 = arith.constant 1.000000e+04 : f32
    %div3A_33 = vector.broadcast %div3A_32 : f32 to vector<1x128xf32>
    %div3A_34 = arith.divf %broadcast_in_dim3A_31, %div3A_33 : vector<1x128xf32>
    %mul3A_35 = vector.broadcast %get3A_20 : vector<1x128xf32> to vector<10000x128xf32>
    %mul3A_36 = arith.mulf %mul3A_35, %sub3A_27 : vector<10000x128xf32>
    %add3A_37 = arith.constant 9.99999974E-6 : f32
    %add3A_38 = vector.broadcast %add3A_37 : f32 to vector<1x128xf32>
    %add3A_39 = arith.addf %div3A_34, %add3A_38 : vector<1x128xf32>
    %rsqrt3A = math.rsqrt %add3A_39 : vector<1x128xf32>
    %mul3A_40 = vector.broadcast %rsqrt3A : vector<1x128xf32> to vector<10000x128xf32>
    %mul3A_41 = arith.mulf %mul3A_36, %mul3A_40 : vector<10000x128xf32>
    %add3A_42 = vector.broadcast %get3A_23 : vector<1x128xf32> to vector<10000x128xf32>
    %add3A_43 = arith.addf %mul3A_41, %add3A_42 : vector<10000x128xf32>
    %max3A = arith.constant 0.000000e+00 : f32
    %max3A_44 = vector.broadcast %max3A : f32 to vector<10000x128xf32>
    %max3A_45 = arith.maximumf %add3A_43, %max3A_44 : vector<10000x128xf32>
    %get3A_46 = arith.constant 0 : index
    %get3A_47 = arith.constant 0 : index
    %get3A_48 = vector.load %arg7[%get3A_46, %get3A_47] : memref<128x128xf32, #tpu.memory_space<vmem>>, vector<128x128xf32>
    %dot_general3A = arith.constant dense<0.000000e+00> : vector<10000x128xf32>
    %dot_general3A_49 = tpu.matmul %max3A_45, %get3A_48, %dot_general3A {dimension_numbers = #tpu.dot_dimension_numbers<[1], [0], [0], [1], [0, 0, 1, 1], [], []>, transpose_lhs_hint = false} : vector<10000x128xf32>, vector<128x128xf32>, vector<10000x128xf32> -> vector<10000x128xf32>
    %mul3A_50 = vector.broadcast %get3A_1 : vector<10000x1xf32> to vector<10000x128xf32>
    %mul3A_51 = arith.mulf %mul3A_50, %dot_general3A_49 : vector<10000x128xf32>
    %swap3A = arith.constant 0 : index
    %swap3A_52 = arith.constant 0 : index
    %swap3A_53 = vector.load %arg8[%swap3A, %swap3A_52] : memref<10000x128xf32, #tpu.memory_space<vmem>>, vector<10000x128xf32>
    tpu.vector_store %arg8[%swap3A, %swap3A_52], %mul3A_51 {strides = array<i32>} : memref<10000x128xf32, #tpu.memory_space<vmem>>, vector<10000x128xf32>,
    return
  }
}

module attributes {stable_mosaic.version = 14 : i64} {
  func.func @_tcC_body(%arg0: memref<10000x128xf32, #tpu.memory_space<vmem>>, %arg1: memref<10000x128xf32, #tpu.memory_space<vmem>>, %arg2: memref<10000x128xf32, #tpu.memory_space<vmem>>, %arg3: memref<10000x1xf32, #tpu.memory_space<vmem>>, %arg4: memref<1x128xf32, #tpu.memory_space<vmem>>, %arg5: memref<1x128xf32, #tpu.memory_space<vmem>>, %arg6: memref<1x128xf32, #tpu.memory_space<vmem>>, %arg7: memref<128x16xf32, #tpu.memory_space<vmem>>, %arg8: memref<1x16xf32, #tpu.memory_space<vmem>>, %arg9: memref<10000x16xf32, #tpu.memory_space<vmem>>) attributes {dimension_semantics = [], scalar_prefetch = 0 : i64, scratch_operands = 0 : i64, tpu.core_type = #tpu.core_type<tc>} {
    %get3A = arith.constant 0 : index
    %get3A_0 = arith.constant 0 : index
    %get3A_1 = vector.load %arg3[%get3A, %get3A_0] : memref<10000x1xf32, #tpu.memory_space<vmem>>, vector<10000x1xf32>
    %get3A_2 = arith.constant 0 : index
    %get3A_3 = arith.constant 0 : index
    %get3A_4 = vector.load %arg0[%get3A_2, %get3A_3] : memref<10000x128xf32, #tpu.memory_space<vmem>>, vector<10000x128xf32>
    %get3A_5 = arith.constant 0 : index
    %get3A_6 = arith.constant 0 : index
    %get3A_7 = vector.load %arg1[%get3A_5, %get3A_6] : memref<10000x128xf32, #tpu.memory_space<vmem>>, vector<10000x128xf32>
    %add3A = arith.addf %get3A_4, %get3A_7 : vector<10000x128xf32>
    %get3A_8 = arith.constant 0 : index
    %get3A_9 = arith.constant 0 : index
    %get3A_10 = vector.load %arg2[%get3A_8, %get3A_9] : memref<10000x128xf32, #tpu.memory_space<vmem>>, vector<10000x128xf32>
    %add3A_11 = arith.addf %add3A, %get3A_10 : vector<10000x128xf32>
    %mul3A = vector.broadcast %get3A_1 : vector<10000x1xf32> to vector<10000x128xf32>
    %mul3A_12 = arith.mulf %mul3A, %add3A_11 : vector<10000x128xf32>
    %get3A_13 = arith.constant 0 : index
    %get3A_14 = arith.constant 0 : index
    %get3A_15 = vector.load %arg4[%get3A_13, %get3A_14] : memref<1x128xf32, #tpu.memory_space<vmem>>, vector<1x128xf32>
    %add3A_16 = vector.broadcast %get3A_15 : vector<1x128xf32> to vector<10000x128xf32>
    %add3A_17 = arith.addf %mul3A_12, %add3A_16 : vector<10000x128xf32>
    %get3A_18 = arith.constant 0 : index
    %get3A_19 = arith.constant 0 : index
    %get3A_20 = vector.load %arg5[%get3A_18, %get3A_19] : memref<1x128xf32, #tpu.memory_space<vmem>>, vector<1x128xf32>
    %get3A_21 = arith.constant 0 : index
    %get3A_22 = arith.constant 0 : index
    %get3A_23 = vector.load %arg6[%get3A_21, %get3A_22] : memref<1x128xf32, #tpu.memory_space<vmem>>, vector<1x128xf32>
    %reduce_sum3A = arith.constant dense<0.000000e+00> : vector<128xf32>
    %reduce_sum3A_24 = vector.multi_reduction <add>, %add3A_17, %reduce_sum3A [0] : vector<10000x128xf32> to vector<128xf32>
    %broadcast_in_dim3A = vector.shape_cast %reduce_sum3A_24 : vector<128xf32> to vector<1x128xf32>
    %div3A = arith.constant 1.000000e+04 : f32
    %div3A_25 = vector.broadcast %div3A : f32 to vector<1x128xf32>
    %div3A_26 = arith.divf %broadcast_in_dim3A, %div3A_25 : vector<1x128xf32>
    %sub3A = vector.broadcast %div3A_26 : vector<1x128xf32> to vector<10000x128xf32>
    %sub3A_27 = arith.subf %add3A_17, %sub3A : vector<10000x128xf32>
    %mul3A_28 = arith.mulf %sub3A_27, %sub3A_27 : vector<10000x128xf32>
    %reduce_sum3A_29 = arith.constant dense<0.000000e+00> : vector<128xf32>
    %reduce_sum3A_30 = vector.multi_reduction <add>, %mul3A_28, %reduce_sum3A_29 [0] : vector<10000x128xf32> to vector<128xf32>
    %broadcast_in_dim3A_31 = vector.shape_cast %reduce_sum3A_30 : vector<128xf32> to vector<1x128xf32>
    %div3A_32 = arith.constant 1.000000e+04 : f32
    %div3A_33 = vector.broadcast %div3A_32 : f32 to vector<1x128xf32>
    %div3A_34 = arith.divf %broadcast_in_dim3A_31, %div3A_33 : vector<1x128xf32>
    %mul3A_35 = vector.broadcast %get3A_20 : vector<1x128xf32> to vector<10000x128xf32>
    %mul3A_36 = arith.mulf %mul3A_35, %sub3A_27 : vector<10000x128xf32>
    %add3A_37 = arith.constant 9.99999974E-6 : f32
    %add3A_38 = vector.broadcast %add3A_37 : f32 to vector<1x128xf32>
    %add3A_39 = arith.addf %div3A_34, %add3A_38 : vector<1x128xf32>
    %rsqrt3A = math.rsqrt %add3A_39 : vector<1x128xf32>
    %mul3A_40 = vector.broadcast %rsqrt3A : vector<1x128xf32> to vector<10000x128xf32>
    %mul3A_41 = arith.mulf %mul3A_36, %mul3A_40 : vector<10000x128xf32>
    %add3A_42 = vector.broadcast %get3A_23 : vector<1x128xf32> to vector<10000x128xf32>
    %add3A_43 = arith.addf %mul3A_41, %add3A_42 : vector<10000x128xf32>
    %max3A = arith.constant 0.000000e+00 : f32
    %max3A_44 = vector.broadcast %max3A : f32 to vector<10000x128xf32>
    %max3A_45 = arith.maximumf %add3A_43, %max3A_44 : vector<10000x128xf32>
    %get3A_46 = arith.constant 0 : index
    %get3A_47 = arith.constant 0 : index
    %get3A_48 = vector.load %arg7[%get3A_46, %get3A_47] : memref<128x16xf32, #tpu.memory_space<vmem>>, vector<128x16xf32>
    %dot_general3A = arith.constant dense<0.000000e+00> : vector<10000x16xf32>
    %dot_general3A_49 = tpu.matmul %max3A_45, %get3A_48, %dot_general3A {dimension_numbers = #tpu.dot_dimension_numbers<[1], [0], [0], [1], [0, 0, 1, 1], [], []>, transpose_lhs_hint = false} : vector<10000x128xf32>, vector<128x16xf32>, vector<10000x16xf32> -> vector<10000x16xf32>
    %get3A_50 = arith.constant 0 : index
    %get3A_51 = arith.constant 0 : index
    %get3A_52 = vector.load %arg8[%get3A_50, %get3A_51] : memref<1x16xf32, #tpu.memory_space<vmem>>, vector<1x16xf32>
    %add3A_53 = vector.broadcast %get3A_52 : vector<1x16xf32> to vector<10000x16xf32>
    %add3A_54 = arith.addf %dot_general3A_49, %add3A_53 : vector<10000x16xf32>
    %reduce_max3A = arith.constant dense<0xFF800000> : vector<10000xf32>
    %reduce_max3A_55 = vector.multi_reduction <maximumf>, %add3A_54, %reduce_max3A [1] : vector<10000x16xf32> to vector<10000xf32>
    %broadcast_in_dim3A_56 = vector.shape_cast %reduce_max3A_55 : vector<10000xf32> to vector<10000x1xf32>
    %sub3A_57 = vector.broadcast %broadcast_in_dim3A_56 : vector<10000x1xf32> to vector<10000x16xf32>
    %sub3A_58 = arith.subf %add3A_54, %sub3A_57 : vector<10000x16xf32>
    %exp3A = math.exp %sub3A_58 : vector<10000x16xf32>
    %reduce_sum3A_59 = arith.constant dense<0.000000e+00> : vector<10000xf32>
    %reduce_sum3A_60 = vector.multi_reduction <add>, %exp3A, %reduce_sum3A_59 [1] : vector<10000x16xf32> to vector<10000xf32>
    %broadcast_in_dim3A_61 = vector.shape_cast %reduce_sum3A_60 : vector<10000xf32> to vector<10000x1xf32>
    %log3A = math.log %broadcast_in_dim3A_61 : vector<10000x1xf32>
    %add3A_62 = arith.addf %log3A, %broadcast_in_dim3A_56 : vector<10000x1xf32>
    %sub3A_63 = vector.broadcast %add3A_62 : vector<10000x1xf32> to vector<10000x16xf32>
    %sub3A_64 = arith.subf %add3A_54, %sub3A_63 : vector<10000x16xf32>
    %swap3A = arith.constant 0 : index
    %swap3A_65 = arith.constant 0 : index
    %swap3A_66 = vector.load %arg9[%swap3A, %swap3A_65] : memref<10000x16xf32, #tpu.memory_space<vmem>>, vector<10000x16xf32>
    tpu.vector_store %arg9[%swap3A, %swap3A_65], %sub3A_64 {strides = array<i32>} : memref<10000x16xf32, #tpu.memory_space<vmem>>, vector<10000x16xf32>,
    return
  }
}

</mosaic_0001>

<sc_bundles>
// kernel: kernel.11.cloned.1.call-start
scs
__scs_entry_jumppad:
0x0: {  	(pc) =	sbr.rel $0x88, $3  }
0x1: {  	(tag) =	ssettag $0x0;
	lr =	simm.s32 $0x1  }
0x2: {  	[smem:$0x3F93] =	sst lr;
	_ =	strace $0xD0000000  }
0x3: {  	_ = 	snop  }
0x4: {  	_ = 	snop  }
0x5: {  	_ = 	snop  }
0x6: {  	_ = 	snop  }
0x7: {  	_ = 	snop  }
__scs_overlays_trampoline_lowered:
0x8: {  	[smem:$0x3FA2] =	sst s0  }
0x9: {  	[smem:$0x3FA3] =	sst s1  }
0xa: {  	[smem:$0x3FA4] =	sst s2  }
0xb: {  	[smem:$0x3FA5] =	sst s3  }
0xc: {  	[smem:$0x3FA6] =	sst s4  }
0xd: {  	[smem:$0x3FA7] =	sst s5  }
0xe: {  	[smem:$0x3FA8] =	sst s6  }
0xf: {  	[smem:$0x3FA9] =	sst s7  }
0x10: {  	[smem:$0x3FAA] =	sst s8  }
0x11: {  	[smem:$0x3FAB] =	sst s9;
	s0 =	simm.s32 @!p0 $0x0  }
0x12: {  	s1 =	sld [smem:$0x3F91];
	s0 =	simm.s32 @p0 $0x1  }
0x13: {  	[smem:$0x3FAC] =	sst s0;
	s0 =	simm.s32 @!p1 $0x0  }
0x14: {  	s2 =	sld [smem:$0x3F90];
	s0 =	simm.s32 @p1 $0x1  }
0x15: {  	[smem:$0x3FAD] =	sst s0;
	s0 =	simm.s32 @!p2 $0x0  }
0x16: {  	s3 =	sld [smem:$0x3FDB];
	s0 =	simm.s32 @p2 $0x1  }
0x17: {  	s4 =	simm.s32 $0x1BF5;
	[smem:$0x3FAF] =	sst s0  }
0x18: {  	s0 =	sld [smem:$0x3F92];
	_ =	swait.ge [sflag:s4], $0x0  }
0x19: {  	s7 =	sld [smem:$0x3F93]  }
0x1a: {  	s8 =	sadd.s32 $0xFFFFE003, lr  }
0x1b: {  	s9 =	sadd.s32 $0xFFFFFEF7, lr;
	s5 =	simm.s32 $0xFFFFFFFF;
	p2 =	slt.u32 s8, $0xFFFFF086  }
0x1c: {  	p1 =	slt.u32 s9, $0xF7A;
	s5 =	simm.s32 @!p2 $0x0  }
0x1d: {  	s5 =	simm.s32 @p1 $0x1;
	p0 =	seq.s32 s7, s2  }
0x1e: {  	s7 =	smul.u32 @!p0 $0xF7A, s2;
	p2 =	seq.s32 @!p0 s5, $0x0  }
0x1f: {  	s9 =	smul.u32 $0xF7A, s1;
	s8 =	simm.s32 @!p0 $0x1BF5;
	p2 =	por !p2, p0  }
0x20: {  	[sflag:s8] =	ssyncset.s32 @!p0 $0xFFFFF086;
	s6 =	sadd.s32 @!p0 s3, s7;
	s7 =	simm.s32 @!p0 $0x108  }
0x21: {  	s3 =	sadd.s32 s3, s9;
	s6 =	sadd.s32 @!p0 $0x88, s6;
	s7 =	simm.s32 @p2 $0x1082  }
0x22: {  	[simem:s7], [sflag:s8] =	dma.local @!p0 [hbm:s6], $0xF7A  }
0x23: {  	s9 =	sor.u32 $0xD0000000, s2;
	s6 =	simm.s32 $0x108;
	_ =	swait.ge @!p0 [sflag:s8], $0x0  }
0x24: {  	s3 =	sadd.s32 $0x88, s3;
	s6 =	simm.s32 @!p1 $0x1082;
	[sflag:s4] =	ssyncset.s32 $0xFFFFF086  }
0x25: {  	[simem:s6], [sflag:s4] =	dma.local [hbm:s3], $0xF7A  }
0x26: {  	[smem:$0x3F93] =	sst s1;
	(tag) =	ssettag s2;
	_ =	strace s9  }
0x27: {  	s1 =	sld [smem:$0x3FA3]  }
0x28: {  	s2 =	sld [smem:$0x3FA4]  }
0x29: {  	s4 =	sld [smem:$0x3FA6]  }
0x2a: {  	p0 =	seq.s32 s5, $0x0;
	s5 =	sld [smem:$0x3FA7]  }
0x2b: {  	s6 =	sld [smem:$0x3FA8]  }
0x2c: {  	s7 =	sld [smem:$0x3FA9]  }
0x2d: {  	s3 =	simm.s32 $0x108;
	s8 =	sld [smem:$0x3FAA]  }
0x2e: {  	s3 =	simm.s32 @!p0 $0x1082;
	s9 =	sld [smem:$0x3FAB]  }
0x2f: {  	lr =	sadd.s32 s0, s3;
	s0 =	sld [smem:$0x3FA2]  }
0x30: {  	s3 =	sld [smem:$0x3FA5]  }
0x31: {  	[smem:$0x3FAE] =	sst s10  }
0x32: {  	s10 =	sld [smem:$0x3FAC];
	_ =	sdelay $0x3  }
0x33: {  	p0 =	seq.s32 s10, $0x1;
	s10 =	sld [smem:$0x3FAE];
	_ =	sdelay $0x3  }
0x34: {  	[smem:$0x3FAE] =	sst s10  }
0x35: {  	s10 =	sld [smem:$0x3FAD];
	_ =	sdelay $0x3  }
0x36: {  	p1 =	seq.s32 s10, $0x1;
	s10 =	sld [smem:$0x3FAE];
	_ =	sdelay $0x3  }
0x37: {  	[smem:$0x3FAE] =	sst s10  }
0x38: {  	s10 =	sld [smem:$0x3FAF]  }
0x39: {  	_ = 	snop;
	(pc) =	sbr.ind lr, $3  }
0x3a: {  	_ = 	snop  }
0x3b: {  	_ = 	snop  }
0x3c: {  	p2 =	seq.s32 s10, $0x1;
	s10 =	sld [smem:$0x3FAE]  }
0x3d: {  	_ =	shalt  }
0x3e: {  	_ =	shalt  }
0x3f: {  	_ =	shalt  }
0x40: {  	_ =	shalt  }
0x41: {  	_ =	shalt  }
0x42: {  	_ =	shalt  }
0x43: {  	_ =	shalt  }
0x44: {  	_ =	shalt  }
0x45: {  	_ =	shalt  }
0x46: {  	_ =	shalt  }
0x47: {  	_ =	shalt  }
0x48: {  	_ =	shalt  }
0x49: {  	_ =	shalt  }
0x4a: {  	_ =	shalt  }
0x4b: {  	_ =	shalt  }
0x4c: {  	_ =	shalt  }
0x4d: {  	_ =	shalt  }
0x4e: {  	_ =	shalt  }
0x4f: {  	_ =	shalt  }
0x50: {  	_ =	shalt  }
0x51: {  	_ =	shalt  }
0x52: {  	_ =	shalt  }
0x53: {  	_ =	shalt  }
0x54: {  	_ =	shalt  }
0x55: {  	_ =	shalt  }
0x56: {  	_ =	shalt  }
0x57: {  	_ =	shalt  }
0x58: {  	_ =	shalt  }
0x59: {  	_ =	shalt  }
0x5a: {  	_ =	shalt  }
0x5b: {  	_ =	shalt  }
0x5c: {  	_ =	shalt  }
0x5d: {  	_ =	shalt  }
0x5e: {  	_ =	shalt  }
0x5f: {  	_ =	shalt  }
0x60: {  	_ =	shalt  }
0x61: {  	_ =	shalt  }
0x62: {  	_ =	shalt  }
0x63: {  	_ =	shalt  }
0x64: {  	_ =	shalt  }
0x65: {  	_ =	shalt  }
0x66: {  	_ =	shalt  }
0x67: {  	_ =	shalt  }
0x68: {  	_ =	shalt  }
0x69: {  	_ =	shalt  }
0x6a: {  	_ =	shalt  }
0x6b: {  	_ =	shalt  }
0x6c: {  	_ =	shalt  }
0x6d: {  	_ =	shalt  }
0x6e: {  	_ =	shalt  }
0x6f: {  	_ =	shalt  }
0x70: {  	_ =	shalt  }
0x71: {  	_ =	shalt  }
0x72: {  	_ =	shalt  }
0x73: {  	_ =	shalt  }
0x74: {  	_ =	shalt  }
0x75: {  	_ =	shalt  }
0x76: {  	_ =	shalt  }
0x77: {  	_ =	shalt  }
0x78: {  	_ =	shalt  }
0x79: {  	_ =	shalt  }
0x7a: {  	_ =	shalt  }
0x7b: {  	_ =	shalt  }
0x7c: {  	_ =	shalt  }
0x7d: {  	_ =	shalt  }
0x7e: {  	_ =	shalt  }
0x7f: {  	_ =	shalt  }
0x80: {  	_ =	shalt  }
0x81: {  	_ =	shalt  }
0x82: {  	_ =	shalt  }
0x83: {  	_ =	shalt  }
0x84: {  	_ =	shalt  }
0x85: {  	_ =	shalt  }
0x86: {  	_ =	shalt  }
0x87: {  	_ =	shalt  }
.Lfunc_end0:
.L_simem_size_0:
called_computation.1_lowered:
.L_overlay_start_0:
0x88: {  	s2 =	sld [smem:$0x3FD9]  }
0x89: {  	s3 =	sld [smem:$0x3FFE];
	_ =	sdelay $0x1  }
0x8a: {  	s1 =	srdreg.scid  }
0x8b: {  	s0 =	sand.u32 $0x1, s1  }
0x8c: {  	s17 =	sshll.u32 s0, $0xA;
	s2 =	sadd.s32 s3, s2  }
0x8d: {  	s2 =	sadd.s32 s2, s17  }
0x8e: {  	[smem:$0x3FBA] =	sst s2  }
0x8f: {  	_ = 	snop  }
0x90: {  	s2 =	sld [smem:$0x3FD0];
	(tm) =	ssettm $0x1  }
0x91: {  	s18 =	sld [smem:$0x3FFB];
	_ =	sdelay $0x3  }
0x92: {  	_ =	strace s18  }
0x93: {  	s3 =	sld [smem:$0x3FFC];
	_ =	sdelay $0x3  }
0x94: {  	_ =	strace s3  }
0x95: {  	s3 =	sld [smem:$0x3FFD];
	_ =	sdelay $0x3  }
0x96: {  	_ =	strace s3  }
0x97: {  	_ =	strace $0x8FFFFFFF  }
0x98: {  	s19 =	sld [smem:$0x3FDB];
	_ =	sdelay $0x1  }
0x99: {  	s4 =	simm.s32 $_scs_section_size  }
0x9a: {  	s5 =	simm.s32 $_size__tile_overlayer_lowered;
	s6 =	simm.s32 $_tile_overlayer_lowered  }
0x9b: {  	s22 =	simm.s32 $0x1BFF;
	s21 =	sshll.u32 s6, $0x1;
	s3 =	sadd.s32 s4, s19  }
0x9c: {  	s7 =	simm.s32 $0x0;
	s20 =	sshll.u32 s5, $0x1;
	s5 =	sadd.s32 s21, s3  }
0x9d: {  	[timem:s7], [sflag:s22] =	dma.local [hbm:s5], s20  }
0x9e: {  	_ =	swait.ge [sflag:s22], s20  }
0x9f: {  	s4 =	ssub.s32 $0x0, s20;
	[sflag:s22] =	ssyncset.done $0x0  }
0xa0: {  	[sflag:s22] =	ssyncadd.s32 s4;
	_ =	sdelay $0x1  }
0xa1: {  	s23 =	simm.s32 $0x1B8B  }
0xa2: {  	_ =	swait.ge [sflag:s23], $0x1  }
0xa3: {  	[sflag:s23] =	ssyncset.done $0x0  }
0xa4: {  	s25 =	simm.s32 $0x1B8E;
	s24 =	sld [smem:$0x3FFE];
	[sflag:s23] =	ssyncadd.s32 $0xFFFFFFFF  }
0xa5: {  	s26 =	simm.s32 $execute0_lowered;
	[smem:$0x3FD2] =	sst s25  }
0xa6: {  	s5 =	sshll.u32 s26, $0x1;
	_ =	strace $0x80000049;
	[dreg:$0x1] =	wrdreg $0xFFFFFFFF  }
0xa7: {  	s28 =	simm.s32 $_size_execute0_lowered;
	s3 =	sadd.s32 s3, s5;
	[dreg:$0x0] =	wrdreg $0x0  }
0xa8: {  	s5 =	sshll.u32 s28, $0x1;
	[dreg:$0x2] =	wrdreg s3  }
0xa9: {  	[dreg:$0x3] =	wrdreg s5  }
0xaa: {  	[dreg:$0x4] =	wrdreg $0xC0  }
0xab: {  	_ =	task [dreg:s7], $0x5FFFF  }
0xac: {  	[dreg:$0x1] =	wrdreg $0xFFFFFFFF  }
0xad: {  	[dreg:$0x0] =	wrdreg $0x60  }
0xae: {  	[dreg:$0x2] =	wrdreg s24  }
0xaf: {  	[dreg:$0x3] =	wrdreg s2  }
0xb0: {  	[dreg:$0x4] =	wrdreg $0x82000  }
0xb1: {  	[dreg:$0x5] =	wrdreg $0x9  }
0xb2: {  	_ =	task.clear_ibuf [dreg:s7], $0x6FFFF;
	_ =	strace $0x90000049  }
0xb3: {  	s29 =	simm.s32 $0x9;
	_ =	strace $0x8000004B  }
0xb4: {  	_ =	swait.ge [sflag:s29], $0x1  }
0xb5: {  	[sflag:s29] =	ssyncadd.s32 $0xFFFFFFFF  }
0xb6: {  	_ =	strace $0x9000004B  }
0xb7: {  	_ =	sfence  }
0xb8: {  	s30 =	sld [smem:$0x0];
	_ =	sdelay $0x2  }
0xb9: {  	s31 =	sshll.u32 s1, $0xD;
	s1 =	sshrl.u32 s1, $0x2  }
0xba: {  	s3 =	sand.u32 $0x4000, s31;
	s1 =	sadd.s32 s1, s30  }
0xbb: {  	s0 =	sor.u32 s3, s0;
	s1 =	sshll.u32 s1, $0x11  }
0xbc: {  	s0 =	sor.u32 s1, s0  }
0xbd: {  	s0 =	sadd.s32 $0x8F2B, s0  }
0xbe: {  	[sflag:s0] =	ssyncadd.remote.s32 $0x1  }
0xbf: {  	_ =	sfence.sel $0xFFFF  }
0xc0: {  	[dreg:$0x0] =	wrdreg $0xFFFFFFFF;
	(pc) =	sbr.abs _section_cstart, $3  }
0xc1: {  	[dreg:$0x1] =	wrdreg $0xFFFFFFFF  }
0xc2: {  	_ =	task.clear_ibuf [dreg:s7], $0x2FFFF;
	_ =	strace $0x9FFFFFFF  }
0xc3: {  	(tm) =	ssettm $0x7FFFFFFF  }
tec
execute0_lowered:
.L_overlay_start_1:
0x0: {  	(tag) =	ssettag $0x1  }
0x1: {  	s0 =	rddreg [dreg:$0x0]  }
0x2: {  	s19 =	rddreg [dreg:$0x1]  }
0x3: {  	s2 =	rddreg [dreg:$0x2]  }
0x4: {  	s1 =	srdreg.scid;
	s11 =	stileid.u32  }
0x5: {  	s4 =	simm.s32 $0x0;
	s28 =	simm.s32 $0x8100;
	s8 =	smul.u32 $0x14000, s11  }
0x6: {  	s29 =	simm.s32 $0x3;
	s30 =	simm.s32 $0x8080;
	s9 =	smul.u32 $0x50000, s11  }
0x7: {  	s31 =	simm.s32 $0x8180;
	s1 =	sand.u32 $0x1, s1;
	s12 =	smul.u32 $0x700, s11  }
0x8: {  	[smem:$0x7FF] =	sst s4;
	s5 =	sadd.s32 $0x2C200, s0;
	s14 =	smul.u32 $0x300, s11  }
0x9: {  	s6 =	sadd.s32 $0x22200, s0;
	s7 =	sadd.s32 $0xE200, s0;
	s3 =	smul.u32 $0x140000, s1  }
0xa: {  	_ =	strace $0x8000004A;
	s10 =	ssub.s32 $0x2, s1;
	p0 =	seq.s32 s1, $0x1  }
0xb: {  	s23 =	sshrl.u32 s9, $0x2;
	s24 =	sshrl.u32 s10, $0x1;
	s26 =	sadd.s32 s6, s12  }
0xc: {  	s9 =	sadd.s32 s7, s12;
	s16 =	sadd.s32 $0x7000, s14;
	s18 =	sadd.s32 $0x72F0, s14  }
0xd: {  	s3 =	sadd.s32 s8, s3;
	s8 =	sadd.s32 s23, s2;
	[dreg:$0x5] =	wrdreg s26  }
0xe: {  	s25 =	ssub.s32 s10, s24;
	[dreg:$0x6] =	wrdreg s9;
	s10 =	sor.u32 $0x10, s12  }
0xf: {  	s17 =	sadd.s32 s6, s16;
	s26 =	sadd.s32 s7, s18;
	s3 =	sshrl.u32 s3, $0x3  }
0x10: {  	s20 =	sadd.s32 $0x4000, s8;
	s13 =	sadd.s32 $0x8000, s8;
	[dreg:$0x9] =	wrdreg s17  }
0x11: {  	s21 =	sadd.s32 $0xC000, s8;
	s15 =	sadd.s32 s6, s10;
	[dreg:$0xe] =	wrdreg s26  }
0x12: {  	s22 =	sadd.s32 $0x10000, s8;
	s1 =	sadd.s32 s7, s10;
	[dreg:$0x7] =	wrdreg s15  }
0x13: {  	s24 =	smax.u32 s25, $0x1;
	s25 =	sadd.s32 s6, s18;
	[dreg:$0x8] =	wrdreg s1  }
.Ltmp0:
0x14: {  	s26 =	simm.s32 $0x8000;
	[dreg:$0xd] =	wrdreg s25;
	(pc) =	sbr.rel .LBB2_1-.Ltmp0, $4  }
0x15: {  	s0 =	sadd.s32 s3, s0;
	s1 =	sadd.s32 s7, s16;
	[dreg:$0x4] =	wrdreg s22  }
0x16: {  	s25 =	simm.s32 $0x5;
	s15 =	simm.s32 $0x4;
	[dreg:$0xc] =	wrdreg s24  }
0x17: {  	s16 =	simm.s32 $0x0;
	[dreg:$0xa] =	wrdreg s1;
	s23 =	sadd.s32 $0x7A600, s0  }
0x18: {  	s0 =	simm.s32 $0x80;
	s1 =	simm.s32 $0x1;
	[dreg:$0xb] =	wrdreg s23  }
.LBB2_7:
0x19: {  	[sflag:s25] =	ssyncadd.s32 $0xFFFFC000  }
0x1a: {  	_ =	swait.ge [sflag:s29], $0x80  }
0x1b: {  	[sflag:s29] =	ssyncset.done $0x0  }
0x1c: {  	[sflag:s29] =	ssyncadd.s32 $0xFFFFFF80  }
0x1d: {  	_ =	swait.ge [sflag:s29], $0x80  }
0x1e: {  	[sflag:s29] =	ssyncset.done $0x0  }
0x1f: {  	s18 =	simm.s32 $0x0;
	s3 =	rddreg [dreg:$0xd];
	[sflag:s29] =	ssyncadd.s32 $0xFFFFFF80  }
0x20: {  	[tilespmem:s30], [sflag:$0x4] =	stream.linear.gather [hbm4b:s3+s18], $0x80, $0x38;
	[tilespmem:$0x1C200] =	vst v63  }
0x21: {  	s17 =	rddreg [dreg:$0xe]  }
0x22: {  	[tilespmem:s31], [sflag:$0x4] =	stream.linear.gather [hbm4b:s17+s18], $0x80, $0x38;
	[tilespmem:$0x1C200] =	vst v63  }
0x23: {  	s17 =	simm.s32 $0x1  }
0x24: {  	[tilespmem:s18], [sflag:$0x1] =	stream.indirect.gather [hbm4b:s5+s0], $0x80, s26, s0, $0xb8;
	[tilespmem:$0x1C200] =	vst v63  }
0x25: {  	_ =	swait.ge [sflag:s17], $0x4000  }
0x26: {  	[sflag:s17] =	ssyncset.done $0x0  }
0x27: {  	[sflag:s17] =	ssyncadd.s32 $0xFFFFC000  }
0x28: {  	[spmem:s2] =	stream.indirect.scatter.add.f32 [tilespmem:s18], [sflag:$0x5], $0x80, s28, s0, $0xb8;
	[tilespmem:$0x1C200] =	vst v63  }
0x29: {  	_ =	swait.ge [sflag:s25], $0x4000  }
0x2a: {  	[sflag:s25] =	ssyncset.done $0x0  }
0x2b: {  	[sflag:s25] =	ssyncadd.s32 $0xFFFFC000  }
0x2c: {  	_ =	swait.ge [sflag:s15], $0x80  }
0x2d: {  	[sflag:s15] =	ssyncset.done $0x0  }
0x2e: {  	[sflag:s15] =	ssyncadd.s32 $0xFFFFFF80  }
0x2f: {  	_ =	swait.ge [sflag:s15], $0x80  }
0x30: {  	[sflag:s15] =	ssyncset.done $0x0  }
0x31: {  	[sflag:s15] =	ssyncadd.s32 $0xFFFFFF80  }
0x32: {  	[tilespmem:s18], [sflag:$0x1] =	stream.indirect.gather [hbm4b:s5+s0], $0x80, s30, s0, $0xb8;
	[tilespmem:$0x1C200] =	vst v63  }
.LBB2_8:
0x33: {  	_ =	swait.ge [sflag:s17], $0x4000  }
0x34: {  	[sflag:s17] =	ssyncset.done $0x0  }
0x35: {  	[sflag:s17] =	ssyncadd.s32 $0xFFFFC000  }
0x36: {  	[spmem:s2] =	stream.indirect.scatter.add.f32 [tilespmem:s18], [sflag:$0x5], $0x80, s31, s0, $0xb8;
	[tilespmem:$0x1C200] =	vst v63  }
0x37: {  	_ =	swait.ge [sflag:s25], $0x4000  }
0x38: {  	s3 =	sshll.u32 s11, $0x6;
	s16 =	sadd.s32 $0x1, s16;
	[sflag:s25] =	ssyncset.done $0x0  }
0x39: {  	s9 =	sshrl.u32 s8, $0x3;
	p1 =	sne.s32 s16, s24;
	[sflag:s25] =	ssyncadd.s32 $0xFFFFC000  }
.Ltmp1:
0x3a: {  	s3 =	sor.u32 $0x1C05, s3;
	[bflag:$0x0] =	sbarrier.arrive $0xFFFF;
	(pc) =	sbr.rel @!p1 .LBB2_9-.Ltmp1, $4  }
0x3b: {  	[hbm:s23], [sflag:s3] =	dma.local [spmem:s9], $0x2800  }
0x3c: {  	_ =	swait.ge [sflag:s25], $0x2800  }
0x3d: {  	[sflag:s25] =	ssyncset.done $0x0  }
0x3e: {  	[sflag:s25] =	ssyncadd.s32 $0xFFFFD800  }
.LBB2_1:
0x3f: {  	[tilespmem:s4], [sflag:$0x5] =	stream.linear.gather [hbm4b:s19+s4], $0x4000, $0x38;
	[tilespmem:$0x1C200] =	vst v63  }
0x40: {  	_ =	swait.ge [sflag:s25], $0x4000  }
0x41: {  	[sflag:s25] =	ssyncset.done $0x0  }
0x42: {  	[sflag:s25] =	ssyncadd.s32 $0xFFFFC000  }
0x43: {  	[spmem:s8] =	stream.linear.scatter [tilespmem:s4], [sflag:$0x5], $0x4000, $0x38;
	[tilespmem:$0x1C200] =	vst v63  }
0x44: {  	_ =	swait.ge [sflag:s25], $0x4000  }
0x45: {  	[sflag:s25] =	ssyncset.done $0x0  }
0x46: {  	[sflag:s25] =	ssyncadd.s32 $0xFFFFC000  }
0x47: {  	[spmem:s20] =	stream.linear.scatter [tilespmem:s4], [sflag:$0x5], $0x4000, $0x38;
	[tilespmem:$0x1C200] =	vst v63  }
0x48: {  	_ =	swait.ge [sflag:s25], $0x4000  }
0x49: {  	[sflag:s25] =	ssyncset.done $0x0  }
0x4a: {  	[sflag:s25] =	ssyncadd.s32 $0xFFFFC000  }
0x4b: {  	[spmem:s13] =	stream.linear.scatter [tilespmem:s4], [sflag:$0x5], $0x4000, $0x38;
	[tilespmem:$0x1C200] =	vst v63  }
0x4c: {  	_ =	swait.ge [sflag:s25], $0x4000  }
0x4d: {  	[sflag:s25] =	ssyncset.done $0x0  }
0x4e: {  	[sflag:s25] =	ssyncadd.s32 $0xFFFFC000  }
0x4f: {  	[spmem:s21] =	stream.linear.scatter [tilespmem:s4], [sflag:$0x5], $0x4000, $0x38;
	[tilespmem:$0x1C200] =	vst v63  }
0x50: {  	_ =	swait.ge [sflag:s25], $0x4000  }
0x51: {  	[sflag:s25] =	ssyncset.done $0x0  }
0x52: {  	[sflag:s25] =	ssyncadd.s32 $0xFFFFC000  }
0x53: {  	[spmem:s22] =	stream.linear.scatter [tilespmem:s4], [sflag:$0x5], $0x4000, $0x38;
	[tilespmem:$0x1C200] =	vst v63  }
.Ltmp2:
0x54: {  	_ =	swait.ge [sflag:s25], $0x4000;
	(pc) =	sbr.rel @!p0 .LBB2_2-.Ltmp2, $3  }
0x55: {  	[sflag:s25] =	ssyncset.done $0x0  }
0x56: {  	[sflag:s25] =	ssyncadd.s32 $0xFFFFC000  }
0x57: {  	[bflag:$0x0] =	sbarrier.arrive $0xFFFF;
	_ =	sdelay $0x1  }
0x58: {  	s3 =	simm.s32 $0x0;
	s9 =	rddreg [dreg:$0x9]  }
0x59: {  	[tilespmem:s26], [sflag:$0x3] =	stream.linear.gather [hbm4b:s9+s3], $0x80, $0x38;
	[tilespmem:$0x1C200] =	vst v63  }
0x5a: {  	s17 =	rddreg [dreg:$0xa]  }
0x5b: {  	[tilespmem:s28], [sflag:$0x3] =	stream.linear.gather [hbm4b:s17+s3], $0x80, $0x38;
	[tilespmem:$0x1C200] =	vst v63  }
0x5c: {  	s9 =	sadd.s32 $0x0, s14;
	_ =	swait.ge [sflag:s29], $0x80  }
0x5d: {  	s10 =	sadd.s32 $0x7000, s9;
	[sflag:s29] =	ssyncset.done $0x0  }
0x5e: {  	s10 =	sand.u32 $0x1FF80, s10;
	s3 =	sand.u32 $0x60, s3;
	[sflag:s29] =	ssyncadd.s32 $0xFFFFFF80  }
0x5f: {  	s3 =	sor.u32 s10, s3;
	_ =	swait.ge [sflag:s29], $0x80  }
0x60: {  	s3 =	sor.u32 $0x10, s3;
	[sflag:s29] =	ssyncset.done $0x0  }
0x61: {  	s18 =	sadd.s32 s6, s3;
	[sflag:s29] =	ssyncadd.s32 $0xFFFFFF80  }
0x62: {  	[tilespmem:s30], [sflag:$0x4] =	stream.linear.gather [hbm4b:s18+s4], $0x80, $0x38;
	[tilespmem:$0x1C200] =	vst v63  }
0x63: {  	s3 =	sadd.s32 s7, s3  }
0x64: {  	[tilespmem:s31], [sflag:$0x4] =	stream.linear.gather [hbm4b:s3+s4], $0x80, $0x38;
	[tilespmem:$0x1C200] =	vst v63  }
0x65: {  	_ = 	snop  }
0x66: {  	[tilespmem:s4], [sflag:$0x1] =	stream.indirect.gather [hbm4b:s5+s0], $0x80, s26, s0, $0xb8;
	[tilespmem:$0x1C200] =	vst v63  }
0x67: {  	_ =	swait.ge [sflag:s1], $0x4000  }
0x68: {  	[sflag:s1] =	ssyncset.done $0x0  }
0x69: {  	[sflag:s1] =	ssyncadd.s32 $0xFFFFC000  }
0x6a: {  	[spmem:s2] =	stream.indirect.scatter.add.f32 [tilespmem:s4], [sflag:$0x5], $0x80, s28, s0, $0xb8;
	[tilespmem:$0x1C200] =	vst v63  }
0x6b: {  	_ =	swait.ge [sflag:s25], $0x4000  }
0x6c: {  	[sflag:s25] =	ssyncset.done $0x0  }
0x6d: {  	[sflag:s25] =	ssyncadd.s32 $0xFFFFC000  }
0x6e: {  	_ =	swait.ge [sflag:s15], $0x80  }
0x6f: {  	[sflag:s15] =	ssyncset.done $0x0  }
0x70: {  	s17 =	simm.s32 $0x20;
	s10 =	sadd.s32 $0x7020, s9;
	[sflag:s15] =	ssyncadd.s32 $0xFFFFFF80  }
0x71: {  	s18 =	sand.u32 $0x60, s17;
	s3 =	sand.u32 $0x1FF80, s10;
	_ =	swait.ge [sflag:s15], $0x80  }
0x72: {  	s3 =	sor.u32 s18, s3;
	[sflag:s15] =	ssyncset.done $0x0  }
0x73: {  	s9 =	sadd.s32 s6, s3;
	[sflag:s15] =	ssyncadd.s32 $0xFFFFFF80  }
0x74: {  	[tilespmem:s26], [sflag:$0x3] =	stream.linear.gather [hbm4b:s9+s4], $0x80, $0x38;
	[tilespmem:$0x1C200] =	vst v63  }
0x75: {  	s3 =	sadd.s32 s7, s3  }
0x76: {  	[tilespmem:s28], [sflag:$0x3] =	stream.linear.gather [hbm4b:s3+s4], $0x80, $0x38;
	[tilespmem:$0x1C200] =	vst v63  }
0x77: {  	_ = 	snop  }
0x78: {  	[tilespmem:s4], [sflag:$0x1] =	stream.indirect.gather [hbm4b:s5+s0], $0x80, s30, s0, $0xb8;
	[tilespmem:$0x1C200] =	vst v63  }
0x79: {  	_ =	swait.ge [sflag:s1], $0x4000  }
0x7a: {  	[sflag:s1] =	ssyncset.done $0x0  }
0x7b: {  	[sflag:s1] =	ssyncadd.s32 $0xFFFFC000  }
0x7c: {  	[spmem:s2] =	stream.indirect.scatter.add.f32 [tilespmem:s4], [sflag:$0x5], $0x80, s31, s0, $0xb8;
	[tilespmem:$0x1C200] =	vst v63  }
0x7d: {  	_ =	swait.ge [sflag:s25], $0x4000  }
0x7e: {  	[sflag:s25] =	ssyncset.done $0x0  }
.LBB2_6:
0x7f: {  	p1 =	sne.s32 s17, $0x2C0  }
0x80: {  	[sflag:s25] =	ssyncadd.s32 $0xFFFFC000;
	s3 =	smov.u32 s17;
	s17 =	sadd.s32 $0x20, s17  }
0x81: {  	_ =	swait.ge [sflag:s29], $0x80;
	s9 =	sadd.s32 s3, s14;
	s10 =	sand.u32 $0x60, s17  }
0x82: {  	[sflag:s29] =	ssyncset.done $0x0;
	s18 =	sadd.s32 $0x7000, s9;
	s9 =	sadd.s32 $0x7020, s9  }
0x83: {  	s3 =	sand.u32 $0x60, s3;
	[sflag:s29] =	ssyncadd.s32 $0xFFFFFF80;
	s18 =	sand.u32 $0x1FF80, s18  }
0x84: {  	s9 =	sand.u32 $0x1FF80, s9;
	_ =	swait.ge [sflag:s29], $0x80;
	s3 =	sor.u32 s18, s3  }
0x85: {  	s9 =	sor.u32 s10, s9;
	[sflag:s29] =	ssyncset.done $0x0;
	s3 =	sor.u32 $0x10, s3  }
0x86: {  	[sflag:s29] =	ssyncadd.s32 $0xFFFFFF80;
	s10 =	sadd.s32 s6, s3  }
0x87: {  	[tilespmem:s30], [sflag:$0x4] =	stream.linear.gather [hbm4b:s10+s4], $0x80, $0x38;
	[tilespmem:$0x1C200] =	vst v63  }
0x88: {  	s3 =	sadd.s32 s7, s3  }
0x89: {  	[tilespmem:s31], [sflag:$0x4] =	stream.linear.gather [hbm4b:s3+s4], $0x80, $0x38;
	[tilespmem:$0x1C200] =	vst v63  }
0x8a: {  	_ = 	snop  }
0x8b: {  	[tilespmem:s4], [sflag:$0x1] =	stream.indirect.gather [hbm4b:s5+s0], $0x80, s26, s0, $0xb8;
	[tilespmem:$0x1C200] =	vst v63  }
0x8c: {  	_ =	swait.ge [sflag:s1], $0x4000  }
0x8d: {  	[sflag:s1] =	ssyncset.done $0x0  }
0x8e: {  	[sflag:s1] =	ssyncadd.s32 $0xFFFFC000  }
0x8f: {  	[spmem:s2] =	stream.indirect.scatter.add.f32 [tilespmem:s4], [sflag:$0x5], $0x80, s28, s0, $0xb8;
	[tilespmem:$0x1C200] =	vst v63  }
0x90: {  	_ =	swait.ge [sflag:s25], $0x4000  }
0x91: {  	[sflag:s25] =	ssyncset.done $0x0  }
0x92: {  	[sflag:s25] =	ssyncadd.s32 $0xFFFFC000  }
0x93: {  	_ =	swait.ge [sflag:s15], $0x80  }
0x94: {  	[sflag:s15] =	ssyncset.done $0x0  }
0x95: {  	[sflag:s15] =	ssyncadd.s32 $0xFFFFFF80  }
0x96: {  	_ =	swait.ge [sflag:s15], $0x80  }
0x97: {  	[sflag:s15] =	ssyncset.done $0x0  }
0x98: {  	s3 =	sadd.s32 s6, s9;
	[sflag:s15] =	ssyncadd.s32 $0xFFFFFF80  }
0x99: {  	[tilespmem:s26], [sflag:$0x3] =	stream.linear.gather [hbm4b:s3+s4], $0x80, $0x38;
	[tilespmem:$0x1C200] =	vst v63  }
0x9a: {  	s3 =	sadd.s32 s7, s9  }
0x9b: {  	[tilespmem:s28], [sflag:$0x3] =	stream.linear.gather [hbm4b:s3+s4], $0x80, $0x38;
	[tilespmem:$0x1C200] =	vst v63  }
0x9c: {  	_ = 	snop  }
0x9d: {  	[tilespmem:s4], [sflag:$0x1] =	stream.indirect.gather [hbm4b:s5+s0], $0x80, s30, s0, $0xb8;
	[tilespmem:$0x1C200] =	vst v63  }
0x9e: {  	_ =	swait.ge [sflag:s1], $0x4000  }
.Ltmp3:
0x9f: {  	[sflag:s1] =	ssyncset.done $0x0;
	(pc) =	sbr.rel @p1 .LBB2_6-.Ltmp3, $4  }
0xa0: {  	[sflag:s1] =	ssyncadd.s32 $0xFFFFC000  }
0xa1: {  	[spmem:s2] =	stream.indirect.scatter.add.f32 [tilespmem:s4], [sflag:$0x5], $0x80, s31, s0, $0xb8;
	[tilespmem:$0x1C200] =	vst v63  }
0xa2: {  	_ =	swait.ge [sflag:s25], $0x4000  }
0xa3: {  	[sflag:s25] =	ssyncset.done $0x0  }
.Ltmp4:
0xa4: {  	_ = 	snop;
	(pc) =	sbr.rel .LBB2_7-.Ltmp4, $1  }
0xa5: {  	_ =	sdelay $0x3  }
.LBB2_2:
0xa6: {  	s3 =	rddreg [dreg:$0x5]  }
0xa7: {  	[tilespmem:s26], [sflag:$0x3] =	stream.linear.gather [hbm4b:s3+s4], $0x80, $0x38;
	[tilespmem:$0x1C200] =	vst v63  }
0xa8: {  	s9 =	rddreg [dreg:$0x6]  }
0xa9: {  	[tilespmem:s28], [sflag:$0x3] =	stream.linear.gather [hbm4b:s9+s4], $0x80, $0x38;
	[tilespmem:$0x1C200] =	vst v63  }
0xaa: {  	s10 =	rddreg [dreg:$0x7]  }
0xab: {  	[tilespmem:s30], [sflag:$0x4] =	stream.linear.gather [hbm4b:s10+s4], $0x80, $0x38;
	[tilespmem:$0x1C200] =	vst v63  }
0xac: {  	s17 =	rddreg [dreg:$0x8]  }
0xad: {  	[tilespmem:s31], [sflag:$0x4] =	stream.linear.gather [hbm4b:s17+s4], $0x80, $0x38;
	[tilespmem:$0x1C200] =	vst v63  }
0xae: {  	_ =	swait.ge [sflag:s29], $0x80  }
0xaf: {  	[sflag:s29] =	ssyncset.done $0x0  }
0xb0: {  	[sflag:s29] =	ssyncadd.s32 $0xFFFFFF80  }
0xb1: {  	_ =	swait.ge [sflag:s29], $0x80  }
0xb2: {  	[sflag:s29] =	ssyncset.done $0x0  }
0xb3: {  	[sflag:s29] =	ssyncadd.s32 $0xFFFFFF80  }
0xb4: {  	[tilespmem:s4], [sflag:$0x1] =	stream.indirect.gather [hbm4b:s5+s0], $0x80, s26, s0, $0xb8;
	[tilespmem:$0x1C200] =	vst v63  }
0xb5: {  	_ =	swait.ge [sflag:s15], $0x80  }
0xb6: {  	[sflag:s15] =	ssyncset.done $0x0  }
0xb7: {  	[sflag:s15] =	ssyncadd.s32 $0xFFFFFF80  }
0xb8: {  	_ =	swait.ge [sflag:s15], $0x80  }
0xb9: {  	[sflag:s15] =	ssyncset.done $0x0  }
0xba: {  	s18 =	simm.s32 $0x4000;
	[sflag:s15] =	ssyncadd.s32 $0xFFFFFF80  }
0xbb: {  	[tilespmem:s18], [sflag:$0x2] =	stream.indirect.gather [hbm4b:s5+s0], $0x80, s30, s0, $0xb8;
	[tilespmem:$0x1C200] =	vst v63  }
0xbc: {  	_ =	swait.ge [sflag:s1], $0x4000  }
0xbd: {  	s11 =	smov.u32 s19;
	s19 =	sadd.s32 $0xFFFFF920, s12;
	[sflag:s1] =	ssyncset.done $0x0  }
0xbe: {  	s17 =	sadd.s32 $0x700, s19;
	s18 =	simm.s32 $0x20;
	[sflag:s1] =	ssyncadd.s32 $0xFFFFC000  }
0xbf: {  	[spmem:s2] =	stream.indirect.scatter.add.f32 [tilespmem:s4], [sflag:$0x5], $0x80, s28, s0, $0xb8;
	[tilespmem:$0x1C200] =	vst v63  }
0xc0: {  	s17 =	sand.u32 $0xFF80, s17;
	s18 =	sand.u32 $0x60, s18;
	_ =	swait.ge [sflag:s25], $0x4000  }
0xc1: {  	s17 =	sor.u32 s18, s17;
	[sflag:s25] =	ssyncset.done $0x0  }
0xc2: {  	s18 =	sadd.s32 s6, s17;
	[sflag:s25] =	ssyncadd.s32 $0xFFFFC000  }
0xc3: {  	[tilespmem:s26], [sflag:$0x3] =	stream.linear.gather [hbm4b:s18+s4], $0x80, $0x38;
	[tilespmem:$0x1C200] =	vst v63  }
0xc4: {  	s17 =	sadd.s32 s7, s17  }
0xc5: {  	[tilespmem:s28], [sflag:$0x3] =	stream.linear.gather [hbm4b:s17+s4], $0x80, $0x38;
	[tilespmem:$0x1C200] =	vst v63  }
0xc6: {  	_ =	swait.ge [sflag:s29], $0x80  }
0xc7: {  	[sflag:s29] =	ssyncset.done $0x0  }
0xc8: {  	[sflag:s29] =	ssyncadd.s32 $0xFFFFFF80  }
0xc9: {  	_ =	swait.ge [sflag:s29], $0x80  }
0xca: {  	[sflag:s29] =	ssyncset.done $0x0  }
0xcb: {  	s17 =	simm.s32 $0x2;
	[sflag:s29] =	ssyncadd.s32 $0xFFFFFF80  }
0xcc: {  	[tilespmem:s4], [sflag:$0x1] =	stream.indirect.gather [hbm4b:s5+s0], $0x80, s26, s0, $0xb8;
	[tilespmem:$0x1C200] =	vst v63  }
0xcd: {  	s22 =	smov.u32 s21;
	s21 =	smov.u32 s13;
	_ =	swait.ge [sflag:s17], $0x4000  }
0xce: {  	s13 =	smov.u32 s20;
	s20 =	simm.s32 $0x30;
	[sflag:s17] =	ssyncset.done $0x0  }
0xcf: {  	s3 =	sadd.s32 $0x710, s19;
	s18 =	simm.s32 $0x4000;
	[sflag:s17] =	ssyncadd.s32 $0xFFFFC000  }
0xd0: {  	[spmem:s2] =	stream.indirect.scatter.add.f32 [tilespmem:s18], [sflag:$0x5], $0x80, s31, s0, $0xb8;
	[tilespmem:$0x1C200] =	vst v63  }
0xd1: {  	s3 =	sand.u32 $0xFF80, s3;
	s19 =	sand.u32 $0x70, s20;
	_ =	swait.ge [sflag:s25], $0x4000  }
0xd2: {  	s3 =	sor.u32 s19, s3;
	[sflag:s25] =	ssyncset.done $0x0  }
0xd3: {  	s19 =	sadd.s32 s6, s3;
	[sflag:s25] =	ssyncadd.s32 $0xFFFFC000  }
0xd4: {  	[tilespmem:s30], [sflag:$0x4] =	stream.linear.gather [hbm4b:s19+s4], $0x80, $0x38;
	[tilespmem:$0x1C200] =	vst v63  }
0xd5: {  	s3 =	sadd.s32 s7, s3  }
0xd6: {  	[tilespmem:s31], [sflag:$0x4] =	stream.linear.gather [hbm4b:s3+s4], $0x80, $0x38;
	[tilespmem:$0x1C200] =	vst v63  }
0xd7: {  	_ =	swait.ge [sflag:s15], $0x80  }
0xd8: {  	[sflag:s15] =	ssyncset.done $0x0  }
0xd9: {  	[sflag:s15] =	ssyncadd.s32 $0xFFFFFF80  }
0xda: {  	_ =	swait.ge [sflag:s15], $0x80  }
0xdb: {  	[sflag:s15] =	ssyncset.done $0x0  }
0xdc: {  	[sflag:s15] =	ssyncadd.s32 $0xFFFFFF80  }
0xdd: {  	[tilespmem:s18], [sflag:$0x2] =	stream.indirect.gather [hbm4b:s5+s0], $0x80, s30, s0, $0xb8;
	[tilespmem:$0x1C200] =	vst v63  }
0xde: {  	s24 =	sadd.s32 $0xFFFFF940, s12;
	_ =	swait.ge [sflag:s1], $0x4000  }
0xdf: {  	s23 =	sadd.s32 $0x700, s24;
	[sflag:s1] =	ssyncset.done $0x0  }
0xe0: {  	s23 =	sand.u32 $0xFF80, s23;
	[sflag:s1] =	ssyncadd.s32 $0xFFFFC000  }
0xe1: {  	[spmem:s2] =	stream.indirect.scatter.add.f32 [tilespmem:s4], [sflag:$0x5], $0x80, s28, s0, $0xb8;
	[tilespmem:$0x1C200] =	vst v63  }
0xe2: {  	s9 =	simm.s32 $0x40;
	s20 =	simm.s32 $0xFFFFF960;
	_ =	swait.ge [sflag:s25], $0x4000  }
0xe3: {  	s19 =	simm.s32 $0x50;
	s3 =	sand.u32 $0x60, s9;
	[sflag:s25] =	ssyncset.done $0x0  }
.LBB2_3:
0xe4: {  	s3 =	sor.u32 s3, s23  }
0xe5: {  	s9 =	sadd.s32 $0x710, s24;
	[sflag:s25] =	ssyncadd.s32 $0xFFFFC000;
	s23 =	smov.u32 s20  }
0xe6: {  	s10 =	sand.u32 $0x70, s19;
	s24 =	sadd.s32 s6, s3;
	s9 =	sand.u32 $0xFF80, s9  }
0xe7: {  	[tilespmem:s26], [sflag:$0x3] =	stream.linear.gather [hbm4b:s24+s4], $0x80, $0x38;
	[tilespmem:$0x1C200] =	vst v63  }
0xe8: {  	s19 =	sadd.s32 $0x710, s20;
	s3 =	sadd.s32 s7, s3;
	s9 =	sor.u32 s10, s9  }
0xe9: {  	[tilespmem:s28], [sflag:$0x3] =	stream.linear.gather [hbm4b:s3+s4], $0x80, $0x38;
	[tilespmem:$0x1C200] =	vst v63  }
0xea: {  	p1 =	seq.s32 s20, $0xFFFFFFE0;
	s20 =	sadd.s32 $0x20, s20;
	_ =	swait.ge [sflag:s29], $0x80  }
0xeb: {  	[sflag:s29] =	ssyncset.done $0x0  }
0xec: {  	[sflag:s29] =	ssyncadd.s32 $0xFFFFFF80  }
0xed: {  	_ =	swait.ge [sflag:s29], $0x80  }
0xee: {  	[sflag:s29] =	ssyncset.done $0x0  }
0xef: {  	[sflag:s29] =	ssyncadd.s32 $0xFFFFFF80  }
0xf0: {  	[tilespmem:s4], [sflag:$0x1] =	stream.indirect.gather [hbm4b:s5+s0], $0x80, s26, s0, $0xb8;
	[tilespmem:$0x1C200] =	vst v63  }
0xf1: {  	_ =	swait.ge [sflag:s17], $0x4000  }
0xf2: {  	[sflag:s17] =	ssyncset.done $0x0  }
0xf3: {  	[sflag:s17] =	ssyncadd.s32 $0xFFFFC000  }
0xf4: {  	[spmem:s2] =	stream.indirect.scatter.add.f32 [tilespmem:s18], [sflag:$0x5], $0x80, s31, s0, $0xb8;
	[tilespmem:$0x1C200] =	vst v63  }
0xf5: {  	_ =	swait.ge [sflag:s25], $0x4000  }
0xf6: {  	[sflag:s25] =	ssyncset.done $0x0  }
0xf7: {  	s3 =	sadd.s32 s6, s9;
	[sflag:s25] =	ssyncadd.s32 $0xFFFFC000  }
0xf8: {  	[tilespmem:s30], [sflag:$0x4] =	stream.linear.gather [hbm4b:s3+s4], $0x80, $0x38;
	[tilespmem:$0x1C200] =	vst v63  }
0xf9: {  	s3 =	sadd.s32 s7, s9  }
0xfa: {  	[tilespmem:s31], [sflag:$0x4] =	stream.linear.gather [hbm4b:s3+s4], $0x80, $0x38;
	[tilespmem:$0x1C200] =	vst v63  }
0xfb: {  	_ =	swait.ge [sflag:s15], $0x80  }
0xfc: {  	[sflag:s15] =	ssyncset.done $0x0  }
0xfd: {  	[sflag:s15] =	ssyncadd.s32 $0xFFFFFF80  }
0xfe: {  	_ =	swait.ge [sflag:s15], $0x80  }
0xff: {  	[sflag:s15] =	ssyncset.done $0x0  }
0x100: {  	[sflag:s15] =	ssyncadd.s32 $0xFFFFFF80  }
0x101: {  	[tilespmem:s18], [sflag:$0x2] =	stream.indirect.gather [hbm4b:s5+s0], $0x80, s30, s0, $0xb8;
	[tilespmem:$0x1C200] =	vst v63  }
0x102: {  	_ =	swait.ge [sflag:s1], $0x4000  }
.Ltmp5:
0x103: {  	[sflag:s1] =	ssyncset.done $0x0;
	(pc) =	sbr.rel @!p1 .LBB2_3-.Ltmp5, $4  }
0x104: {  	s24 =	sadd.s32 s23, s12;
	[sflag:s1] =	ssyncadd.s32 $0xFFFFC000  }
0x105: {  	[spmem:s2] =	stream.indirect.scatter.add.f32 [tilespmem:s4], [sflag:$0x5], $0x80, s28, s0, $0xb8;
	[tilespmem:$0x1C200] =	vst v63  }
0x106: {  	s9 =	sadd.s32 $0x700, s23;
	s3 =	sadd.s32 $0x700, s24;
	_ =	swait.ge [sflag:s25], $0x4000  }
0x107: {  	s23 =	sand.u32 $0xFF80, s3;
	s3 =	sand.u32 $0x60, s9;
	[sflag:s25] =	ssyncset.done $0x0  }
0x108: {  	s3 =	sor.u32 s3, s23  }
0x109: {  	[sflag:s25] =	ssyncadd.s32 $0xFFFFC000;
	s9 =	sadd.s32 s6, s3  }
0x10a: {  	[tilespmem:s26], [sflag:$0x3] =	stream.linear.gather [hbm4b:s9+s4], $0x80, $0x38;
	[tilespmem:$0x1C200] =	vst v63  }
0x10b: {  	s3 =	sadd.s32 s7, s3  }
0x10c: {  	[tilespmem:s28], [sflag:$0x3] =	stream.linear.gather [hbm4b:s3+s4], $0x80, $0x38;
	[tilespmem:$0x1C200] =	vst v63  }
0x10d: {  	_ =	swait.ge [sflag:s29], $0x80  }
0x10e: {  	[sflag:s29] =	ssyncset.done $0x0  }
0x10f: {  	[sflag:s29] =	ssyncadd.s32 $0xFFFFFF80  }
0x110: {  	_ =	swait.ge [sflag:s29], $0x80  }
0x111: {  	[sflag:s29] =	ssyncset.done $0x0  }
0x112: {  	s17 =	simm.s32 $0x2;
	[sflag:s29] =	ssyncadd.s32 $0xFFFFFF80  }
0x113: {  	[tilespmem:s4], [sflag:$0x1] =	stream.indirect.gather [hbm4b:s5+s0], $0x80, s26, s0, $0xb8;
	[tilespmem:$0x1C200] =	vst v63  }
0x114: {  	_ =	swait.ge [sflag:s17], $0x4000  }
0x115: {  	[sflag:s17] =	ssyncset.done $0x0  }
0x116: {  	s23 =	sadd.s32 $0x710, s24;
	s18 =	simm.s32 $0x4000;
	[sflag:s17] =	ssyncadd.s32 $0xFFFFC000  }
0x117: {  	[spmem:s2] =	stream.indirect.scatter.add.f32 [tilespmem:s18], [sflag:$0x5], $0x80, s31, s0, $0xb8;
	[tilespmem:$0x1C200] =	vst v63  }
0x118: {  	s24 =	sand.u32 $0x70, s19;
	s3 =	sand.u32 $0xFF80, s23;
	_ =	swait.ge [sflag:s25], $0x4000  }
0x119: {  	s3 =	sor.u32 s24, s3;
	[sflag:s25] =	ssyncset.done $0x0  }
0x11a: {  	s9 =	sadd.s32 s6, s3;
	[sflag:s25] =	ssyncadd.s32 $0xFFFFC000  }
0x11b: {  	[tilespmem:s30], [sflag:$0x4] =	stream.linear.gather [hbm4b:s9+s4], $0x80, $0x38;
	[tilespmem:$0x1C200] =	vst v63  }
0x11c: {  	s3 =	sadd.s32 s7, s3  }
0x11d: {  	[tilespmem:s31], [sflag:$0x4] =	stream.linear.gather [hbm4b:s3+s4], $0x80, $0x38;
	[tilespmem:$0x1C200] =	vst v63  }
0x11e: {  	_ =	swait.ge [sflag:s15], $0x80  }
0x11f: {  	[sflag:s15] =	ssyncset.done $0x0  }
0x120: {  	[sflag:s15] =	ssyncadd.s32 $0xFFFFFF80  }
0x121: {  	_ =	swait.ge [sflag:s15], $0x80  }
0x122: {  	[sflag:s15] =	ssyncset.done $0x0  }
0x123: {  	[sflag:s15] =	ssyncadd.s32 $0xFFFFFF80  }
0x124: {  	[tilespmem:s18], [sflag:$0x2] =	stream.indirect.gather [hbm4b:s5+s0], $0x80, s30, s0, $0xb8;
	[tilespmem:$0x1C200] =	vst v63  }
0x125: {  	_ =	swait.ge [sflag:s1], $0x4000  }
0x126: {  	[sflag:s1] =	ssyncset.done $0x0  }
0x127: {  	[sflag:s1] =	ssyncadd.s32 $0xFFFFC000  }
0x128: {  	[spmem:s2] =	stream.indirect.scatter.add.f32 [tilespmem:s4], [sflag:$0x5], $0x80, s28, s0, $0xb8;
	[tilespmem:$0x1C200] =	vst v63  }
.Ltmp6:
0x129: {  	_ = 	snop;
	(pc) =	sbr.rel .LBB2_8-.Ltmp6, $4  }
0x12a: {  	s20 =	smov.u32 s13;
	_ =	swait.ge [sflag:s25], $0x4000  }
0x12b: {  	s13 =	smov.u32 s21;
	s21 =	smov.u32 s22;
	s22 =	rddreg [dreg:$0x4]  }
0x12c: {  	s19 =	smov.u32 s11;
	[sflag:s25] =	ssyncset.done $0x0;
	s23 =	rddreg [dreg:$0xb]  }
0x12d: {  	s11 =	stileid.u32;
	s24 =	rddreg [dreg:$0xc];
	[sflag:s25] =	ssyncadd.s32 $0xFFFFC000  }
.LBB2_9:
0x12e: {  	_ =	sfence.sel $0x180000  }
0x12f: {  	[bflag:$0x0] =	sbarrier.arrive $0xFFFF  }
0x130: {  	_ =	strace $0x9000004A  }
0x131: {  	[bflag:$0x2] =	sbarrier.arrive $0xFFFF  }
0x132: {  	p0 =	sne.s32 s11, $0x0;
	s0 =	rddreg [dreg:$0x3]  }
0x133: {  	s0 =	sadd.s32 @!p0 $0x100000, s0  }
0x134: {  	[sflag:s0] =	ssyncadd.tile.s32 @!p0 $0x1;
	_ =	shalt  }
.Lfunc_end2:
_tile_overlayer_lowered:
.L_overlay_start_2:
0x135: {  	(tag) =	ssettag $0x2  }
0x136: {  	s0 =	rddreg [dreg:$0x0];
	s2 =	stileid.u32  }
0x137: {  	s1 =	rddreg [dreg:$0x1];
	p0 =	sne.s32 s2, $0x0  }
0x138: {  	s3 =	rddreg [dreg:$0x2];
	[bflag:$0x3] =	sbarrier.arrive $0xFFFF;
	s2 =	simm.s32 @!p0 $0x1C05  }
0x139: {  	[timem:s3], [sflag:s2] =	dma.local @!p0 [hbm:s0], s1  }
0x13a: {  	s0 =	simm.s32 @!p0 $0x5  }
0x13b: {  	_ =	swait.ge @!p0 [sflag:s0], s1  }
0x13c: {  	s1 =	ssub.s32 @!p0 $0x0, s1;
	[sflag:s0] =	ssyncset.done @!p0 $0x0  }
0x13d: {  	[sflag:s0] =	ssyncadd.s32 @!p0 s1  }
0x13e: {  	[bflag:$0x3] =	sbarrier.arrive $0xFFFF  }
0x13f: {  	_ =	shalt  }

// kernel: kernel.14.cloned.1.call-start
scs
__scs_entry_jumppad:
0x0: {  	(pc) =	sbr.rel $0x88, $3  }
0x1: {  	(tag) =	ssettag $0x0;
	lr =	simm.s32 $0x1  }
0x2: {  	[smem:$0x3F93] =	sst lr;
	_ =	strace $0xD0000000  }
0x3: {  	_ = 	snop  }
0x4: {  	_ = 	snop  }
0x5: {  	_ = 	snop  }
0x6: {  	_ = 	snop  }
0x7: {  	_ = 	snop  }
__scs_overlays_trampoline_lowered:
0x8: {  	[smem:$0x3FA2] =	sst s0  }
0x9: {  	[smem:$0x3FA3] =	sst s1  }
0xa: {  	[smem:$0x3FA4] =	sst s2  }
0xb: {  	[smem:$0x3FA5] =	sst s3  }
0xc: {  	[smem:$0x3FA6] =	sst s4  }
0xd: {  	[smem:$0x3FA7] =	sst s5  }
0xe: {  	[smem:$0x3FA8] =	sst s6  }
0xf: {  	[smem:$0x3FA9] =	sst s7  }
0x10: {  	[smem:$0x3FAA] =	sst s8  }
0x11: {  	[smem:$0x3FAB] =	sst s9;
	s0 =	simm.s32 @!p0 $0x0  }
0x12: {  	s1 =	sld [smem:$0x3F91];
	s0 =	simm.s32 @p0 $0x1  }
0x13: {  	[smem:$0x3FAC] =	sst s0;
	s0 =	simm.s32 @!p1 $0x0  }
0x14: {  	s2 =	sld [smem:$0x3F90];
	s0 =	simm.s32 @p1 $0x1  }
0x15: {  	[smem:$0x3FAD] =	sst s0;
	s0 =	simm.s32 @!p2 $0x0  }
0x16: {  	s3 =	sld [smem:$0x3FDB];
	s0 =	simm.s32 @p2 $0x1  }
0x17: {  	s4 =	simm.s32 $0x1BF5;
	[smem:$0x3FAF] =	sst s0  }
0x18: {  	s0 =	sld [smem:$0x3F92];
	_ =	swait.ge [sflag:s4], $0x0  }
0x19: {  	s7 =	sld [smem:$0x3F93]  }
0x1a: {  	s8 =	sadd.s32 $0xFFFFE003, lr  }
0x1b: {  	s9 =	sadd.s32 $0xFFFFFEF7, lr;
	s5 =	simm.s32 $0xFFFFFFFF;
	p2 =	slt.u32 s8, $0xFFFFF086  }
0x1c: {  	p1 =	slt.u32 s9, $0xF7A;
	s5 =	simm.s32 @!p2 $0x0  }
0x1d: {  	s5 =	simm.s32 @p1 $0x1;
	p0 =	seq.s32 s7, s2  }
0x1e: {  	s7 =	smul.u32 @!p0 $0xF7A, s2;
	p2 =	seq.s32 @!p0 s5, $0x0  }
0x1f: {  	s9 =	smul.u32 $0xF7A, s1;
	s8 =	simm.s32 @!p0 $0x1BF5;
	p2 =	por !p2, p0  }
0x20: {  	[sflag:s8] =	ssyncset.s32 @!p0 $0xFFFFF086;
	s6 =	sadd.s32 @!p0 s3, s7;
	s7 =	simm.s32 @!p0 $0x108  }
0x21: {  	s3 =	sadd.s32 s3, s9;
	s6 =	sadd.s32 @!p0 $0x88, s6;
	s7 =	simm.s32 @p2 $0x1082  }
0x22: {  	[simem:s7], [sflag:s8] =	dma.local @!p0 [hbm:s6], $0xF7A  }
0x23: {  	s9 =	sor.u32 $0xD0000000, s2;
	s6 =	simm.s32 $0x108;
	_ =	swait.ge @!p0 [sflag:s8], $0x0  }
0x24: {  	s3 =	sadd.s32 $0x88, s3;
	s6 =	simm.s32 @!p1 $0x1082;
	[sflag:s4] =	ssyncset.s32 $0xFFFFF086  }
0x25: {  	[simem:s6], [sflag:s4] =	dma.local [hbm:s3], $0xF7A  }
0x26: {  	[smem:$0x3F93] =	sst s1;
	(tag) =	ssettag s2;
	_ =	strace s9  }
0x27: {  	s1 =	sld [smem:$0x3FA3]  }
0x28: {  	s2 =	sld [smem:$0x3FA4]  }
0x29: {  	s4 =	sld [smem:$0x3FA6]  }
0x2a: {  	p0 =	seq.s32 s5, $0x0;
	s5 =	sld [smem:$0x3FA7]  }
0x2b: {  	s6 =	sld [smem:$0x3FA8]  }
0x2c: {  	s7 =	sld [smem:$0x3FA9]  }
0x2d: {  	s3 =	simm.s32 $0x108;
	s8 =	sld [smem:$0x3FAA]  }
0x2e: {  	s3 =	simm.s32 @!p0 $0x1082;
	s9 =	sld [smem:$0x3FAB]  }
0x2f: {  	lr =	sadd.s32 s0, s3;
	s0 =	sld [smem:$0x3FA2]  }
0x30: {  	s3 =	sld [smem:$0x3FA5]  }
0x31: {  	[smem:$0x3FAE] =	sst s10  }
0x32: {  	s10 =	sld [smem:$0x3FAC];
	_ =	sdelay $0x3  }
0x33: {  	p0 =	seq.s32 s10, $0x1;
	s10 =	sld [smem:$0x3FAE];
	_ =	sdelay $0x3  }
0x34: {  	[smem:$0x3FAE] =	sst s10  }
0x35: {  	s10 =	sld [smem:$0x3FAD];
	_ =	sdelay $0x3  }
0x36: {  	p1 =	seq.s32 s10, $0x1;
	s10 =	sld [smem:$0x3FAE];
	_ =	sdelay $0x3  }
0x37: {  	[smem:$0x3FAE] =	sst s10  }
0x38: {  	s10 =	sld [smem:$0x3FAF]  }
0x39: {  	_ = 	snop;
	(pc) =	sbr.ind lr, $3  }
0x3a: {  	_ = 	snop  }
0x3b: {  	_ = 	snop  }
0x3c: {  	p2 =	seq.s32 s10, $0x1;
	s10 =	sld [smem:$0x3FAE]  }
0x3d: {  	_ =	shalt  }
0x3e: {  	_ =	shalt  }
0x3f: {  	_ =	shalt  }
0x40: {  	_ =	shalt  }
0x41: {  	_ =	shalt  }
0x42: {  	_ =	shalt  }
0x43: {  	_ =	shalt  }
0x44: {  	_ =	shalt  }
0x45: {  	_ =	shalt  }
0x46: {  	_ =	shalt  }
0x47: {  	_ =	shalt  }
0x48: {  	_ =	shalt  }
0x49: {  	_ =	shalt  }
0x4a: {  	_ =	shalt  }
0x4b: {  	_ =	shalt  }
0x4c: {  	_ =	shalt  }
0x4d: {  	_ =	shalt  }
0x4e: {  	_ =	shalt  }
0x4f: {  	_ =	shalt  }
0x50: {  	_ =	shalt  }
0x51: {  	_ =	shalt  }
0x52: {  	_ =	shalt  }
0x53: {  	_ =	shalt  }
0x54: {  	_ =	shalt  }
0x55: {  	_ =	shalt  }
0x56: {  	_ =	shalt  }
0x57: {  	_ =	shalt  }
0x58: {  	_ =	shalt  }
0x59: {  	_ =	shalt  }
0x5a: {  	_ =	shalt  }
0x5b: {  	_ =	shalt  }
0x5c: {  	_ =	shalt  }
0x5d: {  	_ =	shalt  }
0x5e: {  	_ =	shalt  }
0x5f: {  	_ =	shalt  }
0x60: {  	_ =	shalt  }
0x61: {  	_ =	shalt  }
0x62: {  	_ =	shalt  }
0x63: {  	_ =	shalt  }
0x64: {  	_ =	shalt  }
0x65: {  	_ =	shalt  }
0x66: {  	_ =	shalt  }
0x67: {  	_ =	shalt  }
0x68: {  	_ =	shalt  }
0x69: {  	_ =	shalt  }
0x6a: {  	_ =	shalt  }
0x6b: {  	_ =	shalt  }
0x6c: {  	_ =	shalt  }
0x6d: {  	_ =	shalt  }
0x6e: {  	_ =	shalt  }
0x6f: {  	_ =	shalt  }
0x70: {  	_ =	shalt  }
0x71: {  	_ =	shalt  }
0x72: {  	_ =	shalt  }
0x73: {  	_ =	shalt  }
0x74: {  	_ =	shalt  }
0x75: {  	_ =	shalt  }
0x76: {  	_ =	shalt  }
0x77: {  	_ =	shalt  }
0x78: {  	_ =	shalt  }
0x79: {  	_ =	shalt  }
0x7a: {  	_ =	shalt  }
0x7b: {  	_ =	shalt  }
0x7c: {  	_ =	shalt  }
0x7d: {  	_ =	shalt  }
0x7e: {  	_ =	shalt  }
0x7f: {  	_ =	shalt  }
0x80: {  	_ =	shalt  }
0x81: {  	_ =	shalt  }
0x82: {  	_ =	shalt  }
0x83: {  	_ =	shalt  }
0x84: {  	_ =	shalt  }
0x85: {  	_ =	shalt  }
0x86: {  	_ =	shalt  }
0x87: {  	_ =	shalt  }
.Lfunc_end0:
.L_simem_size_0:
called_computation.2_lowered:
.L_overlay_start_0:
0x88: {  	s2 =	sld [smem:$0x3FD9]  }
0x89: {  	s3 =	sld [smem:$0x3FFE];
	_ =	sdelay $0x1  }
0x8a: {  	s1 =	srdreg.scid  }
0x8b: {  	s0 =	sand.u32 $0x1, s1  }
0x8c: {  	s17 =	sshll.u32 s0, $0xA;
	s2 =	sadd.s32 s3, s2  }
0x8d: {  	s2 =	sadd.s32 s2, s17  }
0x8e: {  	[smem:$0x3FBA] =	sst s2  }
0x8f: {  	_ = 	snop  }
0x90: {  	s2 =	sld [smem:$0x3FD0];
	(tm) =	ssettm $0x1  }
0x91: {  	s18 =	sld [smem:$0x3FFB];
	_ =	sdelay $0x3  }
0x92: {  	_ =	strace s18  }
0x93: {  	s3 =	sld [smem:$0x3FFC];
	_ =	sdelay $0x3  }
0x94: {  	_ =	strace s3  }
0x95: {  	s3 =	sld [smem:$0x3FFD];
	_ =	sdelay $0x3  }
0x96: {  	_ =	strace s3  }
0x97: {  	_ =	strace $0x8FFFFFFF  }
0x98: {  	s19 =	sld [smem:$0x3FDB];
	_ =	sdelay $0x1  }
0x99: {  	s4 =	simm.s32 $_scs_section_size  }
0x9a: {  	s5 =	simm.s32 $_size__tile_overlayer_lowered;
	s6 =	simm.s32 $_tile_overlayer_lowered  }
0x9b: {  	s22 =	simm.s32 $0x1BFF;
	s21 =	sshll.u32 s6, $0x1;
	s3 =	sadd.s32 s4, s19  }
0x9c: {  	s7 =	simm.s32 $0x0;
	s20 =	sshll.u32 s5, $0x1;
	s5 =	sadd.s32 s21, s3  }
0x9d: {  	[timem:s7], [sflag:s22] =	dma.local [hbm:s5], s20  }
0x9e: {  	_ =	swait.ge [sflag:s22], s20  }
0x9f: {  	s4 =	ssub.s32 $0x0, s20;
	[sflag:s22] =	ssyncset.done $0x0  }
0xa0: {  	[sflag:s22] =	ssyncadd.s32 s4;
	_ =	sdelay $0x1  }
0xa1: {  	s23 =	simm.s32 $0x1B8B  }
0xa2: {  	_ =	swait.ge [sflag:s23], $0x1  }
0xa3: {  	[sflag:s23] =	ssyncset.done $0x0  }
0xa4: {  	s25 =	simm.s32 $0x1B8E;
	s24 =	sld [smem:$0x3FFE];
	[sflag:s23] =	ssyncadd.s32 $0xFFFFFFFF  }
0xa5: {  	s26 =	simm.s32 $execute0_lowered;
	[smem:$0x3FD2] =	sst s25  }
0xa6: {  	s5 =	sshll.u32 s26, $0x1;
	_ =	strace $0x8000004C;
	[dreg:$0x1] =	wrdreg $0xFFFFFFFF  }
0xa7: {  	s28 =	simm.s32 $_size_execute0_lowered;
	s3 =	sadd.s32 s3, s5;
	[dreg:$0x0] =	wrdreg $0x0  }
0xa8: {  	s5 =	sshll.u32 s28, $0x1;
	[dreg:$0x2] =	wrdreg s3  }
0xa9: {  	[dreg:$0x3] =	wrdreg s5  }
0xaa: {  	[dreg:$0x4] =	wrdreg $0xC0  }
0xab: {  	_ =	task [dreg:s7], $0x5FFFF  }
0xac: {  	[dreg:$0x1] =	wrdreg $0xFFFFFFFF  }
0xad: {  	[dreg:$0x0] =	wrdreg $0x60  }
0xae: {  	[dreg:$0x2] =	wrdreg s24  }
0xaf: {  	[dreg:$0x3] =	wrdreg s2  }
0xb0: {  	[dreg:$0x4] =	wrdreg $0x82000  }
0xb1: {  	[dreg:$0x5] =	wrdreg $0x9  }
0xb2: {  	_ =	task.clear_ibuf [dreg:s7], $0x6FFFF;
	_ =	strace $0x9000004C  }
0xb3: {  	s29 =	simm.s32 $0x9;
	_ =	strace $0x8000004E  }
0xb4: {  	_ =	swait.ge [sflag:s29], $0x1  }
0xb5: {  	[sflag:s29] =	ssyncadd.s32 $0xFFFFFFFF  }
0xb6: {  	_ =	strace $0x9000004E  }
0xb7: {  	_ =	sfence  }
0xb8: {  	s30 =	sld [smem:$0x0];
	_ =	sdelay $0x2  }
0xb9: {  	s31 =	sshll.u32 s1, $0xD;
	s1 =	sshrl.u32 s1, $0x2  }
0xba: {  	s3 =	sand.u32 $0x4000, s31;
	s1 =	sadd.s32 s1, s30  }
0xbb: {  	s0 =	sor.u32 s3, s0;
	s1 =	sshll.u32 s1, $0x11  }
0xbc: {  	s0 =	sor.u32 s1, s0  }
0xbd: {  	s0 =	sadd.s32 $0x8F2B, s0  }
0xbe: {  	[sflag:s0] =	ssyncadd.remote.s32 $0x1  }
0xbf: {  	_ =	sfence.sel $0xFFFF  }
0xc0: {  	[dreg:$0x0] =	wrdreg $0xFFFFFFFF;
	(pc) =	sbr.abs _section_cstart, $3  }
0xc1: {  	[dreg:$0x1] =	wrdreg $0xFFFFFFFF  }
0xc2: {  	_ =	task.clear_ibuf [dreg:s7], $0x2FFFF;
	_ =	strace $0x9FFFFFFF  }
0xc3: {  	(tm) =	ssettm $0x7FFFFFFF  }
tec
execute0_lowered:
.L_overlay_start_1:
0x0: {  	(tag) =	ssettag $0x1  }
0x1: {  	s0 =	rddreg [dreg:$0x0]  }
0x2: {  	s19 =	rddreg [dreg:$0x1]  }
0x3: {  	s2 =	rddreg [dreg:$0x2]  }
0x4: {  	s1 =	srdreg.scid;
	s11 =	stileid.u32  }
0x5: {  	s4 =	simm.s32 $0x0;
	s28 =	simm.s32 $0x8100;
	s8 =	smul.u32 $0x14000, s11  }
0x6: {  	s29 =	simm.s32 $0x3;
	s30 =	simm.s32 $0x8080;
	s9 =	smul.u32 $0x50000, s11  }
0x7: {  	s31 =	simm.s32 $0x8180;
	s1 =	sand.u32 $0x1, s1;
	s12 =	smul.u32 $0x700, s11  }
0x8: {  	[smem:$0x7FF] =	sst s4;
	s5 =	sadd.s32 $0x2C200, s0;
	s14 =	smul.u32 $0x300, s11  }
0x9: {  	s6 =	sadd.s32 $0x22200, s0;
	s7 =	sadd.s32 $0xE200, s0;
	s3 =	smul.u32 $0x140000, s1  }
0xa: {  	_ =	strace $0x8000004D;
	s10 =	ssub.s32 $0x2, s1;
	p0 =	seq.s32 s1, $0x1  }
0xb: {  	s23 =	sshrl.u32 s9, $0x2;
	s24 =	sshrl.u32 s10, $0x1;
	s26 =	sadd.s32 s6, s12  }
0xc: {  	s9 =	sadd.s32 s7, s12;
	s16 =	sadd.s32 $0x7000, s14;
	s18 =	sadd.s32 $0x72F0, s14  }
0xd: {  	s3 =	sadd.s32 s8, s3;
	s8 =	sadd.s32 s23, s2;
	[dreg:$0x5] =	wrdreg s26  }
0xe: {  	s25 =	ssub.s32 s10, s24;
	[dreg:$0x6] =	wrdreg s9;
	s10 =	sor.u32 $0x10, s12  }
0xf: {  	s17 =	sadd.s32 s6, s16;
	s26 =	sadd.s32 s7, s18;
	s3 =	sshrl.u32 s3, $0x3  }
0x10: {  	s20 =	sadd.s32 $0x4000, s8;
	s13 =	sadd.s32 $0x8000, s8;
	[dreg:$0x9] =	wrdreg s17  }
0x11: {  	s21 =	sadd.s32 $0xC000, s8;
	s15 =	sadd.s32 s6, s10;
	[dreg:$0xe] =	wrdreg s26  }
0x12: {  	s22 =	sadd.s32 $0x10000, s8;
	s1 =	sadd.s32 s7, s10;
	[dreg:$0x7] =	wrdreg s15  }
0x13: {  	s24 =	smax.u32 s25, $0x1;
	s25 =	sadd.s32 s6, s18;
	[dreg:$0x8] =	wrdreg s1  }
.Ltmp0:
0x14: {  	s26 =	simm.s32 $0x8000;
	[dreg:$0xd] =	wrdreg s25;
	(pc) =	sbr.rel .LBB2_1-.Ltmp0, $4  }
0x15: {  	s0 =	sadd.s32 s3, s0;
	s1 =	sadd.s32 s7, s16;
	[dreg:$0x4] =	wrdreg s22  }
0x16: {  	s25 =	simm.s32 $0x5;
	s15 =	simm.s32 $0x4;
	[dreg:$0xc] =	wrdreg s24  }
0x17: {  	s16 =	simm.s32 $0x0;
	[dreg:$0xa] =	wrdreg s1;
	s23 =	sadd.s32 $0x7A600, s0  }
0x18: {  	s0 =	simm.s32 $0x80;
	s1 =	simm.s32 $0x1;
	[dreg:$0xb] =	wrdreg s23  }
.LBB2_7:
0x19: {  	[sflag:s25] =	ssyncadd.s32 $0xFFFFC000  }
0x1a: {  	_ =	swait.ge [sflag:s29], $0x80  }
0x1b: {  	[sflag:s29] =	ssyncset.done $0x0  }
0x1c: {  	[sflag:s29] =	ssyncadd.s32 $0xFFFFFF80  }
0x1d: {  	_ =	swait.ge [sflag:s29], $0x80  }
0x1e: {  	[sflag:s29] =	ssyncset.done $0x0  }
0x1f: {  	s18 =	simm.s32 $0x0;
	s3 =	rddreg [dreg:$0xd];
	[sflag:s29] =	ssyncadd.s32 $0xFFFFFF80  }
0x20: {  	[tilespmem:s30], [sflag:$0x4] =	stream.linear.gather [hbm4b:s3+s18], $0x80, $0x38;
	[tilespmem:$0x1C200] =	vst v63  }
0x21: {  	s17 =	rddreg [dreg:$0xe]  }
0x22: {  	[tilespmem:s31], [sflag:$0x4] =	stream.linear.gather [hbm4b:s17+s18], $0x80, $0x38;
	[tilespmem:$0x1C200] =	vst v63  }
0x23: {  	s17 =	simm.s32 $0x1  }
0x24: {  	[tilespmem:s18], [sflag:$0x1] =	stream.indirect.gather [hbm4b:s5+s0], $0x80, s26, s0, $0xb8;
	[tilespmem:$0x1C200] =	vst v63  }
0x25: {  	_ =	swait.ge [sflag:s17], $0x4000  }
0x26: {  	[sflag:s17] =	ssyncset.done $0x0  }
0x27: {  	[sflag:s17] =	ssyncadd.s32 $0xFFFFC000  }
0x28: {  	[spmem:s2] =	stream.indirect.scatter.add.f32 [tilespmem:s18], [sflag:$0x5], $0x80, s28, s0, $0xb8;
	[tilespmem:$0x1C200] =	vst v63  }
0x29: {  	_ =	swait.ge [sflag:s25], $0x4000  }
0x2a: {  	[sflag:s25] =	ssyncset.done $0x0  }
0x2b: {  	[sflag:s25] =	ssyncadd.s32 $0xFFFFC000  }
0x2c: {  	_ =	swait.ge [sflag:s15], $0x80  }
0x2d: {  	[sflag:s15] =	ssyncset.done $0x0  }
0x2e: {  	[sflag:s15] =	ssyncadd.s32 $0xFFFFFF80  }
0x2f: {  	_ =	swait.ge [sflag:s15], $0x80  }
0x30: {  	[sflag:s15] =	ssyncset.done $0x0  }
0x31: {  	[sflag:s15] =	ssyncadd.s32 $0xFFFFFF80  }
0x32: {  	[tilespmem:s18], [sflag:$0x1] =	stream.indirect.gather [hbm4b:s5+s0], $0x80, s30, s0, $0xb8;
	[tilespmem:$0x1C200] =	vst v63  }
.LBB2_8:
0x33: {  	_ =	swait.ge [sflag:s17], $0x4000  }
0x34: {  	[sflag:s17] =	ssyncset.done $0x0  }
0x35: {  	[sflag:s17] =	ssyncadd.s32 $0xFFFFC000  }
0x36: {  	[spmem:s2] =	stream.indirect.scatter.add.f32 [tilespmem:s18], [sflag:$0x5], $0x80, s31, s0, $0xb8;
	[tilespmem:$0x1C200] =	vst v63  }
0x37: {  	_ =	swait.ge [sflag:s25], $0x4000  }
0x38: {  	s3 =	sshll.u32 s11, $0x6;
	s16 =	sadd.s32 $0x1, s16;
	[sflag:s25] =	ssyncset.done $0x0  }
0x39: {  	s9 =	sshrl.u32 s8, $0x3;
	p1 =	sne.s32 s16, s24;
	[sflag:s25] =	ssyncadd.s32 $0xFFFFC000  }
.Ltmp1:
0x3a: {  	s3 =	sor.u32 $0x1C05, s3;
	[bflag:$0x0] =	sbarrier.arrive $0xFFFF;
	(pc) =	sbr.rel @!p1 .LBB2_9-.Ltmp1, $4  }
0x3b: {  	[hbm:s23], [sflag:s3] =	dma.local [spmem:s9], $0x2800  }
0x3c: {  	_ =	swait.ge [sflag:s25], $0x2800  }
0x3d: {  	[sflag:s25] =	ssyncset.done $0x0  }
0x3e: {  	[sflag:s25] =	ssyncadd.s32 $0xFFFFD800  }
.LBB2_1:
0x3f: {  	[tilespmem:s4], [sflag:$0x5] =	stream.linear.gather [hbm4b:s19+s4], $0x4000, $0x38;
	[tilespmem:$0x1C200] =	vst v63  }
0x40: {  	_ =	swait.ge [sflag:s25], $0x4000  }
0x41: {  	[sflag:s25] =	ssyncset.done $0x0  }
0x42: {  	[sflag:s25] =	ssyncadd.s32 $0xFFFFC000  }
0x43: {  	[spmem:s8] =	stream.linear.scatter [tilespmem:s4], [sflag:$0x5], $0x4000, $0x38;
	[tilespmem:$0x1C200] =	vst v63  }
0x44: {  	_ =	swait.ge [sflag:s25], $0x4000  }
0x45: {  	[sflag:s25] =	ssyncset.done $0x0  }
0x46: {  	[sflag:s25] =	ssyncadd.s32 $0xFFFFC000  }
0x47: {  	[spmem:s20] =	stream.linear.scatter [tilespmem:s4], [sflag:$0x5], $0x4000, $0x38;
	[tilespmem:$0x1C200] =	vst v63  }
0x48: {  	_ =	swait.ge [sflag:s25], $0x4000  }
0x49: {  	[sflag:s25] =	ssyncset.done $0x0  }
0x4a: {  	[sflag:s25] =	ssyncadd.s32 $0xFFFFC000  }
0x4b: {  	[spmem:s13] =	stream.linear.scatter [tilespmem:s4], [sflag:$0x5], $0x4000, $0x38;
	[tilespmem:$0x1C200] =	vst v63  }
0x4c: {  	_ =	swait.ge [sflag:s25], $0x4000  }
0x4d: {  	[sflag:s25] =	ssyncset.done $0x0  }
0x4e: {  	[sflag:s25] =	ssyncadd.s32 $0xFFFFC000  }
0x4f: {  	[spmem:s21] =	stream.linear.scatter [tilespmem:s4], [sflag:$0x5], $0x4000, $0x38;
	[tilespmem:$0x1C200] =	vst v63  }
0x50: {  	_ =	swait.ge [sflag:s25], $0x4000  }
0x51: {  	[sflag:s25] =	ssyncset.done $0x0  }
0x52: {  	[sflag:s25] =	ssyncadd.s32 $0xFFFFC000  }
0x53: {  	[spmem:s22] =	stream.linear.scatter [tilespmem:s4], [sflag:$0x5], $0x4000, $0x38;
	[tilespmem:$0x1C200] =	vst v63  }
.Ltmp2:
0x54: {  	_ =	swait.ge [sflag:s25], $0x4000;
	(pc) =	sbr.rel @!p0 .LBB2_2-.Ltmp2, $3  }
0x55: {  	[sflag:s25] =	ssyncset.done $0x0  }
0x56: {  	[sflag:s25] =	ssyncadd.s32 $0xFFFFC000  }
0x57: {  	[bflag:$0x0] =	sbarrier.arrive $0xFFFF;
	_ =	sdelay $0x1  }
0x58: {  	s3 =	simm.s32 $0x0;
	s9 =	rddreg [dreg:$0x9]  }
0x59: {  	[tilespmem:s26], [sflag:$0x3] =	stream.linear.gather [hbm4b:s9+s3], $0x80, $0x38;
	[tilespmem:$0x1C200] =	vst v63  }
0x5a: {  	s17 =	rddreg [dreg:$0xa]  }
0x5b: {  	[tilespmem:s28], [sflag:$0x3] =	stream.linear.gather [hbm4b:s17+s3], $0x80, $0x38;
	[tilespmem:$0x1C200] =	vst v63  }
0x5c: {  	s9 =	sadd.s32 $0x0, s14;
	_ =	swait.ge [sflag:s29], $0x80  }
0x5d: {  	s10 =	sadd.s32 $0x7000, s9;
	[sflag:s29] =	ssyncset.done $0x0  }
0x5e: {  	s10 =	sand.u32 $0x1FF80, s10;
	s3 =	sand.u32 $0x60, s3;
	[sflag:s29] =	ssyncadd.s32 $0xFFFFFF80  }
0x5f: {  	s3 =	sor.u32 s10, s3;
	_ =	swait.ge [sflag:s29], $0x80  }
0x60: {  	s3 =	sor.u32 $0x10, s3;
	[sflag:s29] =	ssyncset.done $0x0  }
0x61: {  	s18 =	sadd.s32 s6, s3;
	[sflag:s29] =	ssyncadd.s32 $0xFFFFFF80  }
0x62: {  	[tilespmem:s30], [sflag:$0x4] =	stream.linear.gather [hbm4b:s18+s4], $0x80, $0x38;
	[tilespmem:$0x1C200] =	vst v63  }
0x63: {  	s3 =	sadd.s32 s7, s3  }
0x64: {  	[tilespmem:s31], [sflag:$0x4] =	stream.linear.gather [hbm4b:s3+s4], $0x80, $0x38;
	[tilespmem:$0x1C200] =	vst v63  }
0x65: {  	_ = 	snop  }
0x66: {  	[tilespmem:s4], [sflag:$0x1] =	stream.indirect.gather [hbm4b:s5+s0], $0x80, s26, s0, $0xb8;
	[tilespmem:$0x1C200] =	vst v63  }
0x67: {  	_ =	swait.ge [sflag:s1], $0x4000  }
0x68: {  	[sflag:s1] =	ssyncset.done $0x0  }
0x69: {  	[sflag:s1] =	ssyncadd.s32 $0xFFFFC000  }
0x6a: {  	[spmem:s2] =	stream.indirect.scatter.add.f32 [tilespmem:s4], [sflag:$0x5], $0x80, s28, s0, $0xb8;
	[tilespmem:$0x1C200] =	vst v63  }
0x6b: {  	_ =	swait.ge [sflag:s25], $0x4000  }
0x6c: {  	[sflag:s25] =	ssyncset.done $0x0  }
0x6d: {  	[sflag:s25] =	ssyncadd.s32 $0xFFFFC000  }
0x6e: {  	_ =	swait.ge [sflag:s15], $0x80  }
0x6f: {  	[sflag:s15] =	ssyncset.done $0x0  }
0x70: {  	s17 =	simm.s32 $0x20;
	s10 =	sadd.s32 $0x7020, s9;
	[sflag:s15] =	ssyncadd.s32 $0xFFFFFF80  }
0x71: {  	s18 =	sand.u32 $0x60, s17;
	s3 =	sand.u32 $0x1FF80, s10;
	_ =	swait.ge [sflag:s15], $0x80  }
0x72: {  	s3 =	sor.u32 s18, s3;
	[sflag:s15] =	ssyncset.done $0x0  }
0x73: {  	s9 =	sadd.s32 s6, s3;
	[sflag:s15] =	ssyncadd.s32 $0xFFFFFF80  }
0x74: {  	[tilespmem:s26], [sflag:$0x3] =	stream.linear.gather [hbm4b:s9+s4], $0x80, $0x38;
	[tilespmem:$0x1C200] =	vst v63  }
0x75: {  	s3 =	sadd.s32 s7, s3  }
0x76: {  	[tilespmem:s28], [sflag:$0x3] =	stream.linear.gather [hbm4b:s3+s4], $0x80, $0x38;
	[tilespmem:$0x1C200] =	vst v63  }
0x77: {  	_ = 	snop  }
0x78: {  	[tilespmem:s4], [sflag:$0x1] =	stream.indirect.gather [hbm4b:s5+s0], $0x80, s30, s0, $0xb8;
	[tilespmem:$0x1C200] =	vst v63  }
0x79: {  	_ =	swait.ge [sflag:s1], $0x4000  }
0x7a: {  	[sflag:s1] =	ssyncset.done $0x0  }
0x7b: {  	[sflag:s1] =	ssyncadd.s32 $0xFFFFC000  }
0x7c: {  	[spmem:s2] =	stream.indirect.scatter.add.f32 [tilespmem:s4], [sflag:$0x5], $0x80, s31, s0, $0xb8;
	[tilespmem:$0x1C200] =	vst v63  }
0x7d: {  	_ =	swait.ge [sflag:s25], $0x4000  }
0x7e: {  	[sflag:s25] =	ssyncset.done $0x0  }
.LBB2_6:
0x7f: {  	p1 =	sne.s32 s17, $0x2C0  }
0x80: {  	[sflag:s25] =	ssyncadd.s32 $0xFFFFC000;
	s3 =	smov.u32 s17;
	s17 =	sadd.s32 $0x20, s17  }
0x81: {  	_ =	swait.ge [sflag:s29], $0x80;
	s9 =	sadd.s32 s3, s14;
	s10 =	sand.u32 $0x60, s17  }
0x82: {  	[sflag:s29] =	ssyncset.done $0x0;
	s18 =	sadd.s32 $0x7000, s9;
	s9 =	sadd.s32 $0x7020, s9  }
0x83: {  	s3 =	sand.u32 $0x60, s3;
	[sflag:s29] =	ssyncadd.s32 $0xFFFFFF80;
	s18 =	sand.u32 $0x1FF80, s18  }
0x84: {  	s9 =	sand.u32 $0x1FF80, s9;
	_ =	swait.ge [sflag:s29], $0x80;
	s3 =	sor.u32 s18, s3  }
0x85: {  	s9 =	sor.u32 s10, s9;
	[sflag:s29] =	ssyncset.done $0x0;
	s3 =	sor.u32 $0x10, s3  }
0x86: {  	[sflag:s29] =	ssyncadd.s32 $0xFFFFFF80;
	s10 =	sadd.s32 s6, s3  }
0x87: {  	[tilespmem:s30], [sflag:$0x4] =	stream.linear.gather [hbm4b:s10+s4], $0x80, $0x38;
	[tilespmem:$0x1C200] =	vst v63  }
0x88: {  	s3 =	sadd.s32 s7, s3  }
0x89: {  	[tilespmem:s31], [sflag:$0x4] =	stream.linear.gather [hbm4b:s3+s4], $0x80, $0x38;
	[tilespmem:$0x1C200] =	vst v63  }
0x8a: {  	_ = 	snop  }
0x8b: {  	[tilespmem:s4], [sflag:$0x1] =	stream.indirect.gather [hbm4b:s5+s0], $0x80, s26, s0, $0xb8;
	[tilespmem:$0x1C200] =	vst v63  }
0x8c: {  	_ =	swait.ge [sflag:s1], $0x4000  }
0x8d: {  	[sflag:s1] =	ssyncset.done $0x0  }
0x8e: {  	[sflag:s1] =	ssyncadd.s32 $0xFFFFC000  }
0x8f: {  	[spmem:s2] =	stream.indirect.scatter.add.f32 [tilespmem:s4], [sflag:$0x5], $0x80, s28, s0, $0xb8;
	[tilespmem:$0x1C200] =	vst v63  }
0x90: {  	_ =	swait.ge [sflag:s25], $0x4000  }
0x91: {  	[sflag:s25] =	ssyncset.done $0x0  }
0x92: {  	[sflag:s25] =	ssyncadd.s32 $0xFFFFC000  }
0x93: {  	_ =	swait.ge [sflag:s15], $0x80  }
0x94: {  	[sflag:s15] =	ssyncset.done $0x0  }
0x95: {  	[sflag:s15] =	ssyncadd.s32 $0xFFFFFF80  }
0x96: {  	_ =	swait.ge [sflag:s15], $0x80  }
0x97: {  	[sflag:s15] =	ssyncset.done $0x0  }
0x98: {  	s3 =	sadd.s32 s6, s9;
	[sflag:s15] =	ssyncadd.s32 $0xFFFFFF80  }
0x99: {  	[tilespmem:s26], [sflag:$0x3] =	stream.linear.gather [hbm4b:s3+s4], $0x80, $0x38;
	[tilespmem:$0x1C200] =	vst v63  }
0x9a: {  	s3 =	sadd.s32 s7, s9  }
0x9b: {  	[tilespmem:s28], [sflag:$0x3] =	stream.linear.gather [hbm4b:s3+s4], $0x80, $0x38;
	[tilespmem:$0x1C200] =	vst v63  }
0x9c: {  	_ = 	snop  }
0x9d: {  	[tilespmem:s4], [sflag:$0x1] =	stream.indirect.gather [hbm4b:s5+s0], $0x80, s30, s0, $0xb8;
	[tilespmem:$0x1C200] =	vst v63  }
0x9e: {  	_ =	swait.ge [sflag:s1], $0x4000  }
.Ltmp3:
0x9f: {  	[sflag:s1] =	ssyncset.done $0x0;
	(pc) =	sbr.rel @p1 .LBB2_6-.Ltmp3, $4  }
0xa0: {  	[sflag:s1] =	ssyncadd.s32 $0xFFFFC000  }
0xa1: {  	[spmem:s2] =	stream.indirect.scatter.add.f32 [tilespmem:s4], [sflag:$0x5], $0x80, s31, s0, $0xb8;
	[tilespmem:$0x1C200] =	vst v63  }
0xa2: {  	_ =	swait.ge [sflag:s25], $0x4000  }
0xa3: {  	[sflag:s25] =	ssyncset.done $0x0  }
.Ltmp4:
0xa4: {  	_ = 	snop;
	(pc) =	sbr.rel .LBB2_7-.Ltmp4, $1  }
0xa5: {  	_ =	sdelay $0x3  }
.LBB2_2:
0xa6: {  	s3 =	rddreg [dreg:$0x5]  }
0xa7: {  	[tilespmem:s26], [sflag:$0x3] =	stream.linear.gather [hbm4b:s3+s4], $0x80, $0x38;
	[tilespmem:$0x1C200] =	vst v63  }
0xa8: {  	s9 =	rddreg [dreg:$0x6]  }
0xa9: {  	[tilespmem:s28], [sflag:$0x3] =	stream.linear.gather [hbm4b:s9+s4], $0x80, $0x38;
	[tilespmem:$0x1C200] =	vst v63  }
0xaa: {  	s10 =	rddreg [dreg:$0x7]  }
0xab: {  	[tilespmem:s30], [sflag:$0x4] =	stream.linear.gather [hbm4b:s10+s4], $0x80, $0x38;
	[tilespmem:$0x1C200] =	vst v63  }
0xac: {  	s17 =	rddreg [dreg:$0x8]  }
0xad: {  	[tilespmem:s31], [sflag:$0x4] =	stream.linear.gather [hbm4b:s17+s4], $0x80, $0x38;
	[tilespmem:$0x1C200] =	vst v63  }
0xae: {  	_ =	swait.ge [sflag:s29], $0x80  }
0xaf: {  	[sflag:s29] =	ssyncset.done $0x0  }
0xb0: {  	[sflag:s29] =	ssyncadd.s32 $0xFFFFFF80  }
0xb1: {  	_ =	swait.ge [sflag:s29], $0x80  }
0xb2: {  	[sflag:s29] =	ssyncset.done $0x0  }
0xb3: {  	[sflag:s29] =	ssyncadd.s32 $0xFFFFFF80  }
0xb4: {  	[tilespmem:s4], [sflag:$0x1] =	stream.indirect.gather [hbm4b:s5+s0], $0x80, s26, s0, $0xb8;
	[tilespmem:$0x1C200] =	vst v63  }
0xb5: {  	_ =	swait.ge [sflag:s15], $0x80  }
0xb6: {  	[sflag:s15] =	ssyncset.done $0x0  }
0xb7: {  	[sflag:s15] =	ssyncadd.s32 $0xFFFFFF80  }
0xb8: {  	_ =	swait.ge [sflag:s15], $0x80  }
0xb9: {  	[sflag:s15] =	ssyncset.done $0x0  }
0xba: {  	s18 =	simm.s32 $0x4000;
	[sflag:s15] =	ssyncadd.s32 $0xFFFFFF80  }
0xbb: {  	[tilespmem:s18], [sflag:$0x2] =	stream.indirect.gather [hbm4b:s5+s0], $0x80, s30, s0, $0xb8;
	[tilespmem:$0x1C200] =	vst v63  }
0xbc: {  	_ =	swait.ge [sflag:s1], $0x4000  }
0xbd: {  	s11 =	smov.u32 s19;
	s19 =	sadd.s32 $0xFFFFF920, s12;
	[sflag:s1] =	ssyncset.done $0x0  }
0xbe: {  	s17 =	sadd.s32 $0x700, s19;
	s18 =	simm.s32 $0x20;
	[sflag:s1] =	ssyncadd.s32 $0xFFFFC000  }
0xbf: {  	[spmem:s2] =	stream.indirect.scatter.add.f32 [tilespmem:s4], [sflag:$0x5], $0x80, s28, s0, $0xb8;
	[tilespmem:$0x1C200] =	vst v63  }
0xc0: {  	s17 =	sand.u32 $0xFF80, s17;
	s18 =	sand.u32 $0x60, s18;
	_ =	swait.ge [sflag:s25], $0x4000  }
0xc1: {  	s17 =	sor.u32 s18, s17;
	[sflag:s25] =	ssyncset.done $0x0  }
0xc2: {  	s18 =	sadd.s32 s6, s17;
	[sflag:s25] =	ssyncadd.s32 $0xFFFFC000  }
0xc3: {  	[tilespmem:s26], [sflag:$0x3] =	stream.linear.gather [hbm4b:s18+s4], $0x80, $0x38;
	[tilespmem:$0x1C200] =	vst v63  }
0xc4: {  	s17 =	sadd.s32 s7, s17  }
0xc5: {  	[tilespmem:s28], [sflag:$0x3] =	stream.linear.gather [hbm4b:s17+s4], $0x80, $0x38;
	[tilespmem:$0x1C200] =	vst v63  }
0xc6: {  	_ =	swait.ge [sflag:s29], $0x80  }
0xc7: {  	[sflag:s29] =	ssyncset.done $0x0  }
0xc8: {  	[sflag:s29] =	ssyncadd.s32 $0xFFFFFF80  }
0xc9: {  	_ =	swait.ge [sflag:s29], $0x80  }
0xca: {  	[sflag:s29] =	ssyncset.done $0x0  }
0xcb: {  	s17 =	simm.s32 $0x2;
	[sflag:s29] =	ssyncadd.s32 $0xFFFFFF80  }
0xcc: {  	[tilespmem:s4], [sflag:$0x1] =	stream.indirect.gather [hbm4b:s5+s0], $0x80, s26, s0, $0xb8;
	[tilespmem:$0x1C200] =	vst v63  }
0xcd: {  	s22 =	smov.u32 s21;
	s21 =	smov.u32 s13;
	_ =	swait.ge [sflag:s17], $0x4000  }
0xce: {  	s13 =	smov.u32 s20;
	s20 =	simm.s32 $0x30;
	[sflag:s17] =	ssyncset.done $0x0  }
0xcf: {  	s3 =	sadd.s32 $0x710, s19;
	s18 =	simm.s32 $0x4000;
	[sflag:s17] =	ssyncadd.s32 $0xFFFFC000  }
0xd0: {  	[spmem:s2] =	stream.indirect.scatter.add.f32 [tilespmem:s18], [sflag:$0x5], $0x80, s31, s0, $0xb8;
	[tilespmem:$0x1C200] =	vst v63  }
0xd1: {  	s3 =	sand.u32 $0xFF80, s3;
	s19 =	sand.u32 $0x70, s20;
	_ =	swait.ge [sflag:s25], $0x4000  }
0xd2: {  	s3 =	sor.u32 s19, s3;
	[sflag:s25] =	ssyncset.done $0x0  }
0xd3: {  	s19 =	sadd.s32 s6, s3;
	[sflag:s25] =	ssyncadd.s32 $0xFFFFC000  }
0xd4: {  	[tilespmem:s30], [sflag:$0x4] =	stream.linear.gather [hbm4b:s19+s4], $0x80, $0x38;
	[tilespmem:$0x1C200] =	vst v63  }
0xd5: {  	s3 =	sadd.s32 s7, s3  }
0xd6: {  	[tilespmem:s31], [sflag:$0x4] =	stream.linear.gather [hbm4b:s3+s4], $0x80, $0x38;
	[tilespmem:$0x1C200] =	vst v63  }
0xd7: {  	_ =	swait.ge [sflag:s15], $0x80  }
0xd8: {  	[sflag:s15] =	ssyncset.done $0x0  }
0xd9: {  	[sflag:s15] =	ssyncadd.s32 $0xFFFFFF80  }
0xda: {  	_ =	swait.ge [sflag:s15], $0x80  }
0xdb: {  	[sflag:s15] =	ssyncset.done $0x0  }
0xdc: {  	[sflag:s15] =	ssyncadd.s32 $0xFFFFFF80  }
0xdd: {  	[tilespmem:s18], [sflag:$0x2] =	stream.indirect.gather [hbm4b:s5+s0], $0x80, s30, s0, $0xb8;
	[tilespmem:$0x1C200] =	vst v63  }
0xde: {  	s24 =	sadd.s32 $0xFFFFF940, s12;
	_ =	swait.ge [sflag:s1], $0x4000  }
0xdf: {  	s23 =	sadd.s32 $0x700, s24;
	[sflag:s1] =	ssyncset.done $0x0  }
0xe0: {  	s23 =	sand.u32 $0xFF80, s23;
	[sflag:s1] =	ssyncadd.s32 $0xFFFFC000  }
0xe1: {  	[spmem:s2] =	stream.indirect.scatter.add.f32 [tilespmem:s4], [sflag:$0x5], $0x80, s28, s0, $0xb8;
	[tilespmem:$0x1C200] =	vst v63  }
0xe2: {  	s9 =	simm.s32 $0x40;
	s20 =	simm.s32 $0xFFFFF960;
	_ =	swait.ge [sflag:s25], $0x4000  }
0xe3: {  	s19 =	simm.s32 $0x50;
	s3 =	sand.u32 $0x60, s9;
	[sflag:s25] =	ssyncset.done $0x0  }
.LBB2_3:
0xe4: {  	s3 =	sor.u32 s3, s23  }
0xe5: {  	s9 =	sadd.s32 $0x710, s24;
	[sflag:s25] =	ssyncadd.s32 $0xFFFFC000;
	s23 =	smov.u32 s20  }
0xe6: {  	s10 =	sand.u32 $0x70, s19;
	s24 =	sadd.s32 s6, s3;
	s9 =	sand.u32 $0xFF80, s9  }
0xe7: {  	[tilespmem:s26], [sflag:$0x3] =	stream.linear.gather [hbm4b:s24+s4], $0x80, $0x38;
	[tilespmem:$0x1C200] =	vst v63  }
0xe8: {  	s19 =	sadd.s32 $0x710, s20;
	s3 =	sadd.s32 s7, s3;
	s9 =	sor.u32 s10, s9  }
0xe9: {  	[tilespmem:s28], [sflag:$0x3] =	stream.linear.gather [hbm4b:s3+s4], $0x80, $0x38;
	[tilespmem:$0x1C200] =	vst v63  }
0xea: {  	p1 =	seq.s32 s20, $0xFFFFFFE0;
	s20 =	sadd.s32 $0x20, s20;
	_ =	swait.ge [sflag:s29], $0x80  }
0xeb: {  	[sflag:s29] =	ssyncset.done $0x0  }
0xec: {  	[sflag:s29] =	ssyncadd.s32 $0xFFFFFF80  }
0xed: {  	_ =	swait.ge [sflag:s29], $0x80  }
0xee: {  	[sflag:s29] =	ssyncset.done $0x0  }
0xef: {  	[sflag:s29] =	ssyncadd.s32 $0xFFFFFF80  }
0xf0: {  	[tilespmem:s4], [sflag:$0x1] =	stream.indirect.gather [hbm4b:s5+s0], $0x80, s26, s0, $0xb8;
	[tilespmem:$0x1C200] =	vst v63  }
0xf1: {  	_ =	swait.ge [sflag:s17], $0x4000  }
0xf2: {  	[sflag:s17] =	ssyncset.done $0x0  }
0xf3: {  	[sflag:s17] =	ssyncadd.s32 $0xFFFFC000  }
0xf4: {  	[spmem:s2] =	stream.indirect.scatter.add.f32 [tilespmem:s18], [sflag:$0x5], $0x80, s31, s0, $0xb8;
	[tilespmem:$0x1C200] =	vst v63  }
0xf5: {  	_ =	swait.ge [sflag:s25], $0x4000  }
0xf6: {  	[sflag:s25] =	ssyncset.done $0x0  }
0xf7: {  	s3 =	sadd.s32 s6, s9;
	[sflag:s25] =	ssyncadd.s32 $0xFFFFC000  }
0xf8: {  	[tilespmem:s30], [sflag:$0x4] =	stream.linear.gather [hbm4b:s3+s4], $0x80, $0x38;
	[tilespmem:$0x1C200] =	vst v63  }
0xf9: {  	s3 =	sadd.s32 s7, s9  }
0xfa: {  	[tilespmem:s31], [sflag:$0x4] =	stream.linear.gather [hbm4b:s3+s4], $0x80, $0x38;
	[tilespmem:$0x1C200] =	vst v63  }
0xfb: {  	_ =	swait.ge [sflag:s15], $0x80  }
0xfc: {  	[sflag:s15] =	ssyncset.done $0x0  }
0xfd: {  	[sflag:s15] =	ssyncadd.s32 $0xFFFFFF80  }
0xfe: {  	_ =	swait.ge [sflag:s15], $0x80  }
0xff: {  	[sflag:s15] =	ssyncset.done $0x0  }
0x100: {  	[sflag:s15] =	ssyncadd.s32 $0xFFFFFF80  }
0x101: {  	[tilespmem:s18], [sflag:$0x2] =	stream.indirect.gather [hbm4b:s5+s0], $0x80, s30, s0, $0xb8;
	[tilespmem:$0x1C200] =	vst v63  }
0x102: {  	_ =	swait.ge [sflag:s1], $0x4000  }
.Ltmp5:
0x103: {  	[sflag:s1] =	ssyncset.done $0x0;
	(pc) =	sbr.rel @!p1 .LBB2_3-.Ltmp5, $4  }
0x104: {  	s24 =	sadd.s32 s23, s12;
	[sflag:s1] =	ssyncadd.s32 $0xFFFFC000  }
0x105: {  	[spmem:s2] =	stream.indirect.scatter.add.f32 [tilespmem:s4], [sflag:$0x5], $0x80, s28, s0, $0xb8;
	[tilespmem:$0x1C200] =	vst v63  }
0x106: {  	s9 =	sadd.s32 $0x700, s23;
	s3 =	sadd.s32 $0x700, s24;
	_ =	swait.ge [sflag:s25], $0x4000  }
0x107: {  	s23 =	sand.u32 $0xFF80, s3;
	s3 =	sand.u32 $0x60, s9;
	[sflag:s25] =	ssyncset.done $0x0  }
0x108: {  	s3 =	sor.u32 s3, s23  }
0x109: {  	[sflag:s25] =	ssyncadd.s32 $0xFFFFC000;
	s9 =	sadd.s32 s6, s3  }
0x10a: {  	[tilespmem:s26], [sflag:$0x3] =	stream.linear.gather [hbm4b:s9+s4], $0x80, $0x38;
	[tilespmem:$0x1C200] =	vst v63  }
0x10b: {  	s3 =	sadd.s32 s7, s3  }
0x10c: {  	[tilespmem:s28], [sflag:$0x3] =	stream.linear.gather [hbm4b:s3+s4], $0x80, $0x38;
	[tilespmem:$0x1C200] =	vst v63  }
0x10d: {  	_ =	swait.ge [sflag:s29], $0x80  }
0x10e: {  	[sflag:s29] =	ssyncset.done $0x0  }
0x10f: {  	[sflag:s29] =	ssyncadd.s32 $0xFFFFFF80  }
0x110: {  	_ =	swait.ge [sflag:s29], $0x80  }
0x111: {  	[sflag:s29] =	ssyncset.done $0x0  }
0x112: {  	s17 =	simm.s32 $0x2;
	[sflag:s29] =	ssyncadd.s32 $0xFFFFFF80  }
0x113: {  	[tilespmem:s4], [sflag:$0x1] =	stream.indirect.gather [hbm4b:s5+s0], $0x80, s26, s0, $0xb8;
	[tilespmem:$0x1C200] =	vst v63  }
0x114: {  	_ =	swait.ge [sflag:s17], $0x4000  }
0x115: {  	[sflag:s17] =	ssyncset.done $0x0  }
0x116: {  	s23 =	sadd.s32 $0x710, s24;
	s18 =	simm.s32 $0x4000;
	[sflag:s17] =	ssyncadd.s32 $0xFFFFC000  }
0x117: {  	[spmem:s2] =	stream.indirect.scatter.add.f32 [tilespmem:s18], [sflag:$0x5], $0x80, s31, s0, $0xb8;
	[tilespmem:$0x1C200] =	vst v63  }
0x118: {  	s24 =	sand.u32 $0x70, s19;
	s3 =	sand.u32 $0xFF80, s23;
	_ =	swait.ge [sflag:s25], $0x4000  }
0x119: {  	s3 =	sor.u32 s24, s3;
	[sflag:s25] =	ssyncset.done $0x0  }
0x11a: {  	s9 =	sadd.s32 s6, s3;
	[sflag:s25] =	ssyncadd.s32 $0xFFFFC000  }
0x11b: {  	[tilespmem:s30], [sflag:$0x4] =	stream.linear.gather [hbm4b:s9+s4], $0x80, $0x38;
	[tilespmem:$0x1C200] =	vst v63  }
0x11c: {  	s3 =	sadd.s32 s7, s3  }
0x11d: {  	[tilespmem:s31], [sflag:$0x4] =	stream.linear.gather [hbm4b:s3+s4], $0x80, $0x38;
	[tilespmem:$0x1C200] =	vst v63  }
0x11e: {  	_ =	swait.ge [sflag:s15], $0x80  }
0x11f: {  	[sflag:s15] =	ssyncset.done $0x0  }
0x120: {  	[sflag:s15] =	ssyncadd.s32 $0xFFFFFF80  }
0x121: {  	_ =	swait.ge [sflag:s15], $0x80  }
0x122: {  	[sflag:s15] =	ssyncset.done $0x0  }
0x123: {  	[sflag:s15] =	ssyncadd.s32 $0xFFFFFF80  }
0x124: {  	[tilespmem:s18], [sflag:$0x2] =	stream.indirect.gather [hbm4b:s5+s0], $0x80, s30, s0, $0xb8;
	[tilespmem:$0x1C200] =	vst v63  }
0x125: {  	_ =	swait.ge [sflag:s1], $0x4000  }
0x126: {  	[sflag:s1] =	ssyncset.done $0x0  }
0x127: {  	[sflag:s1] =	ssyncadd.s32 $0xFFFFC000  }
0x128: {  	[spmem:s2] =	stream.indirect.scatter.add.f32 [tilespmem:s4], [sflag:$0x5], $0x80, s28, s0, $0xb8;
	[tilespmem:$0x1C200] =	vst v63  }
.Ltmp6:
0x129: {  	_ = 	snop;
	(pc) =	sbr.rel .LBB2_8-.Ltmp6, $4  }
0x12a: {  	s20 =	smov.u32 s13;
	_ =	swait.ge [sflag:s25], $0x4000  }
0x12b: {  	s13 =	smov.u32 s21;
	s21 =	smov.u32 s22;
	s22 =	rddreg [dreg:$0x4]  }
0x12c: {  	s19 =	smov.u32 s11;
	[sflag:s25] =	ssyncset.done $0x0;
	s23 =	rddreg [dreg:$0xb]  }
0x12d: {  	s11 =	stileid.u32;
	s24 =	rddreg [dreg:$0xc];
	[sflag:s25] =	ssyncadd.s32 $0xFFFFC000  }
.LBB2_9:
0x12e: {  	_ =	sfence.sel $0x180000  }
0x12f: {  	[bflag:$0x0] =	sbarrier.arrive $0xFFFF  }
0x130: {  	_ =	strace $0x9000004D  }
0x131: {  	[bflag:$0x2] =	sbarrier.arrive $0xFFFF  }
0x132: {  	p0 =	sne.s32 s11, $0x0;
	s0 =	rddreg [dreg:$0x3]  }
0x133: {  	s0 =	sadd.s32 @!p0 $0x100000, s0  }
0x134: {  	[sflag:s0] =	ssyncadd.tile.s32 @!p0 $0x1;
	_ =	shalt  }
.Lfunc_end2:
_tile_overlayer_lowered:
.L_overlay_start_2:
0x135: {  	(tag) =	ssettag $0x2  }
0x136: {  	s0 =	rddreg [dreg:$0x0];
	s2 =	stileid.u32  }
0x137: {  	s1 =	rddreg [dreg:$0x1];
	p0 =	sne.s32 s2, $0x0  }
0x138: {  	s3 =	rddreg [dreg:$0x2];
	[bflag:$0x3] =	sbarrier.arrive $0xFFFF;
	s2 =	simm.s32 @!p0 $0x1C05  }
0x139: {  	[timem:s3], [sflag:s2] =	dma.local @!p0 [hbm:s0], s1  }
0x13a: {  	s0 =	simm.s32 @!p0 $0x5  }
0x13b: {  	_ =	swait.ge @!p0 [sflag:s0], s1  }
0x13c: {  	s1 =	ssub.s32 @!p0 $0x0, s1;
	[sflag:s0] =	ssyncset.done @!p0 $0x0  }
0x13d: {  	[sflag:s0] =	ssyncadd.s32 @!p0 s1  }
0x13e: {  	[bflag:$0x3] =	sbarrier.arrive $0xFFFF  }
0x13f: {  	_ =	shalt  }

// kernel: kernel.8.cloned.1.call-start
scs
__scs_entry_jumppad:
0x0: {  	(pc) =	sbr.rel $0x88, $3  }
0x1: {  	(tag) =	ssettag $0x0;
	lr =	simm.s32 $0x1  }
0x2: {  	[smem:$0x3F93] =	sst lr;
	_ =	strace $0xD0000000  }
0x3: {  	_ = 	snop  }
0x4: {  	_ = 	snop  }
0x5: {  	_ = 	snop  }
0x6: {  	_ = 	snop  }
0x7: {  	_ = 	snop  }
__scs_overlays_trampoline_lowered:
0x8: {  	[smem:$0x3FA2] =	sst s0  }
0x9: {  	[smem:$0x3FA3] =	sst s1  }
0xa: {  	[smem:$0x3FA4] =	sst s2  }
0xb: {  	[smem:$0x3FA5] =	sst s3  }
0xc: {  	[smem:$0x3FA6] =	sst s4  }
0xd: {  	[smem:$0x3FA7] =	sst s5  }
0xe: {  	[smem:$0x3FA8] =	sst s6  }
0xf: {  	[smem:$0x3FA9] =	sst s7  }
0x10: {  	[smem:$0x3FAA] =	sst s8  }
0x11: {  	[smem:$0x3FAB] =	sst s9;
	s0 =	simm.s32 @!p0 $0x0  }
0x12: {  	s1 =	sld [smem:$0x3F91];
	s0 =	simm.s32 @p0 $0x1  }
0x13: {  	[smem:$0x3FAC] =	sst s0;
	s0 =	simm.s32 @!p1 $0x0  }
0x14: {  	s2 =	sld [smem:$0x3F90];
	s0 =	simm.s32 @p1 $0x1  }
0x15: {  	[smem:$0x3FAD] =	sst s0;
	s0 =	simm.s32 @!p2 $0x0  }
0x16: {  	s3 =	sld [smem:$0x3FDB];
	s0 =	simm.s32 @p2 $0x1  }
0x17: {  	s4 =	simm.s32 $0x1BF5;
	[smem:$0x3FAF] =	sst s0  }
0x18: {  	s0 =	sld [smem:$0x3F92];
	_ =	swait.ge [sflag:s4], $0x0  }
0x19: {  	s7 =	sld [smem:$0x3F93]  }
0x1a: {  	s8 =	sadd.s32 $0xFFFFE003, lr  }
0x1b: {  	s9 =	sadd.s32 $0xFFFFFEF7, lr;
	s5 =	simm.s32 $0xFFFFFFFF;
	p2 =	slt.u32 s8, $0xFFFFF086  }
0x1c: {  	p1 =	slt.u32 s9, $0xF7A;
	s5 =	simm.s32 @!p2 $0x0  }
0x1d: {  	s5 =	simm.s32 @p1 $0x1;
	p0 =	seq.s32 s7, s2  }
0x1e: {  	s7 =	smul.u32 @!p0 $0xF7A, s2;
	p2 =	seq.s32 @!p0 s5, $0x0  }
0x1f: {  	s9 =	smul.u32 $0xF7A, s1;
	s8 =	simm.s32 @!p0 $0x1BF5;
	p2 =	por !p2, p0  }
0x20: {  	[sflag:s8] =	ssyncset.s32 @!p0 $0xFFFFF086;
	s6 =	sadd.s32 @!p0 s3, s7;
	s7 =	simm.s32 @!p0 $0x108  }
0x21: {  	s3 =	sadd.s32 s3, s9;
	s6 =	sadd.s32 @!p0 $0x88, s6;
	s7 =	simm.s32 @p2 $0x1082  }
0x22: {  	[simem:s7], [sflag:s8] =	dma.local @!p0 [hbm:s6], $0xF7A  }
0x23: {  	s9 =	sor.u32 $0xD0000000, s2;
	s6 =	simm.s32 $0x108;
	_ =	swait.ge @!p0 [sflag:s8], $0x0  }
0x24: {  	s3 =	sadd.s32 $0x88, s3;
	s6 =	simm.s32 @!p1 $0x1082;
	[sflag:s4] =	ssyncset.s32 $0xFFFFF086  }
0x25: {  	[simem:s6], [sflag:s4] =	dma.local [hbm:s3], $0xF7A  }
0x26: {  	[smem:$0x3F93] =	sst s1;
	(tag) =	ssettag s2;
	_ =	strace s9  }
0x27: {  	s1 =	sld [smem:$0x3FA3]  }
0x28: {  	s2 =	sld [smem:$0x3FA4]  }
0x29: {  	s4 =	sld [smem:$0x3FA6]  }
0x2a: {  	p0 =	seq.s32 s5, $0x0;
	s5 =	sld [smem:$0x3FA7]  }
0x2b: {  	s6 =	sld [smem:$0x3FA8]  }
0x2c: {  	s7 =	sld [smem:$0x3FA9]  }
0x2d: {  	s3 =	simm.s32 $0x108;
	s8 =	sld [smem:$0x3FAA]  }
0x2e: {  	s3 =	simm.s32 @!p0 $0x1082;
	s9 =	sld [smem:$0x3FAB]  }
0x2f: {  	lr =	sadd.s32 s0, s3;
	s0 =	sld [smem:$0x3FA2]  }
0x30: {  	s3 =	sld [smem:$0x3FA5]  }
0x31: {  	[smem:$0x3FAE] =	sst s10  }
0x32: {  	s10 =	sld [smem:$0x3FAC];
	_ =	sdelay $0x3  }
0x33: {  	p0 =	seq.s32 s10, $0x1;
	s10 =	sld [smem:$0x3FAE];
	_ =	sdelay $0x3  }
0x34: {  	[smem:$0x3FAE] =	sst s10  }
0x35: {  	s10 =	sld [smem:$0x3FAD];
	_ =	sdelay $0x3  }
0x36: {  	p1 =	seq.s32 s10, $0x1;
	s10 =	sld [smem:$0x3FAE];
	_ =	sdelay $0x3  }
0x37: {  	[smem:$0x3FAE] =	sst s10  }
0x38: {  	s10 =	sld [smem:$0x3FAF]  }
0x39: {  	_ = 	snop;
	(pc) =	sbr.ind lr, $3  }
0x3a: {  	_ = 	snop  }
0x3b: {  	_ = 	snop  }
0x3c: {  	p2 =	seq.s32 s10, $0x1;
	s10 =	sld [smem:$0x3FAE]  }
0x3d: {  	_ =	shalt  }
0x3e: {  	_ =	shalt  }
0x3f: {  	_ =	shalt  }
0x40: {  	_ =	shalt  }
0x41: {  	_ =	shalt  }
0x42: {  	_ =	shalt  }
0x43: {  	_ =	shalt  }
0x44: {  	_ =	shalt  }
0x45: {  	_ =	shalt  }
0x46: {  	_ =	shalt  }
0x47: {  	_ =	shalt  }
0x48: {  	_ =	shalt  }
0x49: {  	_ =	shalt  }
0x4a: {  	_ =	shalt  }
0x4b: {  	_ =	shalt  }
0x4c: {  	_ =	shalt  }
0x4d: {  	_ =	shalt  }
0x4e: {  	_ =	shalt  }
0x4f: {  	_ =	shalt  }
0x50: {  	_ =	shalt  }
0x51: {  	_ =	shalt  }
0x52: {  	_ =	shalt  }
0x53: {  	_ =	shalt  }
0x54: {  	_ =	shalt  }
0x55: {  	_ =	shalt  }
0x56: {  	_ =	shalt  }
0x57: {  	_ =	shalt  }
0x58: {  	_ =	shalt  }
0x59: {  	_ =	shalt  }
0x5a: {  	_ =	shalt  }
0x5b: {  	_ =	shalt  }
0x5c: {  	_ =	shalt  }
0x5d: {  	_ =	shalt  }
0x5e: {  	_ =	shalt  }
0x5f: {  	_ =	shalt  }
0x60: {  	_ =	shalt  }
0x61: {  	_ =	shalt  }
0x62: {  	_ =	shalt  }
0x63: {  	_ =	shalt  }
0x64: {  	_ =	shalt  }
0x65: {  	_ =	shalt  }
0x66: {  	_ =	shalt  }
0x67: {  	_ =	shalt  }
0x68: {  	_ =	shalt  }
0x69: {  	_ =	shalt  }
0x6a: {  	_ =	shalt  }
0x6b: {  	_ =	shalt  }
0x6c: {  	_ =	shalt  }
0x6d: {  	_ =	shalt  }
0x6e: {  	_ =	shalt  }
0x6f: {  	_ =	shalt  }
0x70: {  	_ =	shalt  }
0x71: {  	_ =	shalt  }
0x72: {  	_ =	shalt  }
0x73: {  	_ =	shalt  }
0x74: {  	_ =	shalt  }
0x75: {  	_ =	shalt  }
0x76: {  	_ =	shalt  }
0x77: {  	_ =	shalt  }
0x78: {  	_ =	shalt  }
0x79: {  	_ =	shalt  }
0x7a: {  	_ =	shalt  }
0x7b: {  	_ =	shalt  }
0x7c: {  	_ =	shalt  }
0x7d: {  	_ =	shalt  }
0x7e: {  	_ =	shalt  }
0x7f: {  	_ =	shalt  }
0x80: {  	_ =	shalt  }
0x81: {  	_ =	shalt  }
0x82: {  	_ =	shalt  }
0x83: {  	_ =	shalt  }
0x84: {  	_ =	shalt  }
0x85: {  	_ =	shalt  }
0x86: {  	_ =	shalt  }
0x87: {  	_ =	shalt  }
.Lfunc_end0:
.L_simem_size_0:
called_computation_lowered:
.L_overlay_start_0:
0x88: {  	s2 =	sld [smem:$0x3FD9]  }
0x89: {  	s3 =	sld [smem:$0x3FFE];
	_ =	sdelay $0x1  }
0x8a: {  	s1 =	srdreg.scid  }
0x8b: {  	s0 =	sand.u32 $0x1, s1  }
0x8c: {  	s16 =	sshll.u32 s0, $0xA;
	s2 =	sadd.s32 s3, s2  }
0x8d: {  	s2 =	sadd.s32 s2, s16  }
0x8e: {  	[smem:$0x3FBA] =	sst s2  }
0x8f: {  	_ = 	snop  }
0x90: {  	(tm) =	ssettm $0x1  }
0x91: {  	s17 =	sld [smem:$0x3FFB];
	_ =	sdelay $0x3  }
0x92: {  	_ =	strace s17  }
0x93: {  	s2 =	sld [smem:$0x3FFC];
	_ =	sdelay $0x3  }
0x94: {  	_ =	strace s2  }
0x95: {  	s2 =	sld [smem:$0x3FFD];
	_ =	sdelay $0x3  }
0x96: {  	_ =	strace s2  }
0x97: {  	_ =	strace $0x8FFFFFFF  }
0x98: {  	s18 =	sld [smem:$0x3FDB];
	_ =	sdelay $0x1  }
0x99: {  	s19 =	simm.s32 $_scs_section_size  }
0x9a: {  	s4 =	simm.s32 $_size__tile_overlayer_lowered;
	s5 =	simm.s32 $_tile_overlayer_lowered  }
0x9b: {  	s22 =	simm.s32 $0x1BFF;
	s21 =	sshll.u32 s5, $0x1;
	s2 =	sadd.s32 s19, s18  }
0x9c: {  	s6 =	simm.s32 $0x0;
	s20 =	sshll.u32 s4, $0x1;
	s4 =	sadd.s32 s21, s2  }
0x9d: {  	[timem:s6], [sflag:s22] =	dma.local [hbm:s4], s20  }
0x9e: {  	_ =	swait.ge [sflag:s22], s20  }
0x9f: {  	s3 =	ssub.s32 $0x0, s20;
	[sflag:s22] =	ssyncset.done $0x0  }
0xa0: {  	[sflag:s22] =	ssyncadd.s32 s3;
	_ =	sdelay $0x1  }
0xa1: {  	s23 =	simm.s32 $0x1B8B  }
0xa2: {  	_ =	swait.ge [sflag:s23], $0x1  }
0xa3: {  	[sflag:s23] =	ssyncset.done $0x0  }
0xa4: {  	s25 =	simm.s32 $0x1B8E;
	s24 =	sld [smem:$0x3FFE];
	[sflag:s23] =	ssyncadd.s32 $0xFFFFFFFF  }
0xa5: {  	s26 =	simm.s32 $execute0_lowered;
	[smem:$0x3FD2] =	sst s25  }
0xa6: {  	s4 =	sshll.u32 s26, $0x1;
	_ =	strace $0x80000046;
	[dreg:$0x1] =	wrdreg $0xFFFFFFFF  }
0xa7: {  	s28 =	simm.s32 $_size_execute0_lowered;
	s2 =	sadd.s32 s2, s4;
	[dreg:$0x0] =	wrdreg $0x0  }
0xa8: {  	s4 =	sshll.u32 s28, $0x1;
	[dreg:$0x2] =	wrdreg s2  }
0xa9: {  	[dreg:$0x3] =	wrdreg s4  }
0xaa: {  	[dreg:$0x4] =	wrdreg $0xC0  }
0xab: {  	_ =	task [dreg:s6], $0x5FFFF  }
0xac: {  	[dreg:$0x1] =	wrdreg $0xFFFFFFFF  }
0xad: {  	[dreg:$0x0] =	wrdreg $0x60  }
0xae: {  	[dreg:$0x2] =	wrdreg s24  }
0xaf: {  	[dreg:$0x3] =	wrdreg $0x9  }
0xb0: {  	_ =	task.clear_ibuf [dreg:s6], $0x4FFFF;
	_ =	strace $0x90000046  }
0xb1: {  	s29 =	simm.s32 $0x9;
	_ =	strace $0x80000048  }
0xb2: {  	_ =	swait.ge [sflag:s29], $0x1  }
0xb3: {  	[sflag:s29] =	ssyncadd.s32 $0xFFFFFFFF  }
0xb4: {  	_ =	strace $0x90000048  }
0xb5: {  	_ =	sfence  }
0xb6: {  	s30 =	sld [smem:$0x0];
	_ =	sdelay $0x2  }
0xb7: {  	s31 =	sshll.u32 s1, $0xD;
	s1 =	sshrl.u32 s1, $0x2  }
0xb8: {  	s3 =	sand.u32 $0x4000, s31;
	s1 =	sadd.s32 s1, s30  }
0xb9: {  	s0 =	sor.u32 s3, s0;
	s1 =	sshll.u32 s1, $0x11  }
0xba: {  	s0 =	sor.u32 s1, s0  }
0xbb: {  	s0 =	sadd.s32 $0x8F2B, s0  }
0xbc: {  	[sflag:s0] =	ssyncadd.remote.s32 $0x1  }
0xbd: {  	_ =	sfence.sel $0xFFFF  }
0xbe: {  	[dreg:$0x0] =	wrdreg $0xFFFFFFFF;
	(pc) =	sbr.abs _section_cstart, $3  }
0xbf: {  	[dreg:$0x1] =	wrdreg $0xFFFFFFFF  }
0xc0: {  	_ =	task.clear_ibuf [dreg:s6], $0x2FFFF;
	_ =	strace $0x9FFFFFFF  }
0xc1: {  	(tm) =	ssettm $0x7FFFFFFF  }
tec
execute0_lowered:
.L_overlay_start_1:
0x0: {  	(tag) =	ssettag $0x1  }
0x1: {  	s5 =	rddreg [dreg:$0x0];
	s2 =	srdreg.scid  }
0x2: {  	s1 =	stileid.u32;
	s0 =	rddreg [dreg:$0x1];
	s9 =	simm.s32 $0x2800  }
0x3: {  	s10 =	simm.s32 $0x1;
	s11 =	simm.s32 $0x2880;
	s12 =	simm.s32 $0x2  }
0x4: {  	s13 =	simm.s32 $0x80;
	s14 =	simm.s32 $0x400;
	s15 =	simm.s32 $0x3  }
0x5: {  	s16 =	simm.s32 $0x0;
	s3 =	sand.u32 $0x1, s2;
	s4 =	sshll.u32 s1, $0x1  }
0x6: {  	s2 =	simm.s32 $0x0;
	s6 =	sshrl.u32 s1, $0x2;
	s4 =	sor.u32 s3, s4  }
0x7: {  	[smem:$0x7FF] =	sst s2;
	s6 =	smul.u32 $0x14000, s6;
	s7 =	sshll.u32 s4, $0x7  }
0x8: {  	s30 =	ssub.s32 $0x2, s3;
	s3 =	smul.u32 $0x2800, s4;
	s7 =	sand.u32 $0x380, s7  }
0x9: {  	_ =	strace $0x80000047;
	s4 =	sadd.s32 $0x4200, s5;
	s6 =	sor.u32 s6, s7  }
0xa: {  	s8 =	sshrl.u32 s30, $0x1;
	s31 =	sshrl.u32 s3, $0x3;
	s6 =	sshrl.u32 s6, $0x3  }
0xb: {  	s7 =	ssub.s32 s30, s8;
	s6 =	sadd.s32 s6, s5;
	s5 =	sadd.s32 s4, s31  }
0xc: {  	v0 =	vimm.f32 $0.0e+00;
	v1 =	vimm.f32 $1.000000000e+00;
	s7 =	smax.u32 s7, $0x1;
	s6 =	sadd.s32 $0x18200, s6;
	s8 =	sadd.s32 $0x4F0, s5  }
.LBB2_1:
0xd: {  	s17 =	simm.s32 $0x40;
	s18 =	simm.s32 $0x0  }
.LBB2_2:
0xe: {  	p0 =	sne.s32 s17, $0x9FC0;
	[tilespmem:s18+$0x0] =	vst v0;
	s18 =	smov.u32 s17;
	s17 =	sadd.s32 $0x40, s17  }
.Ltmp0:
0xf: {  	(pc) =	sbr.rel @p0 .LBB2_2-.Ltmp0, $2  }
0x10: {  	_ =	sdelay $0x2  }
0x11: {  	s18 =	sshra.s32 s18, $0x2  }
0x12: {  	[tilespmem:s18+$0x0] =	vst v0;
	s17 =	simm.s32 $0x100  }
0x13: {  	[tilespmem:s9], [sflag:$0x1] =	stream.linear.gather [hbm4b:s5+s2], $0x80, $0x38;
	[tilespmem:$0x2900] =	vst v63  }
.LBB2_4:
0x14: {  	s18 =	sadd.s32 $0xFFFFFF00, s17  }
0x15: {  	s19 =	sand.u32 $0x3C00, s18  }
0x16: {  	s18 =	sand.u32 $0x300, s18;
	s19 =	sadd.s32 s3, s19  }
0x17: {  	s18 =	sor.u32 s19, s18  }
0x18: {  	_ =	swait.ge [sflag:s10], $0x80;
	s18 =	sor.u32 $0x80, s18  }
0x19: {  	[sflag:s10] =	ssyncset.done $0x0;
	s18 =	sshrl.u32 s18, $0x3  }
0x1a: {  	[sflag:s10] =	ssyncadd.s32 $0xFFFFFF80;
	s18 =	sadd.s32 s4, s18  }
0x1b: {  	[tilespmem:s11], [sflag:$0x2] =	stream.linear.gather [hbm4b:s18+s2], $0x80, $0x38;
	[tilespmem:$0x2900] =	vst v63  }
0x1c: {  	v2 =	vld [tilespmem:$0x2800];
	_ =	sdelay $0x7  }
0x1d: {  	[tilespmem:v2+s2+$0x0] =	vst.idx.add.f32.msk $0xffff, v1  }
0x1e: {  	v2 =	vld [tilespmem:$0x2810];
	_ =	sdelay $0x7  }
0x1f: {  	[tilespmem:v2+s2+$0x0] =	vst.idx.add.f32.msk $0xffff, v1  }
0x20: {  	v2 =	vld [tilespmem:$0x2820];
	_ =	sdelay $0x7  }
0x21: {  	[tilespmem:v2+s2+$0x0] =	vst.idx.add.f32.msk $0xffff, v1  }
0x22: {  	v2 =	vld [tilespmem:$0x2830];
	_ =	sdelay $0x7  }
0x23: {  	[tilespmem:v2+s2+$0x0] =	vst.idx.add.f32.msk $0xffff, v1  }
0x24: {  	v2 =	vld [tilespmem:$0x2840];
	_ =	sdelay $0x7  }
0x25: {  	[tilespmem:v2+s2+$0x0] =	vst.idx.add.f32.msk $0xffff, v1  }
0x26: {  	v2 =	vld [tilespmem:$0x2850];
	_ =	sdelay $0x7  }
0x27: {  	[tilespmem:v2+s2+$0x0] =	vst.idx.add.f32.msk $0xffff, v1  }
0x28: {  	v2 =	vld [tilespmem:$0x2860];
	_ =	sdelay $0x7  }
0x29: {  	[tilespmem:v2+s2+$0x0] =	vst.idx.add.f32.msk $0xffff, v1  }
0x2a: {  	v2 =	vld [tilespmem:$0x2870];
	_ =	sdelay $0x6  }
0x2b: {  	s30 =	sand.u32 $0x7C00, s17  }
0x2c: {  	s31 =	sand.u32 $0x300, s17;
	s18 =	sadd.s32 s3, s30;
	[tilespmem:v2+s2+$0x0] =	vst.idx.add.f32.msk $0xffff, v1  }
0x2d: {  	s18 =	sor.u32 s31, s18;
	_ =	swait.ge [sflag:s12], $0x80  }
0x2e: {  	s18 =	sshrl.u32 s18, $0x3;
	[sflag:s12] =	ssyncset.done $0x0  }
0x2f: {  	s18 =	sadd.s32 s4, s18;
	[sflag:s12] =	ssyncadd.s32 $0xFFFFFF80  }
0x30: {  	[tilespmem:s9], [sflag:$0x1] =	stream.linear.gather [hbm4b:s18+s2], $0x80, $0x38;
	[tilespmem:$0x2900] =	vst v63  }
0x31: {  	v2 =	vld [tilespmem:$0x2880];
	_ =	sdelay $0x7  }
0x32: {  	[tilespmem:v2+s2+$0x0] =	vst.idx.add.f32.msk $0xffff, v1  }
0x33: {  	v2 =	vld [tilespmem:$0x2890];
	_ =	sdelay $0x7  }
0x34: {  	[tilespmem:v2+s2+$0x0] =	vst.idx.add.f32.msk $0xffff, v1  }
0x35: {  	v2 =	vld [tilespmem:$0x28A0];
	_ =	sdelay $0x7  }
0x36: {  	[tilespmem:v2+s2+$0x0] =	vst.idx.add.f32.msk $0xffff, v1  }
0x37: {  	v2 =	vld [tilespmem:$0x28B0];
	_ =	sdelay $0x7  }
0x38: {  	[tilespmem:v2+s2+$0x0] =	vst.idx.add.f32.msk $0xffff, v1  }
0x39: {  	v2 =	vld [tilespmem:$0x28C0];
	_ =	sdelay $0x7  }
0x3a: {  	[tilespmem:v2+s2+$0x0] =	vst.idx.add.f32.msk $0xffff, v1  }
0x3b: {  	v2 =	vld [tilespmem:$0x28D0];
	_ =	sdelay $0x7  }
0x3c: {  	[tilespmem:v2+s2+$0x0] =	vst.idx.add.f32.msk $0xffff, v1  }
0x3d: {  	v2 =	vld [tilespmem:$0x28E0];
	_ =	sdelay $0x7  }
0x3e: {  	[tilespmem:v2+s2+$0x0] =	vst.idx.add.f32.msk $0xffff, v1  }
0x3f: {  	v2 =	vld [tilespmem:$0x28F0];
	_ =	sdelay $0x2  }
0x40: {  	p0 =	sne.s32 s17, $0x2700  }
.Ltmp1:
0x41: {  	_ = 	snop;
	(pc) =	sbr.rel @p0 .LBB2_4-.Ltmp1, $2  }
0x42: {  	_ =	sdelay $0x2  }
0x43: {  	s17 =	sadd.s32 $0x100, s17;
	[tilespmem:v2+s2+$0x0] =	vst.idx.add.f32.msk $0xffff, v1  }
0x44: {  	_ =	swait.ge [sflag:s10], $0x80  }
0x45: {  	[sflag:s10] =	ssyncset.done $0x0  }
0x46: {  	[sflag:s10] =	ssyncadd.s32 $0xFFFFFF80  }
0x47: {  	[tilespmem:s11], [sflag:$0x2] =	stream.linear.gather [hbm4b:s8+s2], $0x80, $0x38;
	[tilespmem:$0x2900] =	vst v63  }
0x48: {  	v2 =	vld [tilespmem:$0x2800];
	_ =	sdelay $0x7  }
0x49: {  	[tilespmem:v2+s2+$0x0] =	vst.idx.add.f32.msk $0xffff, v1  }
0x4a: {  	v2 =	vld [tilespmem:$0x2810];
	_ =	sdelay $0x7  }
0x4b: {  	[tilespmem:v2+s2+$0x0] =	vst.idx.add.f32.msk $0xffff, v1  }
0x4c: {  	v2 =	vld [tilespmem:$0x2820];
	_ =	sdelay $0x7  }
0x4d: {  	[tilespmem:v2+s2+$0x0] =	vst.idx.add.f32.msk $0xffff, v1  }
0x4e: {  	v2 =	vld [tilespmem:$0x2830];
	_ =	sdelay $0x7  }
0x4f: {  	[tilespmem:v2+s2+$0x0] =	vst.idx.add.f32.msk $0xffff, v1  }
0x50: {  	v2 =	vld [tilespmem:$0x2840];
	_ =	sdelay $0x7  }
0x51: {  	[tilespmem:v2+s2+$0x0] =	vst.idx.add.f32.msk $0xffff, v1  }
0x52: {  	v2 =	vld [tilespmem:$0x2850];
	_ =	sdelay $0x7  }
0x53: {  	[tilespmem:v2+s2+$0x0] =	vst.idx.add.f32.msk $0xffff, v1  }
0x54: {  	v2 =	vld [tilespmem:$0x2860];
	_ =	sdelay $0x7  }
0x55: {  	[tilespmem:v2+s2+$0x0] =	vst.idx.add.f32.msk $0xffff, v1  }
0x56: {  	v2 =	vld [tilespmem:$0x2870];
	_ =	sdelay $0x7  }
0x57: {  	[tilespmem:v2+s2+$0x0] =	vst.idx.add.f32.msk $0xffff, v1  }
0x58: {  	_ =	swait.ge [sflag:s12], $0x80  }
0x59: {  	[sflag:s12] =	ssyncset.done $0x0  }
0x5a: {  	[sflag:s12] =	ssyncadd.s32 $0xFFFFFF80  }
0x5b: {  	v2 =	vld [tilespmem:$0x2880];
	_ =	sdelay $0x7  }
0x5c: {  	[tilespmem:v2+s2+$0x0] =	vst.idx.add.f32.msk $0xffff, v1  }
0x5d: {  	v2 =	vld [tilespmem:$0x2890];
	_ =	sdelay $0x7  }
0x5e: {  	[tilespmem:v2+s2+$0x0] =	vst.idx.add.f32.msk $0xffff, v1  }
0x5f: {  	v2 =	vld [tilespmem:$0x28A0];
	_ =	sdelay $0x7  }
0x60: {  	[tilespmem:v2+s2+$0x0] =	vst.idx.add.f32.msk $0xffff, v1  }
0x61: {  	v2 =	vld [tilespmem:$0x28B0];
	_ =	sdelay $0x7  }
0x62: {  	[tilespmem:v2+s2+$0x0] =	vst.idx.add.f32.msk $0xffff, v1  }
0x63: {  	v2 =	vld [tilespmem:$0x28C0];
	_ =	sdelay $0x7  }
0x64: {  	[tilespmem:v2+s2+$0x0] =	vst.idx.add.f32.msk $0xffff, v1  }
0x65: {  	v2 =	vld [tilespmem:$0x28D0];
	_ =	sdelay $0x7  }
0x66: {  	[tilespmem:v2+s2+$0x0] =	vst.idx.add.f32.msk $0xffff, v1  }
0x67: {  	v2 =	vld [tilespmem:$0x28E0];
	_ =	sdelay $0x7  }
0x68: {  	[tilespmem:v2+s2+$0x0] =	vst.idx.add.f32.msk $0xffff, v1  }
0x69: {  	v2 =	vld [tilespmem:$0x28F0];
	_ =	sdelay $0x5  }
0x6a: {  	s16 =	sadd.s32 $0x1, s16  }
0x6b: {  	p0 =	sne.s32 s16, s7  }
.Ltmp2:
0x6c: {  	[tilespmem:v2+s2+$0x0] =	vst.idx.add.f32.msk $0xffff, v1;
	(pc) =	sbr.rel @p0 .LBB2_1-.Ltmp2, $4  }
0x6d: {  	[hbm4b:s6+s13] =	stream.strided.scatter [tilespmem:s2], [sflag:$0x3], $0x2800, s14, s13, $0x38;
	[tilespmem:$0x2900] =	vst v63  }
0x6e: {  	_ =	swait.ge [sflag:s15], $0x2800  }
0x6f: {  	[sflag:s15] =	ssyncset.done $0x0  }
0x70: {  	[sflag:s15] =	ssyncadd.s32 $0xFFFFD800  }
0x71: {  	_ =	sfence.sel $0x180000  }
0x72: {  	[bflag:$0x0] =	sbarrier.arrive $0xFFFF  }
0x73: {  	p0 =	sne.s32 s1, $0x0;
	_ =	strace $0x90000047  }
0x74: {  	s0 =	sadd.s32 @!p0 $0x100000, s0;
	[bflag:$0x2] =	sbarrier.arrive $0xFFFF  }
0x75: {  	[sflag:s0] =	ssyncadd.tile.s32 @!p0 $0x1;
	_ =	shalt  }
.Lfunc_end2:
_tile_overlayer_lowered:
.L_overlay_start_2:
0x76: {  	(tag) =	ssettag $0x2  }
0x77: {  	s0 =	rddreg [dreg:$0x0];
	s2 =	stileid.u32  }
0x78: {  	s1 =	rddreg [dreg:$0x1];
	p0 =	sne.s32 s2, $0x0  }
0x79: {  	s3 =	rddreg [dreg:$0x2];
	[bflag:$0x3] =	sbarrier.arrive $0xFFFF;
	s2 =	simm.s32 @!p0 $0x1C03  }
0x7a: {  	[timem:s3], [sflag:s2] =	dma.local @!p0 [hbm:s0], s1  }
0x7b: {  	s0 =	simm.s32 @!p0 $0x3  }
0x7c: {  	_ =	swait.ge @!p0 [sflag:s0], s1  }
0x7d: {  	s1 =	ssub.s32 @!p0 $0x0, s1;
	[sflag:s0] =	ssyncset.done @!p0 $0x0  }
0x7e: {  	[sflag:s0] =	ssyncadd.s32 @!p0 s1  }
0x7f: {  	[bflag:$0x3] =	sbarrier.arrive $0xFFFF  }
0x80: {  	_ =	shalt  }

</sc_bundles>
